<compile_context>
chip_gen: v7x
topology: tpu7x:2x2x1
jax: 0.10.2.dev20260603
libtpu: 0.0.44.dev20260713+nightly
codegen_flags: <defaults>
</compile_context>

<pallas_src>
import functools

import jax
import jax.numpy as jnp
from jax import lax
from jax.experimental import pallas as pl
from jax.experimental.pallas import tpu as pltpu
from jax.experimental.pallas import tpu_sc as plsc

D_MODEL = 1024
SCALE = 32.0
NC, NS = 2, 16
NW = NC * NS
LANES = 16
CH = 32
NBUF = 3
VECS = CH * D_MODEL // LANES


@functools.lru_cache(maxsize=None)
def _make_lookup(b_len: int, t_len: int, vocab: int):
    b_total = b_len * t_len
    b_per_w = b_total // NW
    nch = b_per_w // CH
    mesh = plsc.VectorSubcoreMesh(
        core_axis_name="c", subcore_axis_name="s",
        num_cores=NC, num_subcores=NS)

    @functools.partial(
        pl.kernel,
        out_type=jax.ShapeDtypeStruct((b_len * t_len, D_MODEL),
                                      jnp.float32),
        mesh=mesh,
        scratch_types=[
            pltpu.VMEM((b_per_w,), jnp.int32),
            [pltpu.VMEM((CH,), jnp.int32)] * NBUF,
            [pltpu.VMEM((CH, D_MODEL), jnp.float32)] * NBUF,
            [pltpu.SemaphoreType.DMA] * NBUF,
            [pltpu.SemaphoreType.DMA] * NBUF,
        ],
    )
    def lookup(x_hbm, tab_hbm, out_hbm, idx_v, idxr, bufs, gsems, osems):
        wid = lax.axis_index("s") * NC + lax.axis_index("c")
        base = wid * b_per_w
        pltpu.sync_copy(x_hbm.at[wid], idx_v)

        def stage_idx(g):
            for v in range(CH // LANES):
                idxr[g % NBUF][pl.ds(v * LANES, LANES)] = (
                    idx_v[pl.ds(g * CH + v * LANES, LANES)])

        look = NBUF - 1
        for g in range(min(look, nch)):
            stage_idx(g)
            pltpu.async_copy(tab_hbm.at[idxr[g % NBUF]], bufs[g % NBUF],
                             gsems[g % NBUF])
        for g in range(nch):
            b = g % NBUF
            buf = bufs[b]
            pltpu.make_async_copy(tab_hbm.at[idxr[b]], buf, gsems[b]).wait()
            nxt = g + look
            if nxt < nch:
                nb = nxt % NBUF
                if nxt >= NBUF:
                    pltpu.make_async_copy(
                        bufs[nb],
                        out_hbm.at[pl.ds(base + (nxt - NBUF) * CH, CH)],
                        osems[nb]).wait()
                stage_idx(nxt)
                pltpu.async_copy(tab_hbm.at[idxr[nb]], bufs[nb], gsems[nb])

            @plsc.parallel_loop(0, VECS, step=1, unroll=8)
            def _(i, buf=buf):
                sl = pl.ds((i & (D_MODEL // LANES - 1)) * LANES, LANES)
                r = i >> 6
                buf[r, sl] = buf[r, sl] * SCALE

            pltpu.async_copy(buf, out_hbm.at[pl.ds(base + g * CH, CH)],
                             osems[b])
        for g in range(max(nch - NBUF, 0), nch):
            b = g % NBUF
            pltpu.make_async_copy(bufs[b],
                                  out_hbm.at[pl.ds(base + g * CH, CH)],
                                  osems[b]).wait()

    return lookup


def kernel(x, token_emb):
    b, t = x.shape
    x2 = x.reshape(NW, (b * t) // NW).astype(jnp.int32)
    out = _make_lookup(b, t, token_emb.shape[0])(x2, token_emb)
    return out.reshape(b, t, D_MODEL)

# --- scband reference (transcript-rebuilt; emitter-appended) ---
"""Pipeline reference for scband-input-embeddings-56066503082753 (READ-ONLY COPY).

The authoritative reference and input builder live on the scoring server;
editing this copy changes nothing except your own understanding.
"""

import jax, jax.numpy as jnp
import numpy as np
import math

D_MODEL = 1024
VOCAB_SIZE = 100000

def setup_inputs(seed: int = 0) -> dict:
    key = jax.random.key(seed)
    k_idx, k_emb = jax.random.split(key)
    x = jax.random.randint(k_idx, (4, 4096), 0, VOCAB_SIZE, dtype=jnp.int64 if jax.config.jax_enable_x64 else jnp.int32)
    token_emb = jax.random.normal(k_emb, (VOCAB_SIZE, D_MODEL), dtype=jnp.float32)
    return {"x": x, "token_emb": token_emb}

def reference(x, token_emb):
    # nn.Embedding lookup: gather rows of the table by token id
    embeddings = jnp.take(token_emb, x, axis=0)  # (B, T, D)
    # scale by sqrt(d_model) as in "Attention Is All You Need" Sec 3.4
    return embeddings * math.sqrt(D_MODEL)

if __name__ == "__main__":
    import jax
    _d = setup_inputs()
    print(jax.jit(kernel)(*tuple(_d.values())))

</pallas_src>

<mosaic_0001>
#map = affine_map<(d0, d1) -> (0, 0)>
module attributes {stable_mosaic.version = 14 : i64} {
  func.func @lookup(%arg0: i32, %arg1: i32, %arg2: memref<32x512xi32, #tpu.memory_space<hbm>>, %arg3: memref<100000x1024xf32, #tpu.memory_space<hbm>>, %arg4: memref<16384x1024xf32, #tpu.memory_space<hbm>>, %arg5: memref<512xi32, #tpu.memory_space<vmem>>, %arg6: memref<32xi32, #tpu.memory_space<vmem>>, %arg7: memref<32xi32, #tpu.memory_space<vmem>>, %arg8: memref<32xi32, #tpu.memory_space<vmem>>, %arg9: memref<32x1024xf32, #tpu.memory_space<vmem>>, %arg10: memref<32x1024xf32, #tpu.memory_space<vmem>>, %arg11: memref<32x1024xf32, #tpu.memory_space<vmem>>, %arg12: memref<!tpu.dma_semaphore, #tpu.memory_space<semaphore_mem>>, %arg13: memref<!tpu.dma_semaphore, #tpu.memory_space<semaphore_mem>>, %arg14: memref<!tpu.dma_semaphore, #tpu.memory_space<semaphore_mem>>, %arg15: memref<!tpu.dma_semaphore, #tpu.memory_space<semaphore_mem>>, %arg16: memref<!tpu.dma_semaphore, #tpu.memory_space<semaphore_mem>>, %arg17: memref<!tpu.dma_semaphore, #tpu.memory_space<semaphore_mem>>) attributes {dimension_semantics = [#tpu.dimension_semantics<core_parallel>, #tpu.dimension_semantics<subcore_parallel>], iteration_bounds = array<i64: 2, 16>, scalar_prefetch = 0 : i64, scratch_operands = 13 : i64, tpu.core_type = #tpu.core_type<sc_vector_subcore>, window_params = [{transform_indices = #map}, {transform_indices = #map}, {transform_indices = #map}]} {
    %mul3A = arith.constant 2 : i32
    %mul3A_0 = arith.muli %arg1, %mul3A : i32
    %add3A = arith.addi %mul3A_0, %arg0 : i32
    %mul3A_1 = arith.constant 512 : i32
    %mul3A_2 = arith.muli %add3A, %mul3A_1 : i32
    "tpu.region"() ({
      %run_scoped3A = tpu.sem_alloc : memref<!tpu.dma_semaphore, #tpu.memory_space<semaphore_mem>>
      %dma_start3A_558 = arith.constant 0 : i32
      %dma_start3A_559 = tpu.memref_slice %arg2[%add3A, %dma_start3A_558] : memref<32x512xi32, #tpu.memory_space<hbm>> -> memref<1x512xi32, #tpu.memory_space<hbm>>
      %dma_start3A_560 = tpu.memref_squeeze %dma_start3A_559 : memref<1x512xi32, #tpu.memory_space<hbm>> -> memref<512xi32, #tpu.memory_space<hbm>>
      %dma_start3A_561 = arith.constant 0 : i32
      %dma_start3A_562 = tpu.memref_slice %arg2[%add3A, %dma_start3A_561] : memref<32x512xi32, #tpu.memory_space<hbm>> -> memref<1x512xi32, #tpu.memory_space<hbm>>
      %dma_start3A_563 = tpu.memref_squeeze %dma_start3A_562 : memref<1x512xi32, #tpu.memory_space<hbm>> -> memref<512xi32, #tpu.memory_space<hbm>>
      tpu.enqueue_dma source(%dma_start3A_563 : memref<512xi32, #tpu.memory_space<hbm>>) target(%arg5 : memref<512xi32, #tpu.memory_space<vmem>>) target_semaphore(%run_scoped3A : memref<!tpu.dma_semaphore, #tpu.memory_space<semaphore_mem>>)
      %dma_wait3A_564 = arith.constant 0 : i32
      %dma_wait3A_565 = tpu.memref_slice %arg2[%add3A, %dma_wait3A_564] : memref<32x512xi32, #tpu.memory_space<hbm>> -> memref<1x512xi32, #tpu.memory_space<hbm>>
      %dma_wait3A_566 = tpu.memref_squeeze %dma_wait3A_565 : memref<1x512xi32, #tpu.memory_space<hbm>> -> memref<512xi32, #tpu.memory_space<hbm>>
      %dma_wait3A_567 = arith.constant 0 : i32
      %dma_wait3A_568 = tpu.memref_slice %arg2[%add3A, %dma_wait3A_567] : memref<32x512xi32, #tpu.memory_space<hbm>> -> memref<1x512xi32, #tpu.memory_space<hbm>>
      %dma_wait3A_569 = tpu.memref_squeeze %dma_wait3A_568 : memref<1x512xi32, #tpu.memory_space<hbm>> -> memref<512xi32, #tpu.memory_space<hbm>>
      tpu.wait_dma2 semaphore(%run_scoped3A : memref<!tpu.dma_semaphore, #tpu.memory_space<semaphore_mem>>) src(%dma_wait3A_569 : memref<512xi32, #tpu.memory_space<hbm>>) dst(%arg5 : memref<512xi32, #tpu.memory_space<vmem>>)
      tpu.yield
    }) : () -> ()
    %get3A = arith.constant 0 : index
    %get3A_3 = tpu.vector_load %arg5[%get3A] {strides = array<i32>} : memref<512xi32, #tpu.memory_space<vmem>>, vector<16xi32>,
    %get3A_4 = vector.shape_cast %get3A_3 : vector<16xi32> to vector<16xi32>
    %swap3A = arith.constant 0 : index
    %swap3A_5 = tpu.vector_load %arg6[%swap3A] {strides = array<i32>} : memref<32xi32, #tpu.memory_space<vmem>>, vector<16xi32>,
    %swap3A_6 = vector.shape_cast %swap3A_5 : vector<16xi32> to vector<16xi32>
    %swap3A_7 = vector.shape_cast %get3A_4 : vector<16xi32> to vector<16xi32>
    tpu.vector_store %arg6[%swap3A], %swap3A_7 {strides = array<i32>} : memref<32xi32, #tpu.memory_space<vmem>>, vector<16xi32>,
    %get3A_8 = arith.constant 16 : index
    %get3A_9 = tpu.vector_load %arg5[%get3A_8] {strides = array<i32>} : memref<512xi32, #tpu.memory_space<vmem>>, vector<16xi32>,
    %get3A_10 = vector.shape_cast %get3A_9 : vector<16xi32> to vector<16xi32>
    %swap3A_11 = arith.constant 16 : index
    %swap3A_12 = tpu.vector_load %arg6[%swap3A_11] {strides = array<i32>} : memref<32xi32, #tpu.memory_space<vmem>>, vector<16xi32>,
    %swap3A_13 = vector.shape_cast %swap3A_12 : vector<16xi32> to vector<16xi32>
    %swap3A_14 = vector.shape_cast %get3A_10 : vector<16xi32> to vector<16xi32>
    tpu.vector_store %arg6[%swap3A_11], %swap3A_14 {strides = array<i32>} : memref<32xi32, #tpu.memory_space<vmem>>, vector<16xi32>,
    %dma_start3A = arith.constant 0 : i32
    %dma_start3A_15 = arith.constant 0 : i32
    %dma_start3A_16 = tpu.memref_slice %arg3[%dma_start3A, %dma_start3A_15] : memref<100000x1024xf32, #tpu.memory_space<hbm>> -> memref<100000x1024xf32, #tpu.memory_space<hbm>>
    tpu.enqueue_indirect_dma source(%dma_start3A_16 : memref<100000x1024xf32, #tpu.memory_space<hbm>>) target(%arg9 : memref<32x1024xf32, #tpu.memory_space<vmem>>) offsets(%arg6 : memref<32xi32, #tpu.memory_space<vmem>>) semaphore(%arg12 : memref<!tpu.dma_semaphore, #tpu.memory_space<semaphore_mem>>)
    %get3A_17 = arith.constant 32 : index
    %get3A_18 = tpu.vector_load %arg5[%get3A_17] {strides = array<i32>} : memref<512xi32, #tpu.memory_space<vmem>>, vector<16xi32>,
    %get3A_19 = vector.shape_cast %get3A_18 : vector<16xi32> to vector<16xi32>
    %swap3A_20 = arith.constant 0 : index
    %swap3A_21 = tpu.vector_load %arg7[%swap3A_20] {strides = array<i32>} : memref<32xi32, #tpu.memory_space<vmem>>, vector<16xi32>,
    %swap3A_22 = vector.shape_cast %swap3A_21 : vector<16xi32> to vector<16xi32>
    %swap3A_23 = vector.shape_cast %get3A_19 : vector<16xi32> to vector<16xi32>
    tpu.vector_store %arg7[%swap3A_20], %swap3A_23 {strides = array<i32>} : memref<32xi32, #tpu.memory_space<vmem>>, vector<16xi32>,
    %get3A_24 = arith.constant 48 : index
    %get3A_25 = tpu.vector_load %arg5[%get3A_24] {strides = array<i32>} : memref<512xi32, #tpu.memory_space<vmem>>, vector<16xi32>,
    %get3A_26 = vector.shape_cast %get3A_25 : vector<16xi32> to vector<16xi32>
    %swap3A_27 = arith.constant 16 : index
    %swap3A_28 = tpu.vector_load %arg7[%swap3A_27] {strides = array<i32>} : memref<32xi32, #tpu.memory_space<vmem>>, vector<16xi32>,
    %swap3A_29 = vector.shape_cast %swap3A_28 : vector<16xi32> to vector<16xi32>
    %swap3A_30 = vector.shape_cast %get3A_26 : vector<16xi32> to vector<16xi32>
    tpu.vector_store %arg7[%swap3A_27], %swap3A_30 {strides = array<i32>} : memref<32xi32, #tpu.memory_space<vmem>>, vector<16xi32>,
    %dma_start3A_31 = arith.constant 0 : i32
    %dma_start3A_32 = arith.constant 0 : i32
    %dma_start3A_33 = tpu.memref_slice %arg3[%dma_start3A_31, %dma_start3A_32] : memref<100000x1024xf32, #tpu.memory_space<hbm>> -> memref<100000x1024xf32, #tpu.memory_space<hbm>>
    tpu.enqueue_indirect_dma source(%dma_start3A_33 : memref<100000x1024xf32, #tpu.memory_space<hbm>>) target(%arg10 : memref<32x1024xf32, #tpu.memory_space<vmem>>) offsets(%arg7 : memref<32xi32, #tpu.memory_space<vmem>>) semaphore(%arg13 : memref<!tpu.dma_semaphore, #tpu.memory_space<semaphore_mem>>)
    %dma_wait3A = arith.constant 0 : i32
    %dma_wait3A_34 = arith.constant 0 : i32
    %dma_wait3A_35 = tpu.memref_slice %arg3[%dma_wait3A, %dma_wait3A_34] : memref<100000x1024xf32, #tpu.memory_space<hbm>> -> memref<100000x1024xf32, #tpu.memory_space<hbm>>
    tpu.wait_indirect_dma semaphore(%arg12 : memref<!tpu.dma_semaphore, #tpu.memory_space<semaphore_mem>>) src(%dma_wait3A_35 : memref<100000x1024xf32, #tpu.memory_space<hbm>>) dst(%arg9 : memref<32x1024xf32, #tpu.memory_space<vmem>>)
    %get3A_36 = arith.constant 64 : index
    %get3A_37 = tpu.vector_load %arg5[%get3A_36] {strides = array<i32>} : memref<512xi32, #tpu.memory_space<vmem>>, vector<16xi32>,
    %get3A_38 = vector.shape_cast %get3A_37 : vector<16xi32> to vector<16xi32>
    %swap3A_39 = arith.constant 0 : index
    %swap3A_40 = tpu.vector_load %arg8[%swap3A_39] {strides = array<i32>} : memref<32xi32, #tpu.memory_space<vmem>>, vector<16xi32>,
    %swap3A_41 = vector.shape_cast %swap3A_40 : vector<16xi32> to vector<16xi32>
    %swap3A_42 = vector.shape_cast %get3A_38 : vector<16xi32> to vector<16xi32>
    tpu.vector_store %arg8[%swap3A_39], %swap3A_42 {strides = array<i32>} : memref<32xi32, #tpu.memory_space<vmem>>, vector<16xi32>,
    %get3A_43 = arith.constant 80 : index
    %get3A_44 = tpu.vector_load %arg5[%get3A_43] {strides = array<i32>} : memref<512xi32, #tpu.memory_space<vmem>>, vector<16xi32>,
    %get3A_45 = vector.shape_cast %get3A_44 : vector<16xi32> to vector<16xi32>
    %swap3A_46 = arith.constant 16 : index
    %swap3A_47 = tpu.vector_load %arg8[%swap3A_46] {strides = array<i32>} : memref<32xi32, #tpu.memory_space<vmem>>, vector<16xi32>,
    %swap3A_48 = vector.shape_cast %swap3A_47 : vector<16xi32> to vector<16xi32>
    %swap3A_49 = vector.shape_cast %get3A_45 : vector<16xi32> to vector<16xi32>
    tpu.vector_store %arg8[%swap3A_46], %swap3A_49 {strides = array<i32>} : memref<32xi32, #tpu.memory_space<vmem>>, vector<16xi32>,
    %dma_start3A_50 = arith.constant 0 : i32
    %dma_start3A_51 = arith.constant 0 : i32
    %dma_start3A_52 = tpu.memref_slice %arg3[%dma_start3A_50, %dma_start3A_51] : memref<100000x1024xf32, #tpu.memory_space<hbm>> -> memref<100000x1024xf32, #tpu.memory_space<hbm>>
    tpu.enqueue_indirect_dma source(%dma_start3A_52 : memref<100000x1024xf32, #tpu.memory_space<hbm>>) target(%arg11 : memref<32x1024xf32, #tpu.memory_space<vmem>>) offsets(%arg8 : memref<32xi32, #tpu.memory_space<vmem>>) semaphore(%arg14 : memref<!tpu.dma_semaphore, #tpu.memory_space<semaphore_mem>>)
    %parallel_loop3A = arith.constant 0 : i32
    %parallel_loop3A_53 = arith.constant 2048 : i32
    %parallel_loop3A_54 = arith.constant 1 : i32
    scf.for %parallel_loop3A_558 = %parallel_loop3A to %parallel_loop3A_53 step %parallel_loop3A_54  : i32 {
      %parallel_loop3A_559 = arith.constant 63 : i32
      %parallel_loop3A_560 = arith.andi %parallel_loop3A_558, %parallel_loop3A_559 : i32
      %parallel_loop3A_561 = arith.constant 16 : i32
      %parallel_loop3A_562 = arith.muli %parallel_loop3A_560, %parallel_loop3A_561 : i32
      %parallel_loop3A_563 = arith.constant 6 : i32
      %parallel_loop3A_564 = arith.shrsi %parallel_loop3A_558, %parallel_loop3A_563 : i32
      %parallel_loop3A_565 = arith.index_cast %parallel_loop3A_564 : i32 to index
      %parallel_loop3A_566 = arith.index_cast %parallel_loop3A_562 : i32 to index
      %parallel_loop3A_567 = tpu.vector_load %arg9[%parallel_loop3A_565, %parallel_loop3A_566] {strides = array<i32>} : memref<32x1024xf32, #tpu.memory_space<vmem>>, vector<1x16xf32>,
      %parallel_loop3A_568 = vector.shape_cast %parallel_loop3A_567 : vector<1x16xf32> to vector<16xf32>
      %parallel_loop3A_569 = arith.constant 3.200000e+01 : f32
      %parallel_loop3A_570 = vector.broadcast %parallel_loop3A_569 : f32 to vector<16xf32>
      %parallel_loop3A_571 = arith.mulf %parallel_loop3A_568, %parallel_loop3A_570 : vector<16xf32>
      %parallel_loop3A_572 = arith.index_cast %parallel_loop3A_564 : i32 to index
      %parallel_loop3A_573 = arith.index_cast %parallel_loop3A_562 : i32 to index
      %parallel_loop3A_574 = tpu.vector_load %arg9[%parallel_loop3A_572, %parallel_loop3A_573] {strides = array<i32>} : memref<32x1024xf32, #tpu.memory_space<vmem>>, vector<1x16xf32>,
      %parallel_loop3A_575 = vector.shape_cast %parallel_loop3A_574 : vector<1x16xf32> to vector<16xf32>
      %parallel_loop3A_576 = vector.shape_cast %parallel_loop3A_571 : vector<16xf32> to vector<1x16xf32>
      tpu.vector_store %arg9[%parallel_loop3A_572, %parallel_loop3A_573], %parallel_loop3A_576 {strides = array<i32>} : memref<32x1024xf32, #tpu.memory_space<vmem>>, vector<1x16xf32>,
    } {sc.loop_unroll_factor = 8 : i64, sc.parallel_access}
    %add3A_55 = arith.constant 0 : i32
    %add3A_56 = arith.addi %mul3A_2, %add3A_55 : i32
    %dma_start3A_57 = arith.constant 0 : i32
    %dma_start3A_58 = tpu.memref_slice %arg4[%add3A_56, %dma_start3A_57] : memref<16384x1024xf32, #tpu.memory_space<hbm>> -> memref<32x1024xf32, #tpu.memory_space<hbm>>
    %dma_start3A_59 = arith.constant 0 : i32
    %dma_start3A_60 = tpu.memref_slice %arg4[%add3A_56, %dma_start3A_59] : memref<16384x1024xf32, #tpu.memory_space<hbm>> -> memref<32x1024xf32, #tpu.memory_space<hbm>>
    tpu.enqueue_dma source(%arg9 : memref<32x1024xf32, #tpu.memory_space<vmem>>) target(%dma_start3A_60 : memref<32x1024xf32, #tpu.memory_space<hbm>>) target_semaphore(%arg15 : memref<!tpu.dma_semaphore, #tpu.memory_space<semaphore_mem>>)
    %dma_wait3A_61 = arith.constant 0 : i32
    %dma_wait3A_62 = arith.constant 0 : i32
    %dma_wait3A_63 = tpu.memref_slice %arg3[%dma_wait3A_61, %dma_wait3A_62] : memref<100000x1024xf32, #tpu.memory_space<hbm>> -> memref<100000x1024xf32, #tpu.memory_space<hbm>>
    tpu.wait_indirect_dma semaphore(%arg13 : memref<!tpu.dma_semaphore, #tpu.memory_space<semaphore_mem>>) src(%dma_wait3A_63 : memref<100000x1024xf32, #tpu.memory_space<hbm>>) dst(%arg10 : memref<32x1024xf32, #tpu.memory_space<vmem>>)
    %add3A_64 = arith.constant 0 : i32
    %add3A_65 = arith.addi %mul3A_2, %add3A_64 : i32
    %dma_wait3A_66 = arith.constant 0 : i32
    %dma_wait3A_67 = tpu.memref_slice %arg4[%add3A_65, %dma_wait3A_66] : memref<16384x1024xf32, #tpu.memory_space<hbm>> -> memref<32x1024xf32, #tpu.memory_space<hbm>>
    %dma_wait3A_68 = arith.constant 0 : i32
    %dma_wait3A_69 = tpu.memref_slice %arg4[%add3A_65, %dma_wait3A_68] : memref<16384x1024xf32, #tpu.memory_space<hbm>> -> memref<32x1024xf32, #tpu.memory_space<hbm>>
    tpu.wait_dma2 semaphore(%arg15 : memref<!tpu.dma_semaphore, #tpu.memory_space<semaphore_mem>>) src(%arg9 : memref<32x1024xf32, #tpu.memory_space<vmem>>) dst(%dma_wait3A_69 : memref<32x1024xf32, #tpu.memory_space<hbm>>)
    %get3A_70 = arith.constant 96 : index
    %get3A_71 = tpu.vector_load %arg5[%get3A_70] {strides = array<i32>} : memref<512xi32, #tpu.memory_space<vmem>>, vector<16xi32>,
    %get3A_72 = vector.shape_cast %get3A_71 : vector<16xi32> to vector<16xi32>
    %swap3A_73 = arith.constant 0 : index
    %swap3A_74 = tpu.vector_load %arg6[%swap3A_73] {strides = array<i32>} : memref<32xi32, #tpu.memory_space<vmem>>, vector<16xi32>,
    %swap3A_75 = vector.shape_cast %swap3A_74 : vector<16xi32> to vector<16xi32>
    %swap3A_76 = vector.shape_cast %get3A_72 : vector<16xi32> to vector<16xi32>
    tpu.vector_store %arg6[%swap3A_73], %swap3A_76 {strides = array<i32>} : memref<32xi32, #tpu.memory_space<vmem>>, vector<16xi32>,
    %get3A_77 = arith.constant 112 : index
    %get3A_78 = tpu.vector_load %arg5[%get3A_77] {strides = array<i32>} : memref<512xi32, #tpu.memory_space<vmem>>, vector<16xi32>,
    %get3A_79 = vector.shape_cast %get3A_78 : vector<16xi32> to vector<16xi32>
    %swap3A_80 = arith.constant 16 : index
    %swap3A_81 = tpu.vector_load %arg6[%swap3A_80] {strides = array<i32>} : memref<32xi32, #tpu.memory_space<vmem>>, vector<16xi32>,
    %swap3A_82 = vector.shape_cast %swap3A_81 : vector<16xi32> to vector<16xi32>
    %swap3A_83 = vector.shape_cast %get3A_79 : vector<16xi32> to vector<16xi32>
    tpu.vector_store %arg6[%swap3A_80], %swap3A_83 {strides = array<i32>} : memref<32xi32, #tpu.memory_space<vmem>>, vector<16xi32>,
    %dma_start3A_84 = arith.constant 0 : i32
    %dma_start3A_85 = arith.constant 0 : i32
    %dma_start3A_86 = tpu.memref_slice %arg3[%dma_start3A_84, %dma_start3A_85] : memref<100000x1024xf32, #tpu.memory_space<hbm>> -> memref<100000x1024xf32, #tpu.memory_space<hbm>>
    tpu.enqueue_indirect_dma source(%dma_start3A_86 : memref<100000x1024xf32, #tpu.memory_space<hbm>>) target(%arg9 : memref<32x1024xf32, #tpu.memory_space<vmem>>) offsets(%arg6 : memref<32xi32, #tpu.memory_space<vmem>>) semaphore(%arg12 : memref<!tpu.dma_semaphore, #tpu.memory_space<semaphore_mem>>)
    %parallel_loop3A_87 = arith.constant 0 : i32
    %parallel_loop3A_88 = arith.constant 2048 : i32
    %parallel_loop3A_89 = arith.constant 1 : i32
    scf.for %parallel_loop3A_558 = %parallel_loop3A_87 to %parallel_loop3A_88 step %parallel_loop3A_89  : i32 {
      %parallel_loop3A_559 = arith.constant 63 : i32
      %parallel_loop3A_560 = arith.andi %parallel_loop3A_558, %parallel_loop3A_559 : i32
      %parallel_loop3A_561 = arith.constant 16 : i32
      %parallel_loop3A_562 = arith.muli %parallel_loop3A_560, %parallel_loop3A_561 : i32
      %parallel_loop3A_563 = arith.constant 6 : i32
      %parallel_loop3A_564 = arith.shrsi %parallel_loop3A_558, %parallel_loop3A_563 : i32
      %parallel_loop3A_565 = arith.index_cast %parallel_loop3A_564 : i32 to index
      %parallel_loop3A_566 = arith.index_cast %parallel_loop3A_562 : i32 to index
      %parallel_loop3A_567 = tpu.vector_load %arg10[%parallel_loop3A_565, %parallel_loop3A_566] {strides = array<i32>} : memref<32x1024xf32, #tpu.memory_space<vmem>>, vector<1x16xf32>,
      %parallel_loop3A_568 = vector.shape_cast %parallel_loop3A_567 : vector<1x16xf32> to vector<16xf32>
      %parallel_loop3A_569 = arith.constant 3.200000e+01 : f32
      %parallel_loop3A_570 = vector.broadcast %parallel_loop3A_569 : f32 to vector<16xf32>
      %parallel_loop3A_571 = arith.mulf %parallel_loop3A_568, %parallel_loop3A_570 : vector<16xf32>
      %parallel_loop3A_572 = arith.index_cast %parallel_loop3A_564 : i32 to index
      %parallel_loop3A_573 = arith.index_cast %parallel_loop3A_562 : i32 to index
      %parallel_loop3A_574 = tpu.vector_load %arg10[%parallel_loop3A_572, %parallel_loop3A_573] {strides = array<i32>} : memref<32x1024xf32, #tpu.memory_space<vmem>>, vector<1x16xf32>,
      %parallel_loop3A_575 = vector.shape_cast %parallel_loop3A_574 : vector<1x16xf32> to vector<16xf32>
      %parallel_loop3A_576 = vector.shape_cast %parallel_loop3A_571 : vector<16xf32> to vector<1x16xf32>
      tpu.vector_store %arg10[%parallel_loop3A_572, %parallel_loop3A_573], %parallel_loop3A_576 {strides = array<i32>} : memref<32x1024xf32, #tpu.memory_space<vmem>>, vector<1x16xf32>,
    } {sc.loop_unroll_factor = 8 : i64, sc.parallel_access}
    %add3A_90 = arith.constant 32 : i32
    %add3A_91 = arith.addi %mul3A_2, %add3A_90 : i32
    %dma_start3A_92 = arith.constant 0 : i32
    %dma_start3A_93 = tpu.memref_slice %arg4[%add3A_91, %dma_start3A_92] : memref<16384x1024xf32, #tpu.memory_space<hbm>> -> memref<32x1024xf32, #tpu.memory_space<hbm>>
    %dma_start3A_94 = arith.constant 0 : i32
    %dma_start3A_95 = tpu.memref_slice %arg4[%add3A_91, %dma_start3A_94] : memref<16384x1024xf32, #tpu.memory_space<hbm>> -> memref<32x1024xf32, #tpu.memory_space<hbm>>
    tpu.enqueue_dma source(%arg10 : memref<32x1024xf32, #tpu.memory_space<vmem>>) target(%dma_start3A_95 : memref<32x1024xf32, #tpu.memory_space<hbm>>) target_semaphore(%arg16 : memref<!tpu.dma_semaphore, #tpu.memory_space<semaphore_mem>>)
    %dma_wait3A_96 = arith.constant 0 : i32
    %dma_wait3A_97 = arith.constant 0 : i32
    %dma_wait3A_98 = tpu.memref_slice %arg3[%dma_wait3A_96, %dma_wait3A_97] : memref<100000x1024xf32, #tpu.memory_space<hbm>> -> memref<100000x1024xf32, #tpu.memory_space<hbm>>
    tpu.wait_indirect_dma semaphore(%arg14 : memref<!tpu.dma_semaphore, #tpu.memory_space<semaphore_mem>>) src(%dma_wait3A_98 : memref<100000x1024xf32, #tpu.memory_space<hbm>>) dst(%arg11 : memref<32x1024xf32, #tpu.memory_space<vmem>>)
    %add3A_99 = arith.constant 32 : i32
    %add3A_100 = arith.addi %mul3A_2, %add3A_99 : i32
    %dma_wait3A_101 = arith.constant 0 : i32
    %dma_wait3A_102 = tpu.memref_slice %arg4[%add3A_100, %dma_wait3A_101] : memref<16384x1024xf32, #tpu.memory_space<hbm>> -> memref<32x1024xf32, #tpu.memory_space<hbm>>
    %dma_wait3A_103 = arith.constant 0 : i32
    %dma_wait3A_104 = tpu.memref_slice %arg4[%add3A_100, %dma_wait3A_103] : memref<16384x1024xf32, #tpu.memory_space<hbm>> -> memref<32x1024xf32, #tpu.memory_space<hbm>>
    tpu.wait_dma2 semaphore(%arg16 : memref<!tpu.dma_semaphore, #tpu.memory_space<semaphore_mem>>) src(%arg10 : memref<32x1024xf32, #tpu.memory_space<vmem>>) dst(%dma_wait3A_104 : memref<32x1024xf32, #tpu.memory_space<hbm>>)
    %get3A_105 = arith.constant 128 : index
    %get3A_106 = tpu.vector_load %arg5[%get3A_105] {strides = array<i32>} : memref<512xi32, #tpu.memory_space<vmem>>, vector<16xi32>,
    %get3A_107 = vector.shape_cast %get3A_106 : vector<16xi32> to vector<16xi32>
    %swap3A_108 = arith.constant 0 : index
    %swap3A_109 = tpu.vector_load %arg7[%swap3A_108] {strides = array<i32>} : memref<32xi32, #tpu.memory_space<vmem>>, vector<16xi32>,
    %swap3A_110 = vector.shape_cast %swap3A_109 : vector<16xi32> to vector<16xi32>
    %swap3A_111 = vector.shape_cast %get3A_107 : vector<16xi32> to vector<16xi32>
    tpu.vector_store %arg7[%swap3A_108], %swap3A_111 {strides = array<i32>} : memref<32xi32, #tpu.memory_space<vmem>>, vector<16xi32>,
    %get3A_112 = arith.constant 144 : index
    %get3A_113 = tpu.vector_load %arg5[%get3A_112] {strides = array<i32>} : memref<512xi32, #tpu.memory_space<vmem>>, vector<16xi32>,
    %get3A_114 = vector.shape_cast %get3A_113 : vector<16xi32> to vector<16xi32>
    %swap3A_115 = arith.constant 16 : index
    %swap3A_116 = tpu.vector_load %arg7[%swap3A_115] {strides = array<i32>} : memref<32xi32, #tpu.memory_space<vmem>>, vector<16xi32>,
    %swap3A_117 = vector.shape_cast %swap3A_116 : vector<16xi32> to vector<16xi32>
    %swap3A_118 = vector.shape_cast %get3A_114 : vector<16xi32> to vector<16xi32>
    tpu.vector_store %arg7[%swap3A_115], %swap3A_118 {strides = array<i32>} : memref<32xi32, #tpu.memory_space<vmem>>, vector<16xi32>,
    %dma_start3A_119 = arith.constant 0 : i32
    %dma_start3A_120 = arith.constant 0 : i32
    %dma_start3A_121 = tpu.memref_slice %arg3[%dma_start3A_119, %dma_start3A_120] : memref<100000x1024xf32, #tpu.memory_space<hbm>> -> memref<100000x1024xf32, #tpu.memory_space<hbm>>
    tpu.enqueue_indirect_dma source(%dma_start3A_121 : memref<100000x1024xf32, #tpu.memory_space<hbm>>) target(%arg10 : memref<32x1024xf32, #tpu.memory_space<vmem>>) offsets(%arg7 : memref<32xi32, #tpu.memory_space<vmem>>) semaphore(%arg13 : memref<!tpu.dma_semaphore, #tpu.memory_space<semaphore_mem>>)
    %parallel_loop3A_122 = arith.constant 0 : i32
    %parallel_loop3A_123 = arith.constant 2048 : i32
    %parallel_loop3A_124 = arith.constant 1 : i32
    scf.for %parallel_loop3A_558 = %parallel_loop3A_122 to %parallel_loop3A_123 step %parallel_loop3A_124  : i32 {
      %parallel_loop3A_559 = arith.constant 63 : i32
      %parallel_loop3A_560 = arith.andi %parallel_loop3A_558, %parallel_loop3A_559 : i32
      %parallel_loop3A_561 = arith.constant 16 : i32
      %parallel_loop3A_562 = arith.muli %parallel_loop3A_560, %parallel_loop3A_561 : i32
      %parallel_loop3A_563 = arith.constant 6 : i32
      %parallel_loop3A_564 = arith.shrsi %parallel_loop3A_558, %parallel_loop3A_563 : i32
      %parallel_loop3A_565 = arith.index_cast %parallel_loop3A_564 : i32 to index
      %parallel_loop3A_566 = arith.index_cast %parallel_loop3A_562 : i32 to index
      %parallel_loop3A_567 = tpu.vector_load %arg11[%parallel_loop3A_565, %parallel_loop3A_566] {strides = array<i32>} : memref<32x1024xf32, #tpu.memory_space<vmem>>, vector<1x16xf32>,
      %parallel_loop3A_568 = vector.shape_cast %parallel_loop3A_567 : vector<1x16xf32> to vector<16xf32>
      %parallel_loop3A_569 = arith.constant 3.200000e+01 : f32
      %parallel_loop3A_570 = vector.broadcast %parallel_loop3A_569 : f32 to vector<16xf32>
      %parallel_loop3A_571 = arith.mulf %parallel_loop3A_568, %parallel_loop3A_570 : vector<16xf32>
      %parallel_loop3A_572 = arith.index_cast %parallel_loop3A_564 : i32 to index
      %parallel_loop3A_573 = arith.index_cast %parallel_loop3A_562 : i32 to index
      %parallel_loop3A_574 = tpu.vector_load %arg11[%parallel_loop3A_572, %parallel_loop3A_573] {strides = array<i32>} : memref<32x1024xf32, #tpu.memory_space<vmem>>, vector<1x16xf32>,
      %parallel_loop3A_575 = vector.shape_cast %parallel_loop3A_574 : vector<1x16xf32> to vector<16xf32>
      %parallel_loop3A_576 = vector.shape_cast %parallel_loop3A_571 : vector<16xf32> to vector<1x16xf32>
      tpu.vector_store %arg11[%parallel_loop3A_572, %parallel_loop3A_573], %parallel_loop3A_576 {strides = array<i32>} : memref<32x1024xf32, #tpu.memory_space<vmem>>, vector<1x16xf32>,
    } {sc.loop_unroll_factor = 8 : i64, sc.parallel_access}
    %add3A_125 = arith.constant 64 : i32
    %add3A_126 = arith.addi %mul3A_2, %add3A_125 : i32
    %dma_start3A_127 = arith.constant 0 : i32
    %dma_start3A_128 = tpu.memref_slice %arg4[%add3A_126, %dma_start3A_127] : memref<16384x1024xf32, #tpu.memory_space<hbm>> -> memref<32x1024xf32, #tpu.memory_space<hbm>>
    %dma_start3A_129 = arith.constant 0 : i32
    %dma_start3A_130 = tpu.memref_slice %arg4[%add3A_126, %dma_start3A_129] : memref<16384x1024xf32, #tpu.memory_space<hbm>> -> memref<32x1024xf32, #tpu.memory_space<hbm>>
    tpu.enqueue_dma source(%arg11 : memref<32x1024xf32, #tpu.memory_space<vmem>>) target(%dma_start3A_130 : memref<32x1024xf32, #tpu.memory_space<hbm>>) target_semaphore(%arg17 : memref<!tpu.dma_semaphore, #tpu.memory_space<semaphore_mem>>)
    %dma_wait3A_131 = arith.constant 0 : i32
    %dma_wait3A_132 = arith.constant 0 : i32
    %dma_wait3A_133 = tpu.memref_slice %arg3[%dma_wait3A_131, %dma_wait3A_132] : memref<100000x1024xf32, #tpu.memory_space<hbm>> -> memref<100000x1024xf32, #tpu.memory_space<hbm>>
    tpu.wait_indirect_dma semaphore(%arg12 : memref<!tpu.dma_semaphore, #tpu.memory_space<semaphore_mem>>) src(%dma_wait3A_133 : memref<100000x1024xf32, #tpu.memory_space<hbm>>) dst(%arg9 : memref<32x1024xf32, #tpu.memory_space<vmem>>)
    %add3A_134 = arith.constant 64 : i32
    %add3A_135 = arith.addi %mul3A_2, %add3A_134 : i32
    %dma_wait3A_136 = arith.constant 0 : i32
    %dma_wait3A_137 = tpu.memref_slice %arg4[%add3A_135, %dma_wait3A_136] : memref<16384x1024xf32, #tpu.memory_space<hbm>> -> memref<32x1024xf32, #tpu.memory_space<hbm>>
    %dma_wait3A_138 = arith.constant 0 : i32
    %dma_wait3A_139 = tpu.memref_slice %arg4[%add3A_135, %dma_wait3A_138] : memref<16384x1024xf32, #tpu.memory_space<hbm>> -> memref<32x1024xf32, #tpu.memory_space<hbm>>
    tpu.wait_dma2 semaphore(%arg17 : memref<!tpu.dma_semaphore, #tpu.memory_space<semaphore_mem>>) src(%arg11 : memref<32x1024xf32, #tpu.memory_space<vmem>>) dst(%dma_wait3A_139 : memref<32x1024xf32, #tpu.memory_space<hbm>>)
    %get3A_140 = arith.constant 160 : index
    %get3A_141 = tpu.vector_load %arg5[%get3A_140] {strides = array<i32>} : memref<512xi32, #tpu.memory_space<vmem>>, vector<16xi32>,
    %get3A_142 = vector.shape_cast %get3A_141 : vector<16xi32> to vector<16xi32>
    %swap3A_143 = arith.constant 0 : index
    %swap3A_144 = tpu.vector_load %arg8[%swap3A_143] {strides = array<i32>} : memref<32xi32, #tpu.memory_space<vmem>>, vector<16xi32>,
    %swap3A_145 = vector.shape_cast %swap3A_144 : vector<16xi32> to vector<16xi32>
    %swap3A_146 = vector.shape_cast %get3A_142 : vector<16xi32> to vector<16xi32>
    tpu.vector_store %arg8[%swap3A_143], %swap3A_146 {strides = array<i32>} : memref<32xi32, #tpu.memory_space<vmem>>, vector<16xi32>,
    %get3A_147 = arith.constant 176 : index
    %get3A_148 = tpu.vector_load %arg5[%get3A_147] {strides = array<i32>} : memref<512xi32, #tpu.memory_space<vmem>>, vector<16xi32>,
    %get3A_149 = vector.shape_cast %get3A_148 : vector<16xi32> to vector<16xi32>
    %swap3A_150 = arith.constant 16 : index
    %swap3A_151 = tpu.vector_load %arg8[%swap3A_150] {strides = array<i32>} : memref<32xi32, #tpu.memory_space<vmem>>, vector<16xi32>,
    %swap3A_152 = vector.shape_cast %swap3A_151 : vector<16xi32> to vector<16xi32>
    %swap3A_153 = vector.shape_cast %get3A_149 : vector<16xi32> to vector<16xi32>
    tpu.vector_store %arg8[%swap3A_150], %swap3A_153 {strides = array<i32>} : memref<32xi32, #tpu.memory_space<vmem>>, vector<16xi32>,
    %dma_start3A_154 = arith.constant 0 : i32
    %dma_start3A_155 = arith.constant 0 : i32
    %dma_start3A_156 = tpu.memref_slice %arg3[%dma_start3A_154, %dma_start3A_155] : memref<100000x1024xf32, #tpu.memory_space<hbm>> -> memref<100000x1024xf32, #tpu.memory_space<hbm>>
    tpu.enqueue_indirect_dma source(%dma_start3A_156 : memref<100000x1024xf32, #tpu.memory_space<hbm>>) target(%arg11 : memref<32x1024xf32, #tpu.memory_space<vmem>>) offsets(%arg8 : memref<32xi32, #tpu.memory_space<vmem>>) semaphore(%arg14 : memref<!tpu.dma_semaphore, #tpu.memory_space<semaphore_mem>>)
    %parallel_loop3A_157 = arith.constant 0 : i32
    %parallel_loop3A_158 = arith.constant 2048 : i32
    %parallel_loop3A_159 = arith.constant 1 : i32
    scf.for %parallel_loop3A_558 = %parallel_loop3A_157 to %parallel_loop3A_158 step %parallel_loop3A_159  : i32 {
      %parallel_loop3A_559 = arith.constant 63 : i32
      %parallel_loop3A_560 = arith.andi %parallel_loop3A_558, %parallel_loop3A_559 : i32
      %parallel_loop3A_561 = arith.constant 16 : i32
      %parallel_loop3A_562 = arith.muli %parallel_loop3A_560, %parallel_loop3A_561 : i32
      %parallel_loop3A_563 = arith.constant 6 : i32
      %parallel_loop3A_564 = arith.shrsi %parallel_loop3A_558, %parallel_loop3A_563 : i32
      %parallel_loop3A_565 = arith.index_cast %parallel_loop3A_564 : i32 to index
      %parallel_loop3A_566 = arith.index_cast %parallel_loop3A_562 : i32 to index
      %parallel_loop3A_567 = tpu.vector_load %arg9[%parallel_loop3A_565, %parallel_loop3A_566] {strides = array<i32>} : memref<32x1024xf32, #tpu.memory_space<vmem>>, vector<1x16xf32>,
      %parallel_loop3A_568 = vector.shape_cast %parallel_loop3A_567 : vector<1x16xf32> to vector<16xf32>
      %parallel_loop3A_569 = arith.constant 3.200000e+01 : f32
      %parallel_loop3A_570 = vector.broadcast %parallel_loop3A_569 : f32 to vector<16xf32>
      %parallel_loop3A_571 = arith.mulf %parallel_loop3A_568, %parallel_loop3A_570 : vector<16xf32>
      %parallel_loop3A_572 = arith.index_cast %parallel_loop3A_564 : i32 to index
      %parallel_loop3A_573 = arith.index_cast %parallel_loop3A_562 : i32 to index
      %parallel_loop3A_574 = tpu.vector_load %arg9[%parallel_loop3A_572, %parallel_loop3A_573] {strides = array<i32>} : memref<32x1024xf32, #tpu.memory_space<vmem>>, vector<1x16xf32>,
      %parallel_loop3A_575 = vector.shape_cast %parallel_loop3A_574 : vector<1x16xf32> to vector<16xf32>
      %parallel_loop3A_576 = vector.shape_cast %parallel_loop3A_571 : vector<16xf32> to vector<1x16xf32>
      tpu.vector_store %arg9[%parallel_loop3A_572, %parallel_loop3A_573], %parallel_loop3A_576 {strides = array<i32>} : memref<32x1024xf32, #tpu.memory_space<vmem>>, vector<1x16xf32>,
    } {sc.loop_unroll_factor = 8 : i64, sc.parallel_access}
    %add3A_160 = arith.constant 96 : i32
    %add3A_161 = arith.addi %mul3A_2, %add3A_160 : i32
    %dma_start3A_162 = arith.constant 0 : i32
    %dma_start3A_163 = tpu.memref_slice %arg4[%add3A_161, %dma_start3A_162] : memref<16384x1024xf32, #tpu.memory_space<hbm>> -> memref<32x1024xf32, #tpu.memory_space<hbm>>
    %dma_start3A_164 = arith.constant 0 : i32
    %dma_start3A_165 = tpu.memref_slice %arg4[%add3A_161, %dma_start3A_164] : memref<16384x1024xf32, #tpu.memory_space<hbm>> -> memref<32x1024xf32, #tpu.memory_space<hbm>>
    tpu.enqueue_dma source(%arg9 : memref<32x1024xf32, #tpu.memory_space<vmem>>) target(%dma_start3A_165 : memref<32x1024xf32, #tpu.memory_space<hbm>>) target_semaphore(%arg15 : memref<!tpu.dma_semaphore, #tpu.memory_space<semaphore_mem>>)
    %dma_wait3A_166 = arith.constant 0 : i32
    %dma_wait3A_167 = arith.constant 0 : i32
    %dma_wait3A_168 = tpu.memref_slice %arg3[%dma_wait3A_166, %dma_wait3A_167] : memref<100000x1024xf32, #tpu.memory_space<hbm>> -> memref<100000x1024xf32, #tpu.memory_space<hbm>>
    tpu.wait_indirect_dma semaphore(%arg13 : memref<!tpu.dma_semaphore, #tpu.memory_space<semaphore_mem>>) src(%dma_wait3A_168 : memref<100000x1024xf32, #tpu.memory_space<hbm>>) dst(%arg10 : memref<32x1024xf32, #tpu.memory_space<vmem>>)
    %add3A_169 = arith.constant 96 : i32
    %add3A_170 = arith.addi %mul3A_2, %add3A_169 : i32
    %dma_wait3A_171 = arith.constant 0 : i32
    %dma_wait3A_172 = tpu.memref_slice %arg4[%add3A_170, %dma_wait3A_171] : memref<16384x1024xf32, #tpu.memory_space<hbm>> -> memref<32x1024xf32, #tpu.memory_space<hbm>>
    %dma_wait3A_173 = arith.constant 0 : i32
    %dma_wait3A_174 = tpu.memref_slice %arg4[%add3A_170, %dma_wait3A_173] : memref<16384x1024xf32, #tpu.memory_space<hbm>> -> memref<32x1024xf32, #tpu.memory_space<hbm>>
    tpu.wait_dma2 semaphore(%arg15 : memref<!tpu.dma_semaphore, #tpu.memory_space<semaphore_mem>>) src(%arg9 : memref<32x1024xf32, #tpu.memory_space<vmem>>) dst(%dma_wait3A_174 : memref<32x1024xf32, #tpu.memory_space<hbm>>)
    %get3A_175 = arith.constant 192 : index
    %get3A_176 = tpu.vector_load %arg5[%get3A_175] {strides = array<i32>} : memref<512xi32, #tpu.memory_space<vmem>>, vector<16xi32>,
    %get3A_177 = vector.shape_cast %get3A_176 : vector<16xi32> to vector<16xi32>
    %swap3A_178 = arith.constant 0 : index
    %swap3A_179 = tpu.vector_load %arg6[%swap3A_178] {strides = array<i32>} : memref<32xi32, #tpu.memory_space<vmem>>, vector<16xi32>,
    %swap3A_180 = vector.shape_cast %swap3A_179 : vector<16xi32> to vector<16xi32>
    %swap3A_181 = vector.shape_cast %get3A_177 : vector<16xi32> to vector<16xi32>
    tpu.vector_store %arg6[%swap3A_178], %swap3A_181 {strides = array<i32>} : memref<32xi32, #tpu.memory_space<vmem>>, vector<16xi32>,
    %get3A_182 = arith.constant 208 : index
    %get3A_183 = tpu.vector_load %arg5[%get3A_182] {strides = array<i32>} : memref<512xi32, #tpu.memory_space<vmem>>, vector<16xi32>,
    %get3A_184 = vector.shape_cast %get3A_183 : vector<16xi32> to vector<16xi32>
    %swap3A_185 = arith.constant 16 : index
    %swap3A_186 = tpu.vector_load %arg6[%swap3A_185] {strides = array<i32>} : memref<32xi32, #tpu.memory_space<vmem>>, vector<16xi32>,
    %swap3A_187 = vector.shape_cast %swap3A_186 : vector<16xi32> to vector<16xi32>
    %swap3A_188 = vector.shape_cast %get3A_184 : vector<16xi32> to vector<16xi32>
    tpu.vector_store %arg6[%swap3A_185], %swap3A_188 {strides = array<i32>} : memref<32xi32, #tpu.memory_space<vmem>>, vector<16xi32>,
    %dma_start3A_189 = arith.constant 0 : i32
    %dma_start3A_190 = arith.constant 0 : i32
    %dma_start3A_191 = tpu.memref_slice %arg3[%dma_start3A_189, %dma_start3A_190] : memref<100000x1024xf32, #tpu.memory_space<hbm>> -> memref<100000x1024xf32, #tpu.memory_space<hbm>>
    tpu.enqueue_indirect_dma source(%dma_start3A_191 : memref<100000x1024xf32, #tpu.memory_space<hbm>>) target(%arg9 : memref<32x1024xf32, #tpu.memory_space<vmem>>) offsets(%arg6 : memref<32xi32, #tpu.memory_space<vmem>>) semaphore(%arg12 : memref<!tpu.dma_semaphore, #tpu.memory_space<semaphore_mem>>)
    %parallel_loop3A_192 = arith.constant 0 : i32
    %parallel_loop3A_193 = arith.constant 2048 : i32
    %parallel_loop3A_194 = arith.constant 1 : i32
    scf.for %parallel_loop3A_558 = %parallel_loop3A_192 to %parallel_loop3A_193 step %parallel_loop3A_194  : i32 {
      %parallel_loop3A_559 = arith.constant 63 : i32
      %parallel_loop3A_560 = arith.andi %parallel_loop3A_558, %parallel_loop3A_559 : i32
      %parallel_loop3A_561 = arith.constant 16 : i32
      %parallel_loop3A_562 = arith.muli %parallel_loop3A_560, %parallel_loop3A_561 : i32
      %parallel_loop3A_563 = arith.constant 6 : i32
      %parallel_loop3A_564 = arith.shrsi %parallel_loop3A_558, %parallel_loop3A_563 : i32
      %parallel_loop3A_565 = arith.index_cast %parallel_loop3A_564 : i32 to index
      %parallel_loop3A_566 = arith.index_cast %parallel_loop3A_562 : i32 to index
      %parallel_loop3A_567 = tpu.vector_load %arg10[%parallel_loop3A_565, %parallel_loop3A_566] {strides = array<i32>} : memref<32x1024xf32, #tpu.memory_space<vmem>>, vector<1x16xf32>,
      %parallel_loop3A_568 = vector.shape_cast %parallel_loop3A_567 : vector<1x16xf32> to vector<16xf32>
      %parallel_loop3A_569 = arith.constant 3.200000e+01 : f32
      %parallel_loop3A_570 = vector.broadcast %parallel_loop3A_569 : f32 to vector<16xf32>
      %parallel_loop3A_571 = arith.mulf %parallel_loop3A_568, %parallel_loop3A_570 : vector<16xf32>
      %parallel_loop3A_572 = arith.index_cast %parallel_loop3A_564 : i32 to index
      %parallel_loop3A_573 = arith.index_cast %parallel_loop3A_562 : i32 to index
      %parallel_loop3A_574 = tpu.vector_load %arg10[%parallel_loop3A_572, %parallel_loop3A_573] {strides = array<i32>} : memref<32x1024xf32, #tpu.memory_space<vmem>>, vector<1x16xf32>,
      %parallel_loop3A_575 = vector.shape_cast %parallel_loop3A_574 : vector<1x16xf32> to vector<16xf32>
      %parallel_loop3A_576 = vector.shape_cast %parallel_loop3A_571 : vector<16xf32> to vector<1x16xf32>
      tpu.vector_store %arg10[%parallel_loop3A_572, %parallel_loop3A_573], %parallel_loop3A_576 {strides = array<i32>} : memref<32x1024xf32, #tpu.memory_space<vmem>>, vector<1x16xf32>,
    } {sc.loop_unroll_factor = 8 : i64, sc.parallel_access}
    %add3A_195 = arith.constant 128 : i32
    %add3A_196 = arith.addi %mul3A_2, %add3A_195 : i32
    %dma_start3A_197 = arith.constant 0 : i32
    %dma_start3A_198 = tpu.memref_slice %arg4[%add3A_196, %dma_start3A_197] : memref<16384x1024xf32, #tpu.memory_space<hbm>> -> memref<32x1024xf32, #tpu.memory_space<hbm>>
    %dma_start3A_199 = arith.constant 0 : i32
    %dma_start3A_200 = tpu.memref_slice %arg4[%add3A_196, %dma_start3A_199] : memref<16384x1024xf32, #tpu.memory_space<hbm>> -> memref<32x1024xf32, #tpu.memory_space<hbm>>
    tpu.enqueue_dma source(%arg10 : memref<32x1024xf32, #tpu.memory_space<vmem>>) target(%dma_start3A_200 : memref<32x1024xf32, #tpu.memory_space<hbm>>) target_semaphore(%arg16 : memref<!tpu.dma_semaphore, #tpu.memory_space<semaphore_mem>>)
    %dma_wait3A_201 = arith.constant 0 : i32
    %dma_wait3A_202 = arith.constant 0 : i32
    %dma_wait3A_203 = tpu.memref_slice %arg3[%dma_wait3A_201, %dma_wait3A_202] : memref<100000x1024xf32, #tpu.memory_space<hbm>> -> memref<100000x1024xf32, #tpu.memory_space<hbm>>
    tpu.wait_indirect_dma semaphore(%arg14 : memref<!tpu.dma_semaphore, #tpu.memory_space<semaphore_mem>>) src(%dma_wait3A_203 : memref<100000x1024xf32, #tpu.memory_space<hbm>>) dst(%arg11 : memref<32x1024xf32, #tpu.memory_space<vmem>>)
    %add3A_204 = arith.constant 128 : i32
    %add3A_205 = arith.addi %mul3A_2, %add3A_204 : i32
    %dma_wait3A_206 = arith.constant 0 : i32
    %dma_wait3A_207 = tpu.memref_slice %arg4[%add3A_205, %dma_wait3A_206] : memref<16384x1024xf32, #tpu.memory_space<hbm>> -> memref<32x1024xf32, #tpu.memory_space<hbm>>
    %dma_wait3A_208 = arith.constant 0 : i32
    %dma_wait3A_209 = tpu.memref_slice %arg4[%add3A_205, %dma_wait3A_208] : memref<16384x1024xf32, #tpu.memory_space<hbm>> -> memref<32x1024xf32, #tpu.memory_space<hbm>>
    tpu.wait_dma2 semaphore(%arg16 : memref<!tpu.dma_semaphore, #tpu.memory_space<semaphore_mem>>) src(%arg10 : memref<32x1024xf32, #tpu.memory_space<vmem>>) dst(%dma_wait3A_209 : memref<32x1024xf32, #tpu.memory_space<hbm>>)
    %get3A_210 = arith.constant 224 : index
    %get3A_211 = tpu.vector_load %arg5[%get3A_210] {strides = array<i32>} : memref<512xi32, #tpu.memory_space<vmem>>, vector<16xi32>,
    %get3A_212 = vector.shape_cast %get3A_211 : vector<16xi32> to vector<16xi32>
    %swap3A_213 = arith.constant 0 : index
    %swap3A_214 = tpu.vector_load %arg7[%swap3A_213] {strides = array<i32>} : memref<32xi32, #tpu.memory_space<vmem>>, vector<16xi32>,
    %swap3A_215 = vector.shape_cast %swap3A_214 : vector<16xi32> to vector<16xi32>
    %swap3A_216 = vector.shape_cast %get3A_212 : vector<16xi32> to vector<16xi32>
    tpu.vector_store %arg7[%swap3A_213], %swap3A_216 {strides = array<i32>} : memref<32xi32, #tpu.memory_space<vmem>>, vector<16xi32>,
    %get3A_217 = arith.constant 240 : index
    %get3A_218 = tpu.vector_load %arg5[%get3A_217] {strides = array<i32>} : memref<512xi32, #tpu.memory_space<vmem>>, vector<16xi32>,
    %get3A_219 = vector.shape_cast %get3A_218 : vector<16xi32> to vector<16xi32>
    %swap3A_220 = arith.constant 16 : index
    %swap3A_221 = tpu.vector_load %arg7[%swap3A_220] {strides = array<i32>} : memref<32xi32, #tpu.memory_space<vmem>>, vector<16xi32>,
    %swap3A_222 = vector.shape_cast %swap3A_221 : vector<16xi32> to vector<16xi32>
    %swap3A_223 = vector.shape_cast %get3A_219 : vector<16xi32> to vector<16xi32>
    tpu.vector_store %arg7[%swap3A_220], %swap3A_223 {strides = array<i32>} : memref<32xi32, #tpu.memory_space<vmem>>, vector<16xi32>,
    %dma_start3A_224 = arith.constant 0 : i32
    %dma_start3A_225 = arith.constant 0 : i32
    %dma_start3A_226 = tpu.memref_slice %arg3[%dma_start3A_224, %dma_start3A_225] : memref<100000x1024xf32, #tpu.memory_space<hbm>> -> memref<100000x1024xf32, #tpu.memory_space<hbm>>
    tpu.enqueue_indirect_dma source(%dma_start3A_226 : memref<100000x1024xf32, #tpu.memory_space<hbm>>) target(%arg10 : memref<32x1024xf32, #tpu.memory_space<vmem>>) offsets(%arg7 : memref<32xi32, #tpu.memory_space<vmem>>) semaphore(%arg13 : memref<!tpu.dma_semaphore, #tpu.memory_space<semaphore_mem>>)
    %parallel_loop3A_227 = arith.constant 0 : i32
    %parallel_loop3A_228 = arith.constant 2048 : i32
    %parallel_loop3A_229 = arith.constant 1 : i32
    scf.for %parallel_loop3A_558 = %parallel_loop3A_227 to %parallel_loop3A_228 step %parallel_loop3A_229  : i32 {
      %parallel_loop3A_559 = arith.constant 63 : i32
      %parallel_loop3A_560 = arith.andi %parallel_loop3A_558, %parallel_loop3A_559 : i32
      %parallel_loop3A_561 = arith.constant 16 : i32
      %parallel_loop3A_562 = arith.muli %parallel_loop3A_560, %parallel_loop3A_561 : i32
      %parallel_loop3A_563 = arith.constant 6 : i32
      %parallel_loop3A_564 = arith.shrsi %parallel_loop3A_558, %parallel_loop3A_563 : i32
      %parallel_loop3A_565 = arith.index_cast %parallel_loop3A_564 : i32 to index
      %parallel_loop3A_566 = arith.index_cast %parallel_loop3A_562 : i32 to index
      %parallel_loop3A_567 = tpu.vector_load %arg11[%parallel_loop3A_565, %parallel_loop3A_566] {strides = array<i32>} : memref<32x1024xf32, #tpu.memory_space<vmem>>, vector<1x16xf32>,
      %parallel_loop3A_568 = vector.shape_cast %parallel_loop3A_567 : vector<1x16xf32> to vector<16xf32>
      %parallel_loop3A_569 = arith.constant 3.200000e+01 : f32
      %parallel_loop3A_570 = vector.broadcast %parallel_loop3A_569 : f32 to vector<16xf32>
      %parallel_loop3A_571 = arith.mulf %parallel_loop3A_568, %parallel_loop3A_570 : vector<16xf32>
      %parallel_loop3A_572 = arith.index_cast %parallel_loop3A_564 : i32 to index
      %parallel_loop3A_573 = arith.index_cast %parallel_loop3A_562 : i32 to index
      %parallel_loop3A_574 = tpu.vector_load %arg11[%parallel_loop3A_572, %parallel_loop3A_573] {strides = array<i32>} : memref<32x1024xf32, #tpu.memory_space<vmem>>, vector<1x16xf32>,
      %parallel_loop3A_575 = vector.shape_cast %parallel_loop3A_574 : vector<1x16xf32> to vector<16xf32>
      %parallel_loop3A_576 = vector.shape_cast %parallel_loop3A_571 : vector<16xf32> to vector<1x16xf32>
      tpu.vector_store %arg11[%parallel_loop3A_572, %parallel_loop3A_573], %parallel_loop3A_576 {strides = array<i32>} : memref<32x1024xf32, #tpu.memory_space<vmem>>, vector<1x16xf32>,
    } {sc.loop_unroll_factor = 8 : i64, sc.parallel_access}
    %add3A_230 = arith.constant 160 : i32
    %add3A_231 = arith.addi %mul3A_2, %add3A_230 : i32
    %dma_start3A_232 = arith.constant 0 : i32
    %dma_start3A_233 = tpu.memref_slice %arg4[%add3A_231, %dma_start3A_232] : memref<16384x1024xf32, #tpu.memory_space<hbm>> -> memref<32x1024xf32, #tpu.memory_space<hbm>>
    %dma_start3A_234 = arith.constant 0 : i32
    %dma_start3A_235 = tpu.memref_slice %arg4[%add3A_231, %dma_start3A_234] : memref<16384x1024xf32, #tpu.memory_space<hbm>> -> memref<32x1024xf32, #tpu.memory_space<hbm>>
    tpu.enqueue_dma source(%arg11 : memref<32x1024xf32, #tpu.memory_space<vmem>>) target(%dma_start3A_235 : memref<32x1024xf32, #tpu.memory_space<hbm>>) target_semaphore(%arg17 : memref<!tpu.dma_semaphore, #tpu.memory_space<semaphore_mem>>)
    %dma_wait3A_236 = arith.constant 0 : i32
    %dma_wait3A_237 = arith.constant 0 : i32
    %dma_wait3A_238 = tpu.memref_slice %arg3[%dma_wait3A_236, %dma_wait3A_237] : memref<100000x1024xf32, #tpu.memory_space<hbm>> -> memref<100000x1024xf32, #tpu.memory_space<hbm>>
    tpu.wait_indirect_dma semaphore(%arg12 : memref<!tpu.dma_semaphore, #tpu.memory_space<semaphore_mem>>) src(%dma_wait3A_238 : memref<100000x1024xf32, #tpu.memory_space<hbm>>) dst(%arg9 : memref<32x1024xf32, #tpu.memory_space<vmem>>)
    %add3A_239 = arith.constant 160 : i32
    %add3A_240 = arith.addi %mul3A_2, %add3A_239 : i32
    %dma_wait3A_241 = arith.constant 0 : i32
    %dma_wait3A_242 = tpu.memref_slice %arg4[%add3A_240, %dma_wait3A_241] : memref<16384x1024xf32, #tpu.memory_space<hbm>> -> memref<32x1024xf32, #tpu.memory_space<hbm>>
    %dma_wait3A_243 = arith.constant 0 : i32
    %dma_wait3A_244 = tpu.memref_slice %arg4[%add3A_240, %dma_wait3A_243] : memref<16384x1024xf32, #tpu.memory_space<hbm>> -> memref<32x1024xf32, #tpu.memory_space<hbm>>
    tpu.wait_dma2 semaphore(%arg17 : memref<!tpu.dma_semaphore, #tpu.memory_space<semaphore_mem>>) src(%arg11 : memref<32x1024xf32, #tpu.memory_space<vmem>>) dst(%dma_wait3A_244 : memref<32x1024xf32, #tpu.memory_space<hbm>>)
    %get3A_245 = arith.constant 256 : index
    %get3A_246 = tpu.vector_load %arg5[%get3A_245] {strides = array<i32>} : memref<512xi32, #tpu.memory_space<vmem>>, vector<16xi32>,
    %get3A_247 = vector.shape_cast %get3A_246 : vector<16xi32> to vector<16xi32>
    %swap3A_248 = arith.constant 0 : index
    %swap3A_249 = tpu.vector_load %arg8[%swap3A_248] {strides = array<i32>} : memref<32xi32, #tpu.memory_space<vmem>>, vector<16xi32>,
    %swap3A_250 = vector.shape_cast %swap3A_249 : vector<16xi32> to vector<16xi32>
    %swap3A_251 = vector.shape_cast %get3A_247 : vector<16xi32> to vector<16xi32>
    tpu.vector_store %arg8[%swap3A_248], %swap3A_251 {strides = array<i32>} : memref<32xi32, #tpu.memory_space<vmem>>, vector<16xi32>,
    %get3A_252 = arith.constant 272 : index
    %get3A_253 = tpu.vector_load %arg5[%get3A_252] {strides = array<i32>} : memref<512xi32, #tpu.memory_space<vmem>>, vector<16xi32>,
    %get3A_254 = vector.shape_cast %get3A_253 : vector<16xi32> to vector<16xi32>
    %swap3A_255 = arith.constant 16 : index
    %swap3A_256 = tpu.vector_load %arg8[%swap3A_255] {strides = array<i32>} : memref<32xi32, #tpu.memory_space<vmem>>, vector<16xi32>,
    %swap3A_257 = vector.shape_cast %swap3A_256 : vector<16xi32> to vector<16xi32>
    %swap3A_258 = vector.shape_cast %get3A_254 : vector<16xi32> to vector<16xi32>
    tpu.vector_store %arg8[%swap3A_255], %swap3A_258 {strides = array<i32>} : memref<32xi32, #tpu.memory_space<vmem>>, vector<16xi32>,
    %dma_start3A_259 = arith.constant 0 : i32
    %dma_start3A_260 = arith.constant 0 : i32
    %dma_start3A_261 = tpu.memref_slice %arg3[%dma_start3A_259, %dma_start3A_260] : memref<100000x1024xf32, #tpu.memory_space<hbm>> -> memref<100000x1024xf32, #tpu.memory_space<hbm>>
    tpu.enqueue_indirect_dma source(%dma_start3A_261 : memref<100000x1024xf32, #tpu.memory_space<hbm>>) target(%arg11 : memref<32x1024xf32, #tpu.memory_space<vmem>>) offsets(%arg8 : memref<32xi32, #tpu.memory_space<vmem>>) semaphore(%arg14 : memref<!tpu.dma_semaphore, #tpu.memory_space<semaphore_mem>>)
    %parallel_loop3A_262 = arith.constant 0 : i32
    %parallel_loop3A_263 = arith.constant 2048 : i32
    %parallel_loop3A_264 = arith.constant 1 : i32
    scf.for %parallel_loop3A_558 = %parallel_loop3A_262 to %parallel_loop3A_263 step %parallel_loop3A_264  : i32 {
      %parallel_loop3A_559 = arith.constant 63 : i32
      %parallel_loop3A_560 = arith.andi %parallel_loop3A_558, %parallel_loop3A_559 : i32
      %parallel_loop3A_561 = arith.constant 16 : i32
      %parallel_loop3A_562 = arith.muli %parallel_loop3A_560, %parallel_loop3A_561 : i32
      %parallel_loop3A_563 = arith.constant 6 : i32
      %parallel_loop3A_564 = arith.shrsi %parallel_loop3A_558, %parallel_loop3A_563 : i32
      %parallel_loop3A_565 = arith.index_cast %parallel_loop3A_564 : i32 to index
      %parallel_loop3A_566 = arith.index_cast %parallel_loop3A_562 : i32 to index
      %parallel_loop3A_567 = tpu.vector_load %arg9[%parallel_loop3A_565, %parallel_loop3A_566] {strides = array<i32>} : memref<32x1024xf32, #tpu.memory_space<vmem>>, vector<1x16xf32>,
      %parallel_loop3A_568 = vector.shape_cast %parallel_loop3A_567 : vector<1x16xf32> to vector<16xf32>
      %parallel_loop3A_569 = arith.constant 3.200000e+01 : f32
      %parallel_loop3A_570 = vector.broadcast %parallel_loop3A_569 : f32 to vector<16xf32>
      %parallel_loop3A_571 = arith.mulf %parallel_loop3A_568, %parallel_loop3A_570 : vector<16xf32>
      %parallel_loop3A_572 = arith.index_cast %parallel_loop3A_564 : i32 to index
      %parallel_loop3A_573 = arith.index_cast %parallel_loop3A_562 : i32 to index
      %parallel_loop3A_574 = tpu.vector_load %arg9[%parallel_loop3A_572, %parallel_loop3A_573] {strides = array<i32>} : memref<32x1024xf32, #tpu.memory_space<vmem>>, vector<1x16xf32>,
      %parallel_loop3A_575 = vector.shape_cast %parallel_loop3A_574 : vector<1x16xf32> to vector<16xf32>
      %parallel_loop3A_576 = vector.shape_cast %parallel_loop3A_571 : vector<16xf32> to vector<1x16xf32>
      tpu.vector_store %arg9[%parallel_loop3A_572, %parallel_loop3A_573], %parallel_loop3A_576 {strides = array<i32>} : memref<32x1024xf32, #tpu.memory_space<vmem>>, vector<1x16xf32>,
    } {sc.loop_unroll_factor = 8 : i64, sc.parallel_access}
    %add3A_265 = arith.constant 192 : i32
    %add3A_266 = arith.addi %mul3A_2, %add3A_265 : i32
    %dma_start3A_267 = arith.constant 0 : i32
    %dma_start3A_268 = tpu.memref_slice %arg4[%add3A_266, %dma_start3A_267] : memref<16384x1024xf32, #tpu.memory_space<hbm>> -> memref<32x1024xf32, #tpu.memory_space<hbm>>
    %dma_start3A_269 = arith.constant 0 : i32
    %dma_start3A_270 = tpu.memref_slice %arg4[%add3A_266, %dma_start3A_269] : memref<16384x1024xf32, #tpu.memory_space<hbm>> -> memref<32x1024xf32, #tpu.memory_space<hbm>>
    tpu.enqueue_dma source(%arg9 : memref<32x1024xf32, #tpu.memory_space<vmem>>) target(%dma_start3A_270 : memref<32x1024xf32, #tpu.memory_space<hbm>>) target_semaphore(%arg15 : memref<!tpu.dma_semaphore, #tpu.memory_space<semaphore_mem>>)
    %dma_wait3A_271 = arith.constant 0 : i32
    %dma_wait3A_272 = arith.constant 0 : i32
    %dma_wait3A_273 = tpu.memref_slice %arg3[%dma_wait3A_271, %dma_wait3A_272] : memref<100000x1024xf32, #tpu.memory_space<hbm>> -> memref<100000x1024xf32, #tpu.memory_space<hbm>>
    tpu.wait_indirect_dma semaphore(%arg13 : memref<!tpu.dma_semaphore, #tpu.memory_space<semaphore_mem>>) src(%dma_wait3A_273 : memref<100000x1024xf32, #tpu.memory_space<hbm>>) dst(%arg10 : memref<32x1024xf32, #tpu.memory_space<vmem>>)
    %add3A_274 = arith.constant 192 : i32
    %add3A_275 = arith.addi %mul3A_2, %add3A_274 : i32
    %dma_wait3A_276 = arith.constant 0 : i32
    %dma_wait3A_277 = tpu.memref_slice %arg4[%add3A_275, %dma_wait3A_276] : memref<16384x1024xf32, #tpu.memory_space<hbm>> -> memref<32x1024xf32, #tpu.memory_space<hbm>>
    %dma_wait3A_278 = arith.constant 0 : i32
    %dma_wait3A_279 = tpu.memref_slice %arg4[%add3A_275, %dma_wait3A_278] : memref<16384x1024xf32, #tpu.memory_space<hbm>> -> memref<32x1024xf32, #tpu.memory_space<hbm>>
    tpu.wait_dma2 semaphore(%arg15 : memref<!tpu.dma_semaphore, #tpu.memory_space<semaphore_mem>>) src(%arg9 : memref<32x1024xf32, #tpu.memory_space<vmem>>) dst(%dma_wait3A_279 : memref<32x1024xf32, #tpu.memory_space<hbm>>)
    %get3A_280 = arith.constant 288 : index
    %get3A_281 = tpu.vector_load %arg5[%get3A_280] {strides = array<i32>} : memref<512xi32, #tpu.memory_space<vmem>>, vector<16xi32>,
    %get3A_282 = vector.shape_cast %get3A_281 : vector<16xi32> to vector<16xi32>
    %swap3A_283 = arith.constant 0 : index
    %swap3A_284 = tpu.vector_load %arg6[%swap3A_283] {strides = array<i32>} : memref<32xi32, #tpu.memory_space<vmem>>, vector<16xi32>,
    %swap3A_285 = vector.shape_cast %swap3A_284 : vector<16xi32> to vector<16xi32>
    %swap3A_286 = vector.shape_cast %get3A_282 : vector<16xi32> to vector<16xi32>
    tpu.vector_store %arg6[%swap3A_283], %swap3A_286 {strides = array<i32>} : memref<32xi32, #tpu.memory_space<vmem>>, vector<16xi32>,
    %get3A_287 = arith.constant 304 : index
    %get3A_288 = tpu.vector_load %arg5[%get3A_287] {strides = array<i32>} : memref<512xi32, #tpu.memory_space<vmem>>, vector<16xi32>,
    %get3A_289 = vector.shape_cast %get3A_288 : vector<16xi32> to vector<16xi32>
    %swap3A_290 = arith.constant 16 : index
    %swap3A_291 = tpu.vector_load %arg6[%swap3A_290] {strides = array<i32>} : memref<32xi32, #tpu.memory_space<vmem>>, vector<16xi32>,
    %swap3A_292 = vector.shape_cast %swap3A_291 : vector<16xi32> to vector<16xi32>
    %swap3A_293 = vector.shape_cast %get3A_289 : vector<16xi32> to vector<16xi32>
    tpu.vector_store %arg6[%swap3A_290], %swap3A_293 {strides = array<i32>} : memref<32xi32, #tpu.memory_space<vmem>>, vector<16xi32>,
    %dma_start3A_294 = arith.constant 0 : i32
    %dma_start3A_295 = arith.constant 0 : i32
    %dma_start3A_296 = tpu.memref_slice %arg3[%dma_start3A_294, %dma_start3A_295] : memref<100000x1024xf32, #tpu.memory_space<hbm>> -> memref<100000x1024xf32, #tpu.memory_space<hbm>>
    tpu.enqueue_indirect_dma source(%dma_start3A_296 : memref<100000x1024xf32, #tpu.memory_space<hbm>>) target(%arg9 : memref<32x1024xf32, #tpu.memory_space<vmem>>) offsets(%arg6 : memref<32xi32, #tpu.memory_space<vmem>>) semaphore(%arg12 : memref<!tpu.dma_semaphore, #tpu.memory_space<semaphore_mem>>)
    %parallel_loop3A_297 = arith.constant 0 : i32
    %parallel_loop3A_298 = arith.constant 2048 : i32
    %parallel_loop3A_299 = arith.constant 1 : i32
    scf.for %parallel_loop3A_558 = %parallel_loop3A_297 to %parallel_loop3A_298 step %parallel_loop3A_299  : i32 {
      %parallel_loop3A_559 = arith.constant 63 : i32
      %parallel_loop3A_560 = arith.andi %parallel_loop3A_558, %parallel_loop3A_559 : i32
      %parallel_loop3A_561 = arith.constant 16 : i32
      %parallel_loop3A_562 = arith.muli %parallel_loop3A_560, %parallel_loop3A_561 : i32
      %parallel_loop3A_563 = arith.constant 6 : i32
      %parallel_loop3A_564 = arith.shrsi %parallel_loop3A_558, %parallel_loop3A_563 : i32
      %parallel_loop3A_565 = arith.index_cast %parallel_loop3A_564 : i32 to index
      %parallel_loop3A_566 = arith.index_cast %parallel_loop3A_562 : i32 to index
      %parallel_loop3A_567 = tpu.vector_load %arg10[%parallel_loop3A_565, %parallel_loop3A_566] {strides = array<i32>} : memref<32x1024xf32, #tpu.memory_space<vmem>>, vector<1x16xf32>,
      %parallel_loop3A_568 = vector.shape_cast %parallel_loop3A_567 : vector<1x16xf32> to vector<16xf32>
      %parallel_loop3A_569 = arith.constant 3.200000e+01 : f32
      %parallel_loop3A_570 = vector.broadcast %parallel_loop3A_569 : f32 to vector<16xf32>
      %parallel_loop3A_571 = arith.mulf %parallel_loop3A_568, %parallel_loop3A_570 : vector<16xf32>
      %parallel_loop3A_572 = arith.index_cast %parallel_loop3A_564 : i32 to index
      %parallel_loop3A_573 = arith.index_cast %parallel_loop3A_562 : i32 to index
      %parallel_loop3A_574 = tpu.vector_load %arg10[%parallel_loop3A_572, %parallel_loop3A_573] {strides = array<i32>} : memref<32x1024xf32, #tpu.memory_space<vmem>>, vector<1x16xf32>,
      %parallel_loop3A_575 = vector.shape_cast %parallel_loop3A_574 : vector<1x16xf32> to vector<16xf32>
      %parallel_loop3A_576 = vector.shape_cast %parallel_loop3A_571 : vector<16xf32> to vector<1x16xf32>
      tpu.vector_store %arg10[%parallel_loop3A_572, %parallel_loop3A_573], %parallel_loop3A_576 {strides = array<i32>} : memref<32x1024xf32, #tpu.memory_space<vmem>>, vector<1x16xf32>,
    } {sc.loop_unroll_factor = 8 : i64, sc.parallel_access}
    %add3A_300 = arith.constant 224 : i32
    %add3A_301 = arith.addi %mul3A_2, %add3A_300 : i32
    %dma_start3A_302 = arith.constant 0 : i32
    %dma_start3A_303 = tpu.memref_slice %arg4[%add3A_301, %dma_start3A_302] : memref<16384x1024xf32, #tpu.memory_space<hbm>> -> memref<32x1024xf32, #tpu.memory_space<hbm>>
    %dma_start3A_304 = arith.constant 0 : i32
    %dma_start3A_305 = tpu.memref_slice %arg4[%add3A_301, %dma_start3A_304] : memref<16384x1024xf32, #tpu.memory_space<hbm>> -> memref<32x1024xf32, #tpu.memory_space<hbm>>
    tpu.enqueue_dma source(%arg10 : memref<32x1024xf32, #tpu.memory_space<vmem>>) target(%dma_start3A_305 : memref<32x1024xf32, #tpu.memory_space<hbm>>) target_semaphore(%arg16 : memref<!tpu.dma_semaphore, #tpu.memory_space<semaphore_mem>>)
    %dma_wait3A_306 = arith.constant 0 : i32
    %dma_wait3A_307 = arith.constant 0 : i32
    %dma_wait3A_308 = tpu.memref_slice %arg3[%dma_wait3A_306, %dma_wait3A_307] : memref<100000x1024xf32, #tpu.memory_space<hbm>> -> memref<100000x1024xf32, #tpu.memory_space<hbm>>
    tpu.wait_indirect_dma semaphore(%arg14 : memref<!tpu.dma_semaphore, #tpu.memory_space<semaphore_mem>>) src(%dma_wait3A_308 : memref<100000x1024xf32, #tpu.memory_space<hbm>>) dst(%arg11 : memref<32x1024xf32, #tpu.memory_space<vmem>>)
    %add3A_309 = arith.constant 224 : i32
    %add3A_310 = arith.addi %mul3A_2, %add3A_309 : i32
    %dma_wait3A_311 = arith.constant 0 : i32
    %dma_wait3A_312 = tpu.memref_slice %arg4[%add3A_310, %dma_wait3A_311] : memref<16384x1024xf32, #tpu.memory_space<hbm>> -> memref<32x1024xf32, #tpu.memory_space<hbm>>
    %dma_wait3A_313 = arith.constant 0 : i32
    %dma_wait3A_314 = tpu.memref_slice %arg4[%add3A_310, %dma_wait3A_313] : memref<16384x1024xf32, #tpu.memory_space<hbm>> -> memref<32x1024xf32, #tpu.memory_space<hbm>>
    tpu.wait_dma2 semaphore(%arg16 : memref<!tpu.dma_semaphore, #tpu.memory_space<semaphore_mem>>) src(%arg10 : memref<32x1024xf32, #tpu.memory_space<vmem>>) dst(%dma_wait3A_314 : memref<32x1024xf32, #tpu.memory_space<hbm>>)
    %get3A_315 = arith.constant 320 : index
    %get3A_316 = tpu.vector_load %arg5[%get3A_315] {strides = array<i32>} : memref<512xi32, #tpu.memory_space<vmem>>, vector<16xi32>,
    %get3A_317 = vector.shape_cast %get3A_316 : vector<16xi32> to vector<16xi32>
    %swap3A_318 = arith.constant 0 : index
    %swap3A_319 = tpu.vector_load %arg7[%swap3A_318] {strides = array<i32>} : memref<32xi32, #tpu.memory_space<vmem>>, vector<16xi32>,
    %swap3A_320 = vector.shape_cast %swap3A_319 : vector<16xi32> to vector<16xi32>
    %swap3A_321 = vector.shape_cast %get3A_317 : vector<16xi32> to vector<16xi32>
    tpu.vector_store %arg7[%swap3A_318], %swap3A_321 {strides = array<i32>} : memref<32xi32, #tpu.memory_space<vmem>>, vector<16xi32>,
    %get3A_322 = arith.constant 336 : index
    %get3A_323 = tpu.vector_load %arg5[%get3A_322] {strides = array<i32>} : memref<512xi32, #tpu.memory_space<vmem>>, vector<16xi32>,
    %get3A_324 = vector.shape_cast %get3A_323 : vector<16xi32> to vector<16xi32>
    %swap3A_325 = arith.constant 16 : index
    %swap3A_326 = tpu.vector_load %arg7[%swap3A_325] {strides = array<i32>} : memref<32xi32, #tpu.memory_space<vmem>>, vector<16xi32>,
    %swap3A_327 = vector.shape_cast %swap3A_326 : vector<16xi32> to vector<16xi32>
    %swap3A_328 = vector.shape_cast %get3A_324 : vector<16xi32> to vector<16xi32>
    tpu.vector_store %arg7[%swap3A_325], %swap3A_328 {strides = array<i32>} : memref<32xi32, #tpu.memory_space<vmem>>, vector<16xi32>,
    %dma_start3A_329 = arith.constant 0 : i32
    %dma_start3A_330 = arith.constant 0 : i32
    %dma_start3A_331 = tpu.memref_slice %arg3[%dma_start3A_329, %dma_start3A_330] : memref<100000x1024xf32, #tpu.memory_space<hbm>> -> memref<100000x1024xf32, #tpu.memory_space<hbm>>
    tpu.enqueue_indirect_dma source(%dma_start3A_331 : memref<100000x1024xf32, #tpu.memory_space<hbm>>) target(%arg10 : memref<32x1024xf32, #tpu.memory_space<vmem>>) offsets(%arg7 : memref<32xi32, #tpu.memory_space<vmem>>) semaphore(%arg13 : memref<!tpu.dma_semaphore, #tpu.memory_space<semaphore_mem>>)
    %parallel_loop3A_332 = arith.constant 0 : i32
    %parallel_loop3A_333 = arith.constant 2048 : i32
    %parallel_loop3A_334 = arith.constant 1 : i32
    scf.for %parallel_loop3A_558 = %parallel_loop3A_332 to %parallel_loop3A_333 step %parallel_loop3A_334  : i32 {
      %parallel_loop3A_559 = arith.constant 63 : i32
      %parallel_loop3A_560 = arith.andi %parallel_loop3A_558, %parallel_loop3A_559 : i32
      %parallel_loop3A_561 = arith.constant 16 : i32
      %parallel_loop3A_562 = arith.muli %parallel_loop3A_560, %parallel_loop3A_561 : i32
      %parallel_loop3A_563 = arith.constant 6 : i32
      %parallel_loop3A_564 = arith.shrsi %parallel_loop3A_558, %parallel_loop3A_563 : i32
      %parallel_loop3A_565 = arith.index_cast %parallel_loop3A_564 : i32 to index
      %parallel_loop3A_566 = arith.index_cast %parallel_loop3A_562 : i32 to index
      %parallel_loop3A_567 = tpu.vector_load %arg11[%parallel_loop3A_565, %parallel_loop3A_566] {strides = array<i32>} : memref<32x1024xf32, #tpu.memory_space<vmem>>, vector<1x16xf32>,
      %parallel_loop3A_568 = vector.shape_cast %parallel_loop3A_567 : vector<1x16xf32> to vector<16xf32>
      %parallel_loop3A_569 = arith.constant 3.200000e+01 : f32
      %parallel_loop3A_570 = vector.broadcast %parallel_loop3A_569 : f32 to vector<16xf32>
      %parallel_loop3A_571 = arith.mulf %parallel_loop3A_568, %parallel_loop3A_570 : vector<16xf32>
      %parallel_loop3A_572 = arith.index_cast %parallel_loop3A_564 : i32 to index
      %parallel_loop3A_573 = arith.index_cast %parallel_loop3A_562 : i32 to index
      %parallel_loop3A_574 = tpu.vector_load %arg11[%parallel_loop3A_572, %parallel_loop3A_573] {strides = array<i32>} : memref<32x1024xf32, #tpu.memory_space<vmem>>, vector<1x16xf32>,
      %parallel_loop3A_575 = vector.shape_cast %parallel_loop3A_574 : vector<1x16xf32> to vector<16xf32>
      %parallel_loop3A_576 = vector.shape_cast %parallel_loop3A_571 : vector<16xf32> to vector<1x16xf32>
      tpu.vector_store %arg11[%parallel_loop3A_572, %parallel_loop3A_573], %parallel_loop3A_576 {strides = array<i32>} : memref<32x1024xf32, #tpu.memory_space<vmem>>, vector<1x16xf32>,
    } {sc.loop_unroll_factor = 8 : i64, sc.parallel_access}
    %add3A_335 = arith.constant 256 : i32
    %add3A_336 = arith.addi %mul3A_2, %add3A_335 : i32
    %dma_start3A_337 = arith.constant 0 : i32
    %dma_start3A_338 = tpu.memref_slice %arg4[%add3A_336, %dma_start3A_337] : memref<16384x1024xf32, #tpu.memory_space<hbm>> -> memref<32x1024xf32, #tpu.memory_space<hbm>>
    %dma_start3A_339 = arith.constant 0 : i32
    %dma_start3A_340 = tpu.memref_slice %arg4[%add3A_336, %dma_start3A_339] : memref<16384x1024xf32, #tpu.memory_space<hbm>> -> memref<32x1024xf32, #tpu.memory_space<hbm>>
    tpu.enqueue_dma source(%arg11 : memref<32x1024xf32, #tpu.memory_space<vmem>>) target(%dma_start3A_340 : memref<32x1024xf32, #tpu.memory_space<hbm>>) target_semaphore(%arg17 : memref<!tpu.dma_semaphore, #tpu.memory_space<semaphore_mem>>)
    %dma_wait3A_341 = arith.constant 0 : i32
    %dma_wait3A_342 = arith.constant 0 : i32
    %dma_wait3A_343 = tpu.memref_slice %arg3[%dma_wait3A_341, %dma_wait3A_342] : memref<100000x1024xf32, #tpu.memory_space<hbm>> -> memref<100000x1024xf32, #tpu.memory_space<hbm>>
    tpu.wait_indirect_dma semaphore(%arg12 : memref<!tpu.dma_semaphore, #tpu.memory_space<semaphore_mem>>) src(%dma_wait3A_343 : memref<100000x1024xf32, #tpu.memory_space<hbm>>) dst(%arg9 : memref<32x1024xf32, #tpu.memory_space<vmem>>)
    %add3A_344 = arith.constant 256 : i32
    %add3A_345 = arith.addi %mul3A_2, %add3A_344 : i32
    %dma_wait3A_346 = arith.constant 0 : i32
    %dma_wait3A_347 = tpu.memref_slice %arg4[%add3A_345, %dma_wait3A_346] : memref<16384x1024xf32, #tpu.memory_space<hbm>> -> memref<32x1024xf32, #tpu.memory_space<hbm>>
    %dma_wait3A_348 = arith.constant 0 : i32
    %dma_wait3A_349 = tpu.memref_slice %arg4[%add3A_345, %dma_wait3A_348] : memref<16384x1024xf32, #tpu.memory_space<hbm>> -> memref<32x1024xf32, #tpu.memory_space<hbm>>
    tpu.wait_dma2 semaphore(%arg17 : memref<!tpu.dma_semaphore, #tpu.memory_space<semaphore_mem>>) src(%arg11 : memref<32x1024xf32, #tpu.memory_space<vmem>>) dst(%dma_wait3A_349 : memref<32x1024xf32, #tpu.memory_space<hbm>>)
    %get3A_350 = arith.constant 352 : index
    %get3A_351 = tpu.vector_load %arg5[%get3A_350] {strides = array<i32>} : memref<512xi32, #tpu.memory_space<vmem>>, vector<16xi32>,
    %get3A_352 = vector.shape_cast %get3A_351 : vector<16xi32> to vector<16xi32>
    %swap3A_353 = arith.constant 0 : index
    %swap3A_354 = tpu.vector_load %arg8[%swap3A_353] {strides = array<i32>} : memref<32xi32, #tpu.memory_space<vmem>>, vector<16xi32>,
    %swap3A_355 = vector.shape_cast %swap3A_354 : vector<16xi32> to vector<16xi32>
    %swap3A_356 = vector.shape_cast %get3A_352 : vector<16xi32> to vector<16xi32>
    tpu.vector_store %arg8[%swap3A_353], %swap3A_356 {strides = array<i32>} : memref<32xi32, #tpu.memory_space<vmem>>, vector<16xi32>,
    %get3A_357 = arith.constant 368 : index
    %get3A_358 = tpu.vector_load %arg5[%get3A_357] {strides = array<i32>} : memref<512xi32, #tpu.memory_space<vmem>>, vector<16xi32>,
    %get3A_359 = vector.shape_cast %get3A_358 : vector<16xi32> to vector<16xi32>
    %swap3A_360 = arith.constant 16 : index
    %swap3A_361 = tpu.vector_load %arg8[%swap3A_360] {strides = array<i32>} : memref<32xi32, #tpu.memory_space<vmem>>, vector<16xi32>,
    %swap3A_362 = vector.shape_cast %swap3A_361 : vector<16xi32> to vector<16xi32>
    %swap3A_363 = vector.shape_cast %get3A_359 : vector<16xi32> to vector<16xi32>
    tpu.vector_store %arg8[%swap3A_360], %swap3A_363 {strides = array<i32>} : memref<32xi32, #tpu.memory_space<vmem>>, vector<16xi32>,
    %dma_start3A_364 = arith.constant 0 : i32
    %dma_start3A_365 = arith.constant 0 : i32
    %dma_start3A_366 = tpu.memref_slice %arg3[%dma_start3A_364, %dma_start3A_365] : memref<100000x1024xf32, #tpu.memory_space<hbm>> -> memref<100000x1024xf32, #tpu.memory_space<hbm>>
    tpu.enqueue_indirect_dma source(%dma_start3A_366 : memref<100000x1024xf32, #tpu.memory_space<hbm>>) target(%arg11 : memref<32x1024xf32, #tpu.memory_space<vmem>>) offsets(%arg8 : memref<32xi32, #tpu.memory_space<vmem>>) semaphore(%arg14 : memref<!tpu.dma_semaphore, #tpu.memory_space<semaphore_mem>>)
    %parallel_loop3A_367 = arith.constant 0 : i32
    %parallel_loop3A_368 = arith.constant 2048 : i32
    %parallel_loop3A_369 = arith.constant 1 : i32
    scf.for %parallel_loop3A_558 = %parallel_loop3A_367 to %parallel_loop3A_368 step %parallel_loop3A_369  : i32 {
      %parallel_loop3A_559 = arith.constant 63 : i32
      %parallel_loop3A_560 = arith.andi %parallel_loop3A_558, %parallel_loop3A_559 : i32
      %parallel_loop3A_561 = arith.constant 16 : i32
      %parallel_loop3A_562 = arith.muli %parallel_loop3A_560, %parallel_loop3A_561 : i32
      %parallel_loop3A_563 = arith.constant 6 : i32
      %parallel_loop3A_564 = arith.shrsi %parallel_loop3A_558, %parallel_loop3A_563 : i32
      %parallel_loop3A_565 = arith.index_cast %parallel_loop3A_564 : i32 to index
      %parallel_loop3A_566 = arith.index_cast %parallel_loop3A_562 : i32 to index
      %parallel_loop3A_567 = tpu.vector_load %arg9[%parallel_loop3A_565, %parallel_loop3A_566] {strides = array<i32>} : memref<32x1024xf32, #tpu.memory_space<vmem>>, vector<1x16xf32>,
      %parallel_loop3A_568 = vector.shape_cast %parallel_loop3A_567 : vector<1x16xf32> to vector<16xf32>
      %parallel_loop3A_569 = arith.constant 3.200000e+01 : f32
      %parallel_loop3A_570 = vector.broadcast %parallel_loop3A_569 : f32 to vector<16xf32>
      %parallel_loop3A_571 = arith.mulf %parallel_loop3A_568, %parallel_loop3A_570 : vector<16xf32>
      %parallel_loop3A_572 = arith.index_cast %parallel_loop3A_564 : i32 to index
      %parallel_loop3A_573 = arith.index_cast %parallel_loop3A_562 : i32 to index
      %parallel_loop3A_574 = tpu.vector_load %arg9[%parallel_loop3A_572, %parallel_loop3A_573] {strides = array<i32>} : memref<32x1024xf32, #tpu.memory_space<vmem>>, vector<1x16xf32>,
      %parallel_loop3A_575 = vector.shape_cast %parallel_loop3A_574 : vector<1x16xf32> to vector<16xf32>
      %parallel_loop3A_576 = vector.shape_cast %parallel_loop3A_571 : vector<16xf32> to vector<1x16xf32>
      tpu.vector_store %arg9[%parallel_loop3A_572, %parallel_loop3A_573], %parallel_loop3A_576 {strides = array<i32>} : memref<32x1024xf32, #tpu.memory_space<vmem>>, vector<1x16xf32>,
    } {sc.loop_unroll_factor = 8 : i64, sc.parallel_access}
    %add3A_370 = arith.constant 288 : i32
    %add3A_371 = arith.addi %mul3A_2, %add3A_370 : i32
    %dma_start3A_372 = arith.constant 0 : i32
    %dma_start3A_373 = tpu.memref_slice %arg4[%add3A_371, %dma_start3A_372] : memref<16384x1024xf32, #tpu.memory_space<hbm>> -> memref<32x1024xf32, #tpu.memory_space<hbm>>
    %dma_start3A_374 = arith.constant 0 : i32
    %dma_start3A_375 = tpu.memref_slice %arg4[%add3A_371, %dma_start3A_374] : memref<16384x1024xf32, #tpu.memory_space<hbm>> -> memref<32x1024xf32, #tpu.memory_space<hbm>>
    tpu.enqueue_dma source(%arg9 : memref<32x1024xf32, #tpu.memory_space<vmem>>) target(%dma_start3A_375 : memref<32x1024xf32, #tpu.memory_space<hbm>>) target_semaphore(%arg15 : memref<!tpu.dma_semaphore, #tpu.memory_space<semaphore_mem>>)
    %dma_wait3A_376 = arith.constant 0 : i32
    %dma_wait3A_377 = arith.constant 0 : i32
    %dma_wait3A_378 = tpu.memref_slice %arg3[%dma_wait3A_376, %dma_wait3A_377] : memref<100000x1024xf32, #tpu.memory_space<hbm>> -> memref<100000x1024xf32, #tpu.memory_space<hbm>>
    tpu.wait_indirect_dma semaphore(%arg13 : memref<!tpu.dma_semaphore, #tpu.memory_space<semaphore_mem>>) src(%dma_wait3A_378 : memref<100000x1024xf32, #tpu.memory_space<hbm>>) dst(%arg10 : memref<32x1024xf32, #tpu.memory_space<vmem>>)
    %add3A_379 = arith.constant 288 : i32
    %add3A_380 = arith.addi %mul3A_2, %add3A_379 : i32
    %dma_wait3A_381 = arith.constant 0 : i32
    %dma_wait3A_382 = tpu.memref_slice %arg4[%add3A_380, %dma_wait3A_381] : memref<16384x1024xf32, #tpu.memory_space<hbm>> -> memref<32x1024xf32, #tpu.memory_space<hbm>>
    %dma_wait3A_383 = arith.constant 0 : i32
    %dma_wait3A_384 = tpu.memref_slice %arg4[%add3A_380, %dma_wait3A_383] : memref<16384x1024xf32, #tpu.memory_space<hbm>> -> memref<32x1024xf32, #tpu.memory_space<hbm>>
    tpu.wait_dma2 semaphore(%arg15 : memref<!tpu.dma_semaphore, #tpu.memory_space<semaphore_mem>>) src(%arg9 : memref<32x1024xf32, #tpu.memory_space<vmem>>) dst(%dma_wait3A_384 : memref<32x1024xf32, #tpu.memory_space<hbm>>)
    %get3A_385 = arith.constant 384 : index
    %get3A_386 = tpu.vector_load %arg5[%get3A_385] {strides = array<i32>} : memref<512xi32, #tpu.memory_space<vmem>>, vector<16xi32>,
    %get3A_387 = vector.shape_cast %get3A_386 : vector<16xi32> to vector<16xi32>
    %swap3A_388 = arith.constant 0 : index
    %swap3A_389 = tpu.vector_load %arg6[%swap3A_388] {strides = array<i32>} : memref<32xi32, #tpu.memory_space<vmem>>, vector<16xi32>,
    %swap3A_390 = vector.shape_cast %swap3A_389 : vector<16xi32> to vector<16xi32>
    %swap3A_391 = vector.shape_cast %get3A_387 : vector<16xi32> to vector<16xi32>
    tpu.vector_store %arg6[%swap3A_388], %swap3A_391 {strides = array<i32>} : memref<32xi32, #tpu.memory_space<vmem>>, vector<16xi32>,
    %get3A_392 = arith.constant 400 : index
    %get3A_393 = tpu.vector_load %arg5[%get3A_392] {strides = array<i32>} : memref<512xi32, #tpu.memory_space<vmem>>, vector<16xi32>,
    %get3A_394 = vector.shape_cast %get3A_393 : vector<16xi32> to vector<16xi32>
    %swap3A_395 = arith.constant 16 : index
    %swap3A_396 = tpu.vector_load %arg6[%swap3A_395] {strides = array<i32>} : memref<32xi32, #tpu.memory_space<vmem>>, vector<16xi32>,
    %swap3A_397 = vector.shape_cast %swap3A_396 : vector<16xi32> to vector<16xi32>
    %swap3A_398 = vector.shape_cast %get3A_394 : vector<16xi32> to vector<16xi32>
    tpu.vector_store %arg6[%swap3A_395], %swap3A_398 {strides = array<i32>} : memref<32xi32, #tpu.memory_space<vmem>>, vector<16xi32>,
    %dma_start3A_399 = arith.constant 0 : i32
    %dma_start3A_400 = arith.constant 0 : i32
    %dma_start3A_401 = tpu.memref_slice %arg3[%dma_start3A_399, %dma_start3A_400] : memref<100000x1024xf32, #tpu.memory_space<hbm>> -> memref<100000x1024xf32, #tpu.memory_space<hbm>>
    tpu.enqueue_indirect_dma source(%dma_start3A_401 : memref<100000x1024xf32, #tpu.memory_space<hbm>>) target(%arg9 : memref<32x1024xf32, #tpu.memory_space<vmem>>) offsets(%arg6 : memref<32xi32, #tpu.memory_space<vmem>>) semaphore(%arg12 : memref<!tpu.dma_semaphore, #tpu.memory_space<semaphore_mem>>)
    %parallel_loop3A_402 = arith.constant 0 : i32
    %parallel_loop3A_403 = arith.constant 2048 : i32
    %parallel_loop3A_404 = arith.constant 1 : i32
    scf.for %parallel_loop3A_558 = %parallel_loop3A_402 to %parallel_loop3A_403 step %parallel_loop3A_404  : i32 {
      %parallel_loop3A_559 = arith.constant 63 : i32
      %parallel_loop3A_560 = arith.andi %parallel_loop3A_558, %parallel_loop3A_559 : i32
      %parallel_loop3A_561 = arith.constant 16 : i32
      %parallel_loop3A_562 = arith.muli %parallel_loop3A_560, %parallel_loop3A_561 : i32
      %parallel_loop3A_563 = arith.constant 6 : i32
      %parallel_loop3A_564 = arith.shrsi %parallel_loop3A_558, %parallel_loop3A_563 : i32
      %parallel_loop3A_565 = arith.index_cast %parallel_loop3A_564 : i32 to index
      %parallel_loop3A_566 = arith.index_cast %parallel_loop3A_562 : i32 to index
      %parallel_loop3A_567 = tpu.vector_load %arg10[%parallel_loop3A_565, %parallel_loop3A_566] {strides = array<i32>} : memref<32x1024xf32, #tpu.memory_space<vmem>>, vector<1x16xf32>,
      %parallel_loop3A_568 = vector.shape_cast %parallel_loop3A_567 : vector<1x16xf32> to vector<16xf32>
      %parallel_loop3A_569 = arith.constant 3.200000e+01 : f32
      %parallel_loop3A_570 = vector.broadcast %parallel_loop3A_569 : f32 to vector<16xf32>
      %parallel_loop3A_571 = arith.mulf %parallel_loop3A_568, %parallel_loop3A_570 : vector<16xf32>
      %parallel_loop3A_572 = arith.index_cast %parallel_loop3A_564 : i32 to index
      %parallel_loop3A_573 = arith.index_cast %parallel_loop3A_562 : i32 to index
      %parallel_loop3A_574 = tpu.vector_load %arg10[%parallel_loop3A_572, %parallel_loop3A_573] {strides = array<i32>} : memref<32x1024xf32, #tpu.memory_space<vmem>>, vector<1x16xf32>,
      %parallel_loop3A_575 = vector.shape_cast %parallel_loop3A_574 : vector<1x16xf32> to vector<16xf32>
      %parallel_loop3A_576 = vector.shape_cast %parallel_loop3A_571 : vector<16xf32> to vector<1x16xf32>
      tpu.vector_store %arg10[%parallel_loop3A_572, %parallel_loop3A_573], %parallel_loop3A_576 {strides = array<i32>} : memref<32x1024xf32, #tpu.memory_space<vmem>>, vector<1x16xf32>,
    } {sc.loop_unroll_factor = 8 : i64, sc.parallel_access}
    %add3A_405 = arith.constant 320 : i32
    %add3A_406 = arith.addi %mul3A_2, %add3A_405 : i32
    %dma_start3A_407 = arith.constant 0 : i32
    %dma_start3A_408 = tpu.memref_slice %arg4[%add3A_406, %dma_start3A_407] : memref<16384x1024xf32, #tpu.memory_space<hbm>> -> memref<32x1024xf32, #tpu.memory_space<hbm>>
    %dma_start3A_409 = arith.constant 0 : i32
    %dma_start3A_410 = tpu.memref_slice %arg4[%add3A_406, %dma_start3A_409] : memref<16384x1024xf32, #tpu.memory_space<hbm>> -> memref<32x1024xf32, #tpu.memory_space<hbm>>
    tpu.enqueue_dma source(%arg10 : memref<32x1024xf32, #tpu.memory_space<vmem>>) target(%dma_start3A_410 : memref<32x1024xf32, #tpu.memory_space<hbm>>) target_semaphore(%arg16 : memref<!tpu.dma_semaphore, #tpu.memory_space<semaphore_mem>>)
    %dma_wait3A_411 = arith.constant 0 : i32
    %dma_wait3A_412 = arith.constant 0 : i32
    %dma_wait3A_413 = tpu.memref_slice %arg3[%dma_wait3A_411, %dma_wait3A_412] : memref<100000x1024xf32, #tpu.memory_space<hbm>> -> memref<100000x1024xf32, #tpu.memory_space<hbm>>
    tpu.wait_indirect_dma semaphore(%arg14 : memref<!tpu.dma_semaphore, #tpu.memory_space<semaphore_mem>>) src(%dma_wait3A_413 : memref<100000x1024xf32, #tpu.memory_space<hbm>>) dst(%arg11 : memref<32x1024xf32, #tpu.memory_space<vmem>>)
    %add3A_414 = arith.constant 320 : i32
    %add3A_415 = arith.addi %mul3A_2, %add3A_414 : i32
    %dma_wait3A_416 = arith.constant 0 : i32
    %dma_wait3A_417 = tpu.memref_slice %arg4[%add3A_415, %dma_wait3A_416] : memref<16384x1024xf32, #tpu.memory_space<hbm>> -> memref<32x1024xf32, #tpu.memory_space<hbm>>
    %dma_wait3A_418 = arith.constant 0 : i32
    %dma_wait3A_419 = tpu.memref_slice %arg4[%add3A_415, %dma_wait3A_418] : memref<16384x1024xf32, #tpu.memory_space<hbm>> -> memref<32x1024xf32, #tpu.memory_space<hbm>>
    tpu.wait_dma2 semaphore(%arg16 : memref<!tpu.dma_semaphore, #tpu.memory_space<semaphore_mem>>) src(%arg10 : memref<32x1024xf32, #tpu.memory_space<vmem>>) dst(%dma_wait3A_419 : memref<32x1024xf32, #tpu.memory_space<hbm>>)
    %get3A_420 = arith.constant 416 : index
    %get3A_421 = tpu.vector_load %arg5[%get3A_420] {strides = array<i32>} : memref<512xi32, #tpu.memory_space<vmem>>, vector<16xi32>,
    %get3A_422 = vector.shape_cast %get3A_421 : vector<16xi32> to vector<16xi32>
    %swap3A_423 = arith.constant 0 : index
    %swap3A_424 = tpu.vector_load %arg7[%swap3A_423] {strides = array<i32>} : memref<32xi32, #tpu.memory_space<vmem>>, vector<16xi32>,
    %swap3A_425 = vector.shape_cast %swap3A_424 : vector<16xi32> to vector<16xi32>
    %swap3A_426 = vector.shape_cast %get3A_422 : vector<16xi32> to vector<16xi32>
    tpu.vector_store %arg7[%swap3A_423], %swap3A_426 {strides = array<i32>} : memref<32xi32, #tpu.memory_space<vmem>>, vector<16xi32>,
    %get3A_427 = arith.constant 432 : index
    %get3A_428 = tpu.vector_load %arg5[%get3A_427] {strides = array<i32>} : memref<512xi32, #tpu.memory_space<vmem>>, vector<16xi32>,
    %get3A_429 = vector.shape_cast %get3A_428 : vector<16xi32> to vector<16xi32>
    %swap3A_430 = arith.constant 16 : index
    %swap3A_431 = tpu.vector_load %arg7[%swap3A_430] {strides = array<i32>} : memref<32xi32, #tpu.memory_space<vmem>>, vector<16xi32>,
    %swap3A_432 = vector.shape_cast %swap3A_431 : vector<16xi32> to vector<16xi32>
    %swap3A_433 = vector.shape_cast %get3A_429 : vector<16xi32> to vector<16xi32>
    tpu.vector_store %arg7[%swap3A_430], %swap3A_433 {strides = array<i32>} : memref<32xi32, #tpu.memory_space<vmem>>, vector<16xi32>,
    %dma_start3A_434 = arith.constant 0 : i32
    %dma_start3A_435 = arith.constant 0 : i32
    %dma_start3A_436 = tpu.memref_slice %arg3[%dma_start3A_434, %dma_start3A_435] : memref<100000x1024xf32, #tpu.memory_space<hbm>> -> memref<100000x1024xf32, #tpu.memory_space<hbm>>
    tpu.enqueue_indirect_dma source(%dma_start3A_436 : memref<100000x1024xf32, #tpu.memory_space<hbm>>) target(%arg10 : memref<32x1024xf32, #tpu.memory_space<vmem>>) offsets(%arg7 : memref<32xi32, #tpu.memory_space<vmem>>) semaphore(%arg13 : memref<!tpu.dma_semaphore, #tpu.memory_space<semaphore_mem>>)
    %parallel_loop3A_437 = arith.constant 0 : i32
    %parallel_loop3A_438 = arith.constant 2048 : i32
    %parallel_loop3A_439 = arith.constant 1 : i32
    scf.for %parallel_loop3A_558 = %parallel_loop3A_437 to %parallel_loop3A_438 step %parallel_loop3A_439  : i32 {
      %parallel_loop3A_559 = arith.constant 63 : i32
      %parallel_loop3A_560 = arith.andi %parallel_loop3A_558, %parallel_loop3A_559 : i32
      %parallel_loop3A_561 = arith.constant 16 : i32
      %parallel_loop3A_562 = arith.muli %parallel_loop3A_560, %parallel_loop3A_561 : i32
      %parallel_loop3A_563 = arith.constant 6 : i32
      %parallel_loop3A_564 = arith.shrsi %parallel_loop3A_558, %parallel_loop3A_563 : i32
      %parallel_loop3A_565 = arith.index_cast %parallel_loop3A_564 : i32 to index
      %parallel_loop3A_566 = arith.index_cast %parallel_loop3A_562 : i32 to index
      %parallel_loop3A_567 = tpu.vector_load %arg11[%parallel_loop3A_565, %parallel_loop3A_566] {strides = array<i32>} : memref<32x1024xf32, #tpu.memory_space<vmem>>, vector<1x16xf32>,
      %parallel_loop3A_568 = vector.shape_cast %parallel_loop3A_567 : vector<1x16xf32> to vector<16xf32>
      %parallel_loop3A_569 = arith.constant 3.200000e+01 : f32
      %parallel_loop3A_570 = vector.broadcast %parallel_loop3A_569 : f32 to vector<16xf32>
      %parallel_loop3A_571 = arith.mulf %parallel_loop3A_568, %parallel_loop3A_570 : vector<16xf32>
      %parallel_loop3A_572 = arith.index_cast %parallel_loop3A_564 : i32 to index
      %parallel_loop3A_573 = arith.index_cast %parallel_loop3A_562 : i32 to index
      %parallel_loop3A_574 = tpu.vector_load %arg11[%parallel_loop3A_572, %parallel_loop3A_573] {strides = array<i32>} : memref<32x1024xf32, #tpu.memory_space<vmem>>, vector<1x16xf32>,
      %parallel_loop3A_575 = vector.shape_cast %parallel_loop3A_574 : vector<1x16xf32> to vector<16xf32>
      %parallel_loop3A_576 = vector.shape_cast %parallel_loop3A_571 : vector<16xf32> to vector<1x16xf32>
      tpu.vector_store %arg11[%parallel_loop3A_572, %parallel_loop3A_573], %parallel_loop3A_576 {strides = array<i32>} : memref<32x1024xf32, #tpu.memory_space<vmem>>, vector<1x16xf32>,
    } {sc.loop_unroll_factor = 8 : i64, sc.parallel_access}
    %add3A_440 = arith.constant 352 : i32
    %add3A_441 = arith.addi %mul3A_2, %add3A_440 : i32
    %dma_start3A_442 = arith.constant 0 : i32
    %dma_start3A_443 = tpu.memref_slice %arg4[%add3A_441, %dma_start3A_442] : memref<16384x1024xf32, #tpu.memory_space<hbm>> -> memref<32x1024xf32, #tpu.memory_space<hbm>>
    %dma_start3A_444 = arith.constant 0 : i32
    %dma_start3A_445 = tpu.memref_slice %arg4[%add3A_441, %dma_start3A_444] : memref<16384x1024xf32, #tpu.memory_space<hbm>> -> memref<32x1024xf32, #tpu.memory_space<hbm>>
    tpu.enqueue_dma source(%arg11 : memref<32x1024xf32, #tpu.memory_space<vmem>>) target(%dma_start3A_445 : memref<32x1024xf32, #tpu.memory_space<hbm>>) target_semaphore(%arg17 : memref<!tpu.dma_semaphore, #tpu.memory_space<semaphore_mem>>)
    %dma_wait3A_446 = arith.constant 0 : i32
    %dma_wait3A_447 = arith.constant 0 : i32
    %dma_wait3A_448 = tpu.memref_slice %arg3[%dma_wait3A_446, %dma_wait3A_447] : memref<100000x1024xf32, #tpu.memory_space<hbm>> -> memref<100000x1024xf32, #tpu.memory_space<hbm>>
    tpu.wait_indirect_dma semaphore(%arg12 : memref<!tpu.dma_semaphore, #tpu.memory_space<semaphore_mem>>) src(%dma_wait3A_448 : memref<100000x1024xf32, #tpu.memory_space<hbm>>) dst(%arg9 : memref<32x1024xf32, #tpu.memory_space<vmem>>)
    %add3A_449 = arith.constant 352 : i32
    %add3A_450 = arith.addi %mul3A_2, %add3A_449 : i32
    %dma_wait3A_451 = arith.constant 0 : i32
    %dma_wait3A_452 = tpu.memref_slice %arg4[%add3A_450, %dma_wait3A_451] : memref<16384x1024xf32, #tpu.memory_space<hbm>> -> memref<32x1024xf32, #tpu.memory_space<hbm>>
    %dma_wait3A_453 = arith.constant 0 : i32
    %dma_wait3A_454 = tpu.memref_slice %arg4[%add3A_450, %dma_wait3A_453] : memref<16384x1024xf32, #tpu.memory_space<hbm>> -> memref<32x1024xf32, #tpu.memory_space<hbm>>
    tpu.wait_dma2 semaphore(%arg17 : memref<!tpu.dma_semaphore, #tpu.memory_space<semaphore_mem>>) src(%arg11 : memref<32x1024xf32, #tpu.memory_space<vmem>>) dst(%dma_wait3A_454 : memref<32x1024xf32, #tpu.memory_space<hbm>>)
    %get3A_455 = arith.constant 448 : index
    %get3A_456 = tpu.vector_load %arg5[%get3A_455] {strides = array<i32>} : memref<512xi32, #tpu.memory_space<vmem>>, vector<16xi32>,
    %get3A_457 = vector.shape_cast %get3A_456 : vector<16xi32> to vector<16xi32>
    %swap3A_458 = arith.constant 0 : index
    %swap3A_459 = tpu.vector_load %arg8[%swap3A_458] {strides = array<i32>} : memref<32xi32, #tpu.memory_space<vmem>>, vector<16xi32>,
    %swap3A_460 = vector.shape_cast %swap3A_459 : vector<16xi32> to vector<16xi32>
    %swap3A_461 = vector.shape_cast %get3A_457 : vector<16xi32> to vector<16xi32>
    tpu.vector_store %arg8[%swap3A_458], %swap3A_461 {strides = array<i32>} : memref<32xi32, #tpu.memory_space<vmem>>, vector<16xi32>,
    %get3A_462 = arith.constant 464 : index
    %get3A_463 = tpu.vector_load %arg5[%get3A_462] {strides = array<i32>} : memref<512xi32, #tpu.memory_space<vmem>>, vector<16xi32>,
    %get3A_464 = vector.shape_cast %get3A_463 : vector<16xi32> to vector<16xi32>
    %swap3A_465 = arith.constant 16 : index
    %swap3A_466 = tpu.vector_load %arg8[%swap3A_465] {strides = array<i32>} : memref<32xi32, #tpu.memory_space<vmem>>, vector<16xi32>,
    %swap3A_467 = vector.shape_cast %swap3A_466 : vector<16xi32> to vector<16xi32>
    %swap3A_468 = vector.shape_cast %get3A_464 : vector<16xi32> to vector<16xi32>
    tpu.vector_store %arg8[%swap3A_465], %swap3A_468 {strides = array<i32>} : memref<32xi32, #tpu.memory_space<vmem>>, vector<16xi32>,
    %dma_start3A_469 = arith.constant 0 : i32
    %dma_start3A_470 = arith.constant 0 : i32
    %dma_start3A_471 = tpu.memref_slice %arg3[%dma_start3A_469, %dma_start3A_470] : memref<100000x1024xf32, #tpu.memory_space<hbm>> -> memref<100000x1024xf32, #tpu.memory_space<hbm>>
    tpu.enqueue_indirect_dma source(%dma_start3A_471 : memref<100000x1024xf32, #tpu.memory_space<hbm>>) target(%arg11 : memref<32x1024xf32, #tpu.memory_space<vmem>>) offsets(%arg8 : memref<32xi32, #tpu.memory_space<vmem>>) semaphore(%arg14 : memref<!tpu.dma_semaphore, #tpu.memory_space<semaphore_mem>>)
    %parallel_loop3A_472 = arith.constant 0 : i32
    %parallel_loop3A_473 = arith.constant 2048 : i32
    %parallel_loop3A_474 = arith.constant 1 : i32
    scf.for %parallel_loop3A_558 = %parallel_loop3A_472 to %parallel_loop3A_473 step %parallel_loop3A_474  : i32 {
      %parallel_loop3A_559 = arith.constant 63 : i32
      %parallel_loop3A_560 = arith.andi %parallel_loop3A_558, %parallel_loop3A_559 : i32
      %parallel_loop3A_561 = arith.constant 16 : i32
      %parallel_loop3A_562 = arith.muli %parallel_loop3A_560, %parallel_loop3A_561 : i32
      %parallel_loop3A_563 = arith.constant 6 : i32
      %parallel_loop3A_564 = arith.shrsi %parallel_loop3A_558, %parallel_loop3A_563 : i32
      %parallel_loop3A_565 = arith.index_cast %parallel_loop3A_564 : i32 to index
      %parallel_loop3A_566 = arith.index_cast %parallel_loop3A_562 : i32 to index
      %parallel_loop3A_567 = tpu.vector_load %arg9[%parallel_loop3A_565, %parallel_loop3A_566] {strides = array<i32>} : memref<32x1024xf32, #tpu.memory_space<vmem>>, vector<1x16xf32>,
      %parallel_loop3A_568 = vector.shape_cast %parallel_loop3A_567 : vector<1x16xf32> to vector<16xf32>
      %parallel_loop3A_569 = arith.constant 3.200000e+01 : f32
      %parallel_loop3A_570 = vector.broadcast %parallel_loop3A_569 : f32 to vector<16xf32>
      %parallel_loop3A_571 = arith.mulf %parallel_loop3A_568, %parallel_loop3A_570 : vector<16xf32>
      %parallel_loop3A_572 = arith.index_cast %parallel_loop3A_564 : i32 to index
      %parallel_loop3A_573 = arith.index_cast %parallel_loop3A_562 : i32 to index
      %parallel_loop3A_574 = tpu.vector_load %arg9[%parallel_loop3A_572, %parallel_loop3A_573] {strides = array<i32>} : memref<32x1024xf32, #tpu.memory_space<vmem>>, vector<1x16xf32>,
      %parallel_loop3A_575 = vector.shape_cast %parallel_loop3A_574 : vector<1x16xf32> to vector<16xf32>
      %parallel_loop3A_576 = vector.shape_cast %parallel_loop3A_571 : vector<16xf32> to vector<1x16xf32>
      tpu.vector_store %arg9[%parallel_loop3A_572, %parallel_loop3A_573], %parallel_loop3A_576 {strides = array<i32>} : memref<32x1024xf32, #tpu.memory_space<vmem>>, vector<1x16xf32>,
    } {sc.loop_unroll_factor = 8 : i64, sc.parallel_access}
    %add3A_475 = arith.constant 384 : i32
    %add3A_476 = arith.addi %mul3A_2, %add3A_475 : i32
    %dma_start3A_477 = arith.constant 0 : i32
    %dma_start3A_478 = tpu.memref_slice %arg4[%add3A_476, %dma_start3A_477] : memref<16384x1024xf32, #tpu.memory_space<hbm>> -> memref<32x1024xf32, #tpu.memory_space<hbm>>
    %dma_start3A_479 = arith.constant 0 : i32
    %dma_start3A_480 = tpu.memref_slice %arg4[%add3A_476, %dma_start3A_479] : memref<16384x1024xf32, #tpu.memory_space<hbm>> -> memref<32x1024xf32, #tpu.memory_space<hbm>>
    tpu.enqueue_dma source(%arg9 : memref<32x1024xf32, #tpu.memory_space<vmem>>) target(%dma_start3A_480 : memref<32x1024xf32, #tpu.memory_space<hbm>>) target_semaphore(%arg15 : memref<!tpu.dma_semaphore, #tpu.memory_space<semaphore_mem>>)
    %dma_wait3A_481 = arith.constant 0 : i32
    %dma_wait3A_482 = arith.constant 0 : i32
    %dma_wait3A_483 = tpu.memref_slice %arg3[%dma_wait3A_481, %dma_wait3A_482] : memref<100000x1024xf32, #tpu.memory_space<hbm>> -> memref<100000x1024xf32, #tpu.memory_space<hbm>>
    tpu.wait_indirect_dma semaphore(%arg13 : memref<!tpu.dma_semaphore, #tpu.memory_space<semaphore_mem>>) src(%dma_wait3A_483 : memref<100000x1024xf32, #tpu.memory_space<hbm>>) dst(%arg10 : memref<32x1024xf32, #tpu.memory_space<vmem>>)
    %add3A_484 = arith.constant 384 : i32
    %add3A_485 = arith.addi %mul3A_2, %add3A_484 : i32
    %dma_wait3A_486 = arith.constant 0 : i32
    %dma_wait3A_487 = tpu.memref_slice %arg4[%add3A_485, %dma_wait3A_486] : memref<16384x1024xf32, #tpu.memory_space<hbm>> -> memref<32x1024xf32, #tpu.memory_space<hbm>>
    %dma_wait3A_488 = arith.constant 0 : i32
    %dma_wait3A_489 = tpu.memref_slice %arg4[%add3A_485, %dma_wait3A_488] : memref<16384x1024xf32, #tpu.memory_space<hbm>> -> memref<32x1024xf32, #tpu.memory_space<hbm>>
    tpu.wait_dma2 semaphore(%arg15 : memref<!tpu.dma_semaphore, #tpu.memory_space<semaphore_mem>>) src(%arg9 : memref<32x1024xf32, #tpu.memory_space<vmem>>) dst(%dma_wait3A_489 : memref<32x1024xf32, #tpu.memory_space<hbm>>)
    %get3A_490 = arith.constant 480 : index
    %get3A_491 = tpu.vector_load %arg5[%get3A_490] {strides = array<i32>} : memref<512xi32, #tpu.memory_space<vmem>>, vector<16xi32>,
    %get3A_492 = vector.shape_cast %get3A_491 : vector<16xi32> to vector<16xi32>
    %swap3A_493 = arith.constant 0 : index
    %swap3A_494 = tpu.vector_load %arg6[%swap3A_493] {strides = array<i32>} : memref<32xi32, #tpu.memory_space<vmem>>, vector<16xi32>,
    %swap3A_495 = vector.shape_cast %swap3A_494 : vector<16xi32> to vector<16xi32>
    %swap3A_496 = vector.shape_cast %get3A_492 : vector<16xi32> to vector<16xi32>
    tpu.vector_store %arg6[%swap3A_493], %swap3A_496 {strides = array<i32>} : memref<32xi32, #tpu.memory_space<vmem>>, vector<16xi32>,
    %get3A_497 = arith.constant 496 : index
    %get3A_498 = tpu.vector_load %arg5[%get3A_497] {strides = array<i32>} : memref<512xi32, #tpu.memory_space<vmem>>, vector<16xi32>,
    %get3A_499 = vector.shape_cast %get3A_498 : vector<16xi32> to vector<16xi32>
    %swap3A_500 = arith.constant 16 : index
    %swap3A_501 = tpu.vector_load %arg6[%swap3A_500] {strides = array<i32>} : memref<32xi32, #tpu.memory_space<vmem>>, vector<16xi32>,
    %swap3A_502 = vector.shape_cast %swap3A_501 : vector<16xi32> to vector<16xi32>
    %swap3A_503 = vector.shape_cast %get3A_499 : vector<16xi32> to vector<16xi32>
    tpu.vector_store %arg6[%swap3A_500], %swap3A_503 {strides = array<i32>} : memref<32xi32, #tpu.memory_space<vmem>>, vector<16xi32>,
    %dma_start3A_504 = arith.constant 0 : i32
    %dma_start3A_505 = arith.constant 0 : i32
    %dma_start3A_506 = tpu.memref_slice %arg3[%dma_start3A_504, %dma_start3A_505] : memref<100000x1024xf32, #tpu.memory_space<hbm>> -> memref<100000x1024xf32, #tpu.memory_space<hbm>>
    tpu.enqueue_indirect_dma source(%dma_start3A_506 : memref<100000x1024xf32, #tpu.memory_space<hbm>>) target(%arg9 : memref<32x1024xf32, #tpu.memory_space<vmem>>) offsets(%arg6 : memref<32xi32, #tpu.memory_space<vmem>>) semaphore(%arg12 : memref<!tpu.dma_semaphore, #tpu.memory_space<semaphore_mem>>)
    %parallel_loop3A_507 = arith.constant 0 : i32
    %parallel_loop3A_508 = arith.constant 2048 : i32
    %parallel_loop3A_509 = arith.constant 1 : i32
    scf.for %parallel_loop3A_558 = %parallel_loop3A_507 to %parallel_loop3A_508 step %parallel_loop3A_509  : i32 {
      %parallel_loop3A_559 = arith.constant 63 : i32
      %parallel_loop3A_560 = arith.andi %parallel_loop3A_558, %parallel_loop3A_559 : i32
      %parallel_loop3A_561 = arith.constant 16 : i32
      %parallel_loop3A_562 = arith.muli %parallel_loop3A_560, %parallel_loop3A_561 : i32
      %parallel_loop3A_563 = arith.constant 6 : i32
      %parallel_loop3A_564 = arith.shrsi %parallel_loop3A_558, %parallel_loop3A_563 : i32
      %parallel_loop3A_565 = arith.index_cast %parallel_loop3A_564 : i32 to index
      %parallel_loop3A_566 = arith.index_cast %parallel_loop3A_562 : i32 to index
      %parallel_loop3A_567 = tpu.vector_load %arg10[%parallel_loop3A_565, %parallel_loop3A_566] {strides = array<i32>} : memref<32x1024xf32, #tpu.memory_space<vmem>>, vector<1x16xf32>,
      %parallel_loop3A_568 = vector.shape_cast %parallel_loop3A_567 : vector<1x16xf32> to vector<16xf32>
      %parallel_loop3A_569 = arith.constant 3.200000e+01 : f32
      %parallel_loop3A_570 = vector.broadcast %parallel_loop3A_569 : f32 to vector<16xf32>
      %parallel_loop3A_571 = arith.mulf %parallel_loop3A_568, %parallel_loop3A_570 : vector<16xf32>
      %parallel_loop3A_572 = arith.index_cast %parallel_loop3A_564 : i32 to index
      %parallel_loop3A_573 = arith.index_cast %parallel_loop3A_562 : i32 to index
      %parallel_loop3A_574 = tpu.vector_load %arg10[%parallel_loop3A_572, %parallel_loop3A_573] {strides = array<i32>} : memref<32x1024xf32, #tpu.memory_space<vmem>>, vector<1x16xf32>,
      %parallel_loop3A_575 = vector.shape_cast %parallel_loop3A_574 : vector<1x16xf32> to vector<16xf32>
      %parallel_loop3A_576 = vector.shape_cast %parallel_loop3A_571 : vector<16xf32> to vector<1x16xf32>
      tpu.vector_store %arg10[%parallel_loop3A_572, %parallel_loop3A_573], %parallel_loop3A_576 {strides = array<i32>} : memref<32x1024xf32, #tpu.memory_space<vmem>>, vector<1x16xf32>,
    } {sc.loop_unroll_factor = 8 : i64, sc.parallel_access}
    %add3A_510 = arith.constant 416 : i32
    %add3A_511 = arith.addi %mul3A_2, %add3A_510 : i32
    %dma_start3A_512 = arith.constant 0 : i32
    %dma_start3A_513 = tpu.memref_slice %arg4[%add3A_511, %dma_start3A_512] : memref<16384x1024xf32, #tpu.memory_space<hbm>> -> memref<32x1024xf32, #tpu.memory_space<hbm>>
    %dma_start3A_514 = arith.constant 0 : i32
    %dma_start3A_515 = tpu.memref_slice %arg4[%add3A_511, %dma_start3A_514] : memref<16384x1024xf32, #tpu.memory_space<hbm>> -> memref<32x1024xf32, #tpu.memory_space<hbm>>
    tpu.enqueue_dma source(%arg10 : memref<32x1024xf32, #tpu.memory_space<vmem>>) target(%dma_start3A_515 : memref<32x1024xf32, #tpu.memory_space<hbm>>) target_semaphore(%arg16 : memref<!tpu.dma_semaphore, #tpu.memory_space<semaphore_mem>>)
    %dma_wait3A_516 = arith.constant 0 : i32
    %dma_wait3A_517 = arith.constant 0 : i32
    %dma_wait3A_518 = tpu.memref_slice %arg3[%dma_wait3A_516, %dma_wait3A_517] : memref<100000x1024xf32, #tpu.memory_space<hbm>> -> memref<100000x1024xf32, #tpu.memory_space<hbm>>
    tpu.wait_indirect_dma semaphore(%arg14 : memref<!tpu.dma_semaphore, #tpu.memory_space<semaphore_mem>>) src(%dma_wait3A_518 : memref<100000x1024xf32, #tpu.memory_space<hbm>>) dst(%arg11 : memref<32x1024xf32, #tpu.memory_space<vmem>>)
    %parallel_loop3A_519 = arith.constant 0 : i32
    %parallel_loop3A_520 = arith.constant 2048 : i32
    %parallel_loop3A_521 = arith.constant 1 : i32
    scf.for %parallel_loop3A_558 = %parallel_loop3A_519 to %parallel_loop3A_520 step %parallel_loop3A_521  : i32 {
      %parallel_loop3A_559 = arith.constant 63 : i32
      %parallel_loop3A_560 = arith.andi %parallel_loop3A_558, %parallel_loop3A_559 : i32
      %parallel_loop3A_561 = arith.constant 16 : i32
      %parallel_loop3A_562 = arith.muli %parallel_loop3A_560, %parallel_loop3A_561 : i32
      %parallel_loop3A_563 = arith.constant 6 : i32
      %parallel_loop3A_564 = arith.shrsi %parallel_loop3A_558, %parallel_loop3A_563 : i32
      %parallel_loop3A_565 = arith.index_cast %parallel_loop3A_564 : i32 to index
      %parallel_loop3A_566 = arith.index_cast %parallel_loop3A_562 : i32 to index
      %parallel_loop3A_567 = tpu.vector_load %arg11[%parallel_loop3A_565, %parallel_loop3A_566] {strides = array<i32>} : memref<32x1024xf32, #tpu.memory_space<vmem>>, vector<1x16xf32>,
      %parallel_loop3A_568 = vector.shape_cast %parallel_loop3A_567 : vector<1x16xf32> to vector<16xf32>
      %parallel_loop3A_569 = arith.constant 3.200000e+01 : f32
      %parallel_loop3A_570 = vector.broadcast %parallel_loop3A_569 : f32 to vector<16xf32>
      %parallel_loop3A_571 = arith.mulf %parallel_loop3A_568, %parallel_loop3A_570 : vector<16xf32>
      %parallel_loop3A_572 = arith.index_cast %parallel_loop3A_564 : i32 to index
      %parallel_loop3A_573 = arith.index_cast %parallel_loop3A_562 : i32 to index
      %parallel_loop3A_574 = tpu.vector_load %arg11[%parallel_loop3A_572, %parallel_loop3A_573] {strides = array<i32>} : memref<32x1024xf32, #tpu.memory_space<vmem>>, vector<1x16xf32>,
      %parallel_loop3A_575 = vector.shape_cast %parallel_loop3A_574 : vector<1x16xf32> to vector<16xf32>
      %parallel_loop3A_576 = vector.shape_cast %parallel_loop3A_571 : vector<16xf32> to vector<1x16xf32>
      tpu.vector_store %arg11[%parallel_loop3A_572, %parallel_loop3A_573], %parallel_loop3A_576 {strides = array<i32>} : memref<32x1024xf32, #tpu.memory_space<vmem>>, vector<1x16xf32>,
    } {sc.loop_unroll_factor = 8 : i64, sc.parallel_access}
    %add3A_522 = arith.constant 448 : i32
    %add3A_523 = arith.addi %mul3A_2, %add3A_522 : i32
    %dma_start3A_524 = arith.constant 0 : i32
    %dma_start3A_525 = tpu.memref_slice %arg4[%add3A_523, %dma_start3A_524] : memref<16384x1024xf32, #tpu.memory_space<hbm>> -> memref<32x1024xf32, #tpu.memory_space<hbm>>
    %dma_start3A_526 = arith.constant 0 : i32
    %dma_start3A_527 = tpu.memref_slice %arg4[%add3A_523, %dma_start3A_526] : memref<16384x1024xf32, #tpu.memory_space<hbm>> -> memref<32x1024xf32, #tpu.memory_space<hbm>>
    tpu.enqueue_dma source(%arg11 : memref<32x1024xf32, #tpu.memory_space<vmem>>) target(%dma_start3A_527 : memref<32x1024xf32, #tpu.memory_space<hbm>>) target_semaphore(%arg17 : memref<!tpu.dma_semaphore, #tpu.memory_space<semaphore_mem>>)
    %dma_wait3A_528 = arith.constant 0 : i32
    %dma_wait3A_529 = arith.constant 0 : i32
    %dma_wait3A_530 = tpu.memref_slice %arg3[%dma_wait3A_528, %dma_wait3A_529] : memref<100000x1024xf32, #tpu.memory_space<hbm>> -> memref<100000x1024xf32, #tpu.memory_space<hbm>>
    tpu.wait_indirect_dma semaphore(%arg12 : memref<!tpu.dma_semaphore, #tpu.memory_space<semaphore_mem>>) src(%dma_wait3A_530 : memref<100000x1024xf32, #tpu.memory_space<hbm>>) dst(%arg9 : memref<32x1024xf32, #tpu.memory_space<vmem>>)
    %parallel_loop3A_531 = arith.constant 0 : i32
    %parallel_loop3A_532 = arith.constant 2048 : i32
    %parallel_loop3A_533 = arith.constant 1 : i32
    scf.for %parallel_loop3A_558 = %parallel_loop3A_531 to %parallel_loop3A_532 step %parallel_loop3A_533  : i32 {
      %parallel_loop3A_559 = arith.constant 63 : i32
      %parallel_loop3A_560 = arith.andi %parallel_loop3A_558, %parallel_loop3A_559 : i32
      %parallel_loop3A_561 = arith.constant 16 : i32
      %parallel_loop3A_562 = arith.muli %parallel_loop3A_560, %parallel_loop3A_561 : i32
      %parallel_loop3A_563 = arith.constant 6 : i32
      %parallel_loop3A_564 = arith.shrsi %parallel_loop3A_558, %parallel_loop3A_563 : i32
      %parallel_loop3A_565 = arith.index_cast %parallel_loop3A_564 : i32 to index
      %parallel_loop3A_566 = arith.index_cast %parallel_loop3A_562 : i32 to index
      %parallel_loop3A_567 = tpu.vector_load %arg9[%parallel_loop3A_565, %parallel_loop3A_566] {strides = array<i32>} : memref<32x1024xf32, #tpu.memory_space<vmem>>, vector<1x16xf32>,
      %parallel_loop3A_568 = vector.shape_cast %parallel_loop3A_567 : vector<1x16xf32> to vector<16xf32>
      %parallel_loop3A_569 = arith.constant 3.200000e+01 : f32
      %parallel_loop3A_570 = vector.broadcast %parallel_loop3A_569 : f32 to vector<16xf32>
      %parallel_loop3A_571 = arith.mulf %parallel_loop3A_568, %parallel_loop3A_570 : vector<16xf32>
      %parallel_loop3A_572 = arith.index_cast %parallel_loop3A_564 : i32 to index
      %parallel_loop3A_573 = arith.index_cast %parallel_loop3A_562 : i32 to index
      %parallel_loop3A_574 = tpu.vector_load %arg9[%parallel_loop3A_572, %parallel_loop3A_573] {strides = array<i32>} : memref<32x1024xf32, #tpu.memory_space<vmem>>, vector<1x16xf32>,
      %parallel_loop3A_575 = vector.shape_cast %parallel_loop3A_574 : vector<1x16xf32> to vector<16xf32>
      %parallel_loop3A_576 = vector.shape_cast %parallel_loop3A_571 : vector<16xf32> to vector<1x16xf32>
      tpu.vector_store %arg9[%parallel_loop3A_572, %parallel_loop3A_573], %parallel_loop3A_576 {strides = array<i32>} : memref<32x1024xf32, #tpu.memory_space<vmem>>, vector<1x16xf32>,
    } {sc.loop_unroll_factor = 8 : i64, sc.parallel_access}
    %add3A_534 = arith.constant 480 : i32
    %add3A_535 = arith.addi %mul3A_2, %add3A_534 : i32
    %dma_start3A_536 = arith.constant 0 : i32
    %dma_start3A_537 = tpu.memref_slice %arg4[%add3A_535, %dma_start3A_536] : memref<16384x1024xf32, #tpu.memory_space<hbm>> -> memref<32x1024xf32, #tpu.memory_space<hbm>>
    %dma_start3A_538 = arith.constant 0 : i32
    %dma_start3A_539 = tpu.memref_slice %arg4[%add3A_535, %dma_start3A_538] : memref<16384x1024xf32, #tpu.memory_space<hbm>> -> memref<32x1024xf32, #tpu.memory_space<hbm>>
    tpu.enqueue_dma source(%arg9 : memref<32x1024xf32, #tpu.memory_space<vmem>>) target(%dma_start3A_539 : memref<32x1024xf32, #tpu.memory_space<hbm>>) target_semaphore(%arg15 : memref<!tpu.dma_semaphore, #tpu.memory_space<semaphore_mem>>)
    %add3A_540 = arith.constant 416 : i32
    %add3A_541 = arith.addi %mul3A_2, %add3A_540 : i32
    %dma_wait3A_542 = arith.constant 0 : i32
    %dma_wait3A_543 = tpu.memref_slice %arg4[%add3A_541, %dma_wait3A_542] : memref<16384x1024xf32, #tpu.memory_space<hbm>> -> memref<32x1024xf32, #tpu.memory_space<hbm>>
    %dma_wait3A_544 = arith.constant 0 : i32
    %dma_wait3A_545 = tpu.memref_slice %arg4[%add3A_541, %dma_wait3A_544] : memref<16384x1024xf32, #tpu.memory_space<hbm>> -> memref<32x1024xf32, #tpu.memory_space<hbm>>
    tpu.wait_dma2 semaphore(%arg16 : memref<!tpu.dma_semaphore, #tpu.memory_space<semaphore_mem>>) src(%arg10 : memref<32x1024xf32, #tpu.memory_space<vmem>>) dst(%dma_wait3A_545 : memref<32x1024xf32, #tpu.memory_space<hbm>>)
    %add3A_546 = arith.constant 448 : i32
    %add3A_547 = arith.addi %mul3A_2, %add3A_546 : i32
    %dma_wait3A_548 = arith.constant 0 : i32
    %dma_wait3A_549 = tpu.memref_slice %arg4[%add3A_547, %dma_wait3A_548] : memref<16384x1024xf32, #tpu.memory_space<hbm>> -> memref<32x1024xf32, #tpu.memory_space<hbm>>
    %dma_wait3A_550 = arith.constant 0 : i32
    %dma_wait3A_551 = tpu.memref_slice %arg4[%add3A_547, %dma_wait3A_550] : memref<16384x1024xf32, #tpu.memory_space<hbm>> -> memref<32x1024xf32, #tpu.memory_space<hbm>>
    tpu.wait_dma2 semaphore(%arg17 : memref<!tpu.dma_semaphore, #tpu.memory_space<semaphore_mem>>) src(%arg11 : memref<32x1024xf32, #tpu.memory_space<vmem>>) dst(%dma_wait3A_551 : memref<32x1024xf32, #tpu.memory_space<hbm>>)
    %add3A_552 = arith.constant 480 : i32
    %add3A_553 = arith.addi %mul3A_2, %add3A_552 : i32
    %dma_wait3A_554 = arith.constant 0 : i32
    %dma_wait3A_555 = tpu.memref_slice %arg4[%add3A_553, %dma_wait3A_554] : memref<16384x1024xf32, #tpu.memory_space<hbm>> -> memref<32x1024xf32, #tpu.memory_space<hbm>>
    %dma_wait3A_556 = arith.constant 0 : i32
    %dma_wait3A_557 = tpu.memref_slice %arg4[%add3A_553, %dma_wait3A_556] : memref<16384x1024xf32, #tpu.memory_space<hbm>> -> memref<32x1024xf32, #tpu.memory_space<hbm>>
    tpu.wait_dma2 semaphore(%arg15 : memref<!tpu.dma_semaphore, #tpu.memory_space<semaphore_mem>>) src(%arg9 : memref<32x1024xf32, #tpu.memory_space<vmem>>) dst(%dma_wait3A_557 : memref<32x1024xf32, #tpu.memory_space<hbm>>)
    return
  }
}

</mosaic_0001>

<sc_bundles>
// kernel: kernel.3.cloned.1.call-start
scs
__scs_entry_jumppad:
0x0: {  	(pc) =	sbr.rel $0x88, $3  }
0x1: {  	(tag) =	ssettag $0x0;
	lr =	simm.s32 $0x1  }
0x2: {  	[smem:$0x3F9F] =	sst lr;
	_ =	strace $0xD0000000  }
0x3: {  	_ = 	snop  }
0x4: {  	_ = 	snop  }
0x5: {  	_ = 	snop  }
0x6: {  	_ = 	snop  }
0x7: {  	_ = 	snop  }
__scs_overlays_trampoline_lowered:
0x8: {  	[smem:$0x3FAE] =	sst s0  }
0x9: {  	[smem:$0x3FAF] =	sst s1  }
0xa: {  	[smem:$0x3FB0] =	sst s2  }
0xb: {  	[smem:$0x3FB1] =	sst s3  }
0xc: {  	[smem:$0x3FB2] =	sst s4  }
0xd: {  	[smem:$0x3FB3] =	sst s5  }
0xe: {  	[smem:$0x3FB4] =	sst s6  }
0xf: {  	[smem:$0x3FB5] =	sst s7  }
0x10: {  	[smem:$0x3FB6] =	sst s8  }
0x11: {  	[smem:$0x3FB7] =	sst s9;
	s0 =	simm.s32 @!p0 $0x0  }
0x12: {  	s1 =	sld [smem:$0x3F9D];
	s0 =	simm.s32 @p0 $0x1  }
0x13: {  	[smem:$0x3FB8] =	sst s0;
	s0 =	simm.s32 @!p1 $0x0  }
0x14: {  	s2 =	sld [smem:$0x3F9C];
	s0 =	simm.s32 @p1 $0x1  }
0x15: {  	[smem:$0x3FB9] =	sst s0;
	s0 =	simm.s32 @!p2 $0x0  }
0x16: {  	s3 =	sld [smem:$0x3FDB];
	s0 =	simm.s32 @p2 $0x1  }
0x17: {  	s4 =	simm.s32 $0x1BF5;
	[smem:$0x3FBB] =	sst s0  }
0x18: {  	s0 =	sld [smem:$0x3F9E];
	_ =	swait.ge [sflag:s4], $0x0  }
0x19: {  	s7 =	sld [smem:$0x3F9F]  }
0x1a: {  	s8 =	sadd.s32 $0xFFFFE003, lr  }
0x1b: {  	s9 =	sadd.s32 $0xFFFFFEF7, lr;
	s5 =	simm.s32 $0xFFFFFFFF;
	p2 =	slt.u32 s8, $0xFFFFF086  }
0x1c: {  	p1 =	slt.u32 s9, $0xF7A;
	s5 =	simm.s32 @!p2 $0x0  }
0x1d: {  	s5 =	simm.s32 @p1 $0x1;
	p0 =	seq.s32 s7, s2  }
0x1e: {  	s7 =	smul.u32 @!p0 $0xF7A, s2;
	p2 =	seq.s32 @!p0 s5, $0x0  }
0x1f: {  	s9 =	smul.u32 $0xF7A, s1;
	s8 =	simm.s32 @!p0 $0x1BF5;
	p2 =	por !p2, p0  }
0x20: {  	[sflag:s8] =	ssyncset.s32 @!p0 $0xFFFFF086;
	s6 =	sadd.s32 @!p0 s3, s7;
	s7 =	simm.s32 @!p0 $0x108  }
0x21: {  	s3 =	sadd.s32 s3, s9;
	s6 =	sadd.s32 @!p0 $0x88, s6;
	s7 =	simm.s32 @p2 $0x1082  }
0x22: {  	[simem:s7], [sflag:s8] =	dma.local @!p0 [hbm:s6], $0xF7A  }
0x23: {  	s9 =	sor.u32 $0xD0000000, s2;
	s6 =	simm.s32 $0x108;
	_ =	swait.ge @!p0 [sflag:s8], $0x0  }
0x24: {  	s3 =	sadd.s32 $0x88, s3;
	s6 =	simm.s32 @!p1 $0x1082;
	[sflag:s4] =	ssyncset.s32 $0xFFFFF086  }
0x25: {  	[simem:s6], [sflag:s4] =	dma.local [hbm:s3], $0xF7A  }
0x26: {  	[smem:$0x3F9F] =	sst s1;
	(tag) =	ssettag s2;
	_ =	strace s9  }
0x27: {  	s1 =	sld [smem:$0x3FAF]  }
0x28: {  	s2 =	sld [smem:$0x3FB0]  }
0x29: {  	s4 =	sld [smem:$0x3FB2]  }
0x2a: {  	p0 =	seq.s32 s5, $0x0;
	s5 =	sld [smem:$0x3FB3]  }
0x2b: {  	s6 =	sld [smem:$0x3FB4]  }
0x2c: {  	s7 =	sld [smem:$0x3FB5]  }
0x2d: {  	s3 =	simm.s32 $0x108;
	s8 =	sld [smem:$0x3FB6]  }
0x2e: {  	s3 =	simm.s32 @!p0 $0x1082;
	s9 =	sld [smem:$0x3FB7]  }
0x2f: {  	lr =	sadd.s32 s0, s3;
	s0 =	sld [smem:$0x3FAE]  }
0x30: {  	s3 =	sld [smem:$0x3FB1]  }
0x31: {  	[smem:$0x3FBA] =	sst s10  }
0x32: {  	s10 =	sld [smem:$0x3FB8];
	_ =	sdelay $0x3  }
0x33: {  	p0 =	seq.s32 s10, $0x1;
	s10 =	sld [smem:$0x3FBA];
	_ =	sdelay $0x3  }
0x34: {  	[smem:$0x3FBA] =	sst s10  }
0x35: {  	s10 =	sld [smem:$0x3FB9];
	_ =	sdelay $0x3  }
0x36: {  	p1 =	seq.s32 s10, $0x1;
	s10 =	sld [smem:$0x3FBA];
	_ =	sdelay $0x3  }
0x37: {  	[smem:$0x3FBA] =	sst s10  }
0x38: {  	s10 =	sld [smem:$0x3FBB]  }
0x39: {  	_ = 	snop;
	(pc) =	sbr.ind lr, $3  }
0x3a: {  	_ = 	snop  }
0x3b: {  	_ = 	snop  }
0x3c: {  	p2 =	seq.s32 s10, $0x1;
	s10 =	sld [smem:$0x3FBA]  }
0x3d: {  	_ =	shalt  }
0x3e: {  	_ =	shalt  }
0x3f: {  	_ =	shalt  }
0x40: {  	_ =	shalt  }
0x41: {  	_ =	shalt  }
0x42: {  	_ =	shalt  }
0x43: {  	_ =	shalt  }
0x44: {  	_ =	shalt  }
0x45: {  	_ =	shalt  }
0x46: {  	_ =	shalt  }
0x47: {  	_ =	shalt  }
0x48: {  	_ =	shalt  }
0x49: {  	_ =	shalt  }
0x4a: {  	_ =	shalt  }
0x4b: {  	_ =	shalt  }
0x4c: {  	_ =	shalt  }
0x4d: {  	_ =	shalt  }
0x4e: {  	_ =	shalt  }
0x4f: {  	_ =	shalt  }
0x50: {  	_ =	shalt  }
0x51: {  	_ =	shalt  }
0x52: {  	_ =	shalt  }
0x53: {  	_ =	shalt  }
0x54: {  	_ =	shalt  }
0x55: {  	_ =	shalt  }
0x56: {  	_ =	shalt  }
0x57: {  	_ =	shalt  }
0x58: {  	_ =	shalt  }
0x59: {  	_ =	shalt  }
0x5a: {  	_ =	shalt  }
0x5b: {  	_ =	shalt  }
0x5c: {  	_ =	shalt  }
0x5d: {  	_ =	shalt  }
0x5e: {  	_ =	shalt  }
0x5f: {  	_ =	shalt  }
0x60: {  	_ =	shalt  }
0x61: {  	_ =	shalt  }
0x62: {  	_ =	shalt  }
0x63: {  	_ =	shalt  }
0x64: {  	_ =	shalt  }
0x65: {  	_ =	shalt  }
0x66: {  	_ =	shalt  }
0x67: {  	_ =	shalt  }
0x68: {  	_ =	shalt  }
0x69: {  	_ =	shalt  }
0x6a: {  	_ =	shalt  }
0x6b: {  	_ =	shalt  }
0x6c: {  	_ =	shalt  }
0x6d: {  	_ =	shalt  }
0x6e: {  	_ =	shalt  }
0x6f: {  	_ =	shalt  }
0x70: {  	_ =	shalt  }
0x71: {  	_ =	shalt  }
0x72: {  	_ =	shalt  }
0x73: {  	_ =	shalt  }
0x74: {  	_ =	shalt  }
0x75: {  	_ =	shalt  }
0x76: {  	_ =	shalt  }
0x77: {  	_ =	shalt  }
0x78: {  	_ =	shalt  }
0x79: {  	_ =	shalt  }
0x7a: {  	_ =	shalt  }
0x7b: {  	_ =	shalt  }
0x7c: {  	_ =	shalt  }
0x7d: {  	_ =	shalt  }
0x7e: {  	_ =	shalt  }
0x7f: {  	_ =	shalt  }
0x80: {  	_ =	shalt  }
0x81: {  	_ =	shalt  }
0x82: {  	_ =	shalt  }
0x83: {  	_ =	shalt  }
0x84: {  	_ =	shalt  }
0x85: {  	_ =	shalt  }
0x86: {  	_ =	shalt  }
0x87: {  	_ =	shalt  }
.Lfunc_end0:
.L_simem_size_0:
called_computation_lowered:
.L_overlay_start_0:
0x88: {  	s2 =	sld [smem:$0x3FD9]  }
0x89: {  	s3 =	sld [smem:$0x3FFE];
	_ =	sdelay $0x1  }
0x8a: {  	s1 =	srdreg.scid  }
0x8b: {  	s0 =	sand.u32 $0x1, s1  }
0x8c: {  	s17 =	sshll.u32 s0, $0xA;
	s2 =	sadd.s32 s3, s2  }
0x8d: {  	s2 =	sadd.s32 s2, s17  }
0x8e: {  	[smem:$0x3FC6] =	sst s2  }
0x8f: {  	_ = 	snop  }
0x90: {  	s2 =	sld [smem:$0x3FC8]  }
0x91: {  	s18 =	sld [smem:$0x3FD0];
	(tm) =	ssettm $0x1  }
0x92: {  	s4 =	sld [smem:$0x3FFB];
	_ =	sdelay $0x3  }
0x93: {  	_ =	strace s4  }
0x94: {  	s4 =	sld [smem:$0x3FFC];
	_ =	sdelay $0x3  }
0x95: {  	_ =	strace s4  }
0x96: {  	s4 =	sld [smem:$0x3FFD];
	_ =	sdelay $0x3  }
0x97: {  	_ =	strace s4  }
0x98: {  	_ =	strace $0x8FFFFFFF  }
0x99: {  	s19 =	sld [smem:$0x3FDB];
	_ =	sdelay $0x1  }
0x9a: {  	s5 =	simm.s32 $_scs_section_size  }
0x9b: {  	s6 =	simm.s32 $_size__tile_overlayer_lowered;
	s7 =	simm.s32 $_tile_overlayer_lowered  }
0x9c: {  	s22 =	simm.s32 $0x1BFF;
	s21 =	sshll.u32 s7, $0x1;
	s4 =	sadd.s32 s5, s19  }
0x9d: {  	s8 =	simm.s32 $0x0;
	s20 =	sshll.u32 s6, $0x1;
	s6 =	sadd.s32 s21, s4  }
0x9e: {  	[timem:s8], [sflag:s22] =	dma.local [hbm:s6], s20  }
0x9f: {  	_ =	swait.ge [sflag:s22], s20  }
0xa0: {  	s5 =	ssub.s32 $0x0, s20;
	[sflag:s22] =	ssyncset.done $0x0  }
0xa1: {  	[sflag:s22] =	ssyncadd.s32 s5;
	_ =	sdelay $0x1  }
0xa2: {  	s23 =	simm.s32 $0x1B8B  }
0xa3: {  	_ =	swait.ge [sflag:s23], $0x1  }
0xa4: {  	[sflag:s23] =	ssyncset.done $0x0  }
0xa5: {  	s25 =	simm.s32 $0x1B8E;
	s24 =	sld [smem:$0x3FFE];
	[sflag:s23] =	ssyncadd.s32 $0xFFFFFFFF  }
0xa6: {  	s26 =	simm.s32 $execute0_lowered;
	[smem:$0x3FD2] =	sst s25  }
0xa7: {  	s6 =	sshll.u32 s26, $0x1;
	_ =	strace $0x80000046;
	[dreg:$0x1] =	wrdreg $0xFFFFFFFF  }
0xa8: {  	s28 =	simm.s32 $_size_execute0_lowered;
	s4 =	sadd.s32 s4, s6;
	[dreg:$0x0] =	wrdreg $0x0  }
0xa9: {  	s6 =	sshll.u32 s28, $0x1;
	[dreg:$0x2] =	wrdreg s4  }
0xaa: {  	[dreg:$0x3] =	wrdreg s6  }
0xab: {  	[dreg:$0x4] =	wrdreg $0xC0  }
0xac: {  	_ =	task [dreg:s8], $0x5FFFF  }
0xad: {  	[dreg:$0x1] =	wrdreg $0xFFFFFFFF  }
0xae: {  	[dreg:$0x0] =	wrdreg $0x60  }
0xaf: {  	[dreg:$0x2] =	wrdreg s24  }
0xb0: {  	[dreg:$0x3] =	wrdreg s2  }
0xb1: {  	[dreg:$0x4] =	wrdreg s18  }
0xb2: {  	[dreg:$0x5] =	wrdreg $0x9  }
0xb3: {  	_ =	task.clear_ibuf [dreg:s8], $0x6FFFF;
	_ =	strace $0x90000046  }
0xb4: {  	s29 =	simm.s32 $0x9;
	_ =	strace $0x80000048  }
0xb5: {  	_ =	swait.ge [sflag:s29], $0x1  }
0xb6: {  	[sflag:s29] =	ssyncadd.s32 $0xFFFFFFFF  }
0xb7: {  	_ =	strace $0x90000048  }
0xb8: {  	_ =	sfence  }
0xb9: {  	s30 =	sld [smem:$0x0];
	_ =	sdelay $0x2  }
0xba: {  	s31 =	sshll.u32 s1, $0xD;
	s1 =	sshrl.u32 s1, $0x2  }
0xbb: {  	s3 =	sand.u32 $0x4000, s31;
	s1 =	sadd.s32 s1, s30  }
0xbc: {  	s0 =	sor.u32 s3, s0;
	s1 =	sshll.u32 s1, $0x11  }
0xbd: {  	s0 =	sor.u32 s1, s0  }
0xbe: {  	s0 =	sadd.s32 $0x8F2B, s0  }
0xbf: {  	[sflag:s0] =	ssyncadd.remote.s32 $0x1  }
0xc0: {  	_ =	sfence.sel $0xFFFF  }
0xc1: {  	[dreg:$0x0] =	wrdreg $0xFFFFFFFF;
	(pc) =	sbr.abs _section_cstart, $3  }
0xc2: {  	[dreg:$0x1] =	wrdreg $0xFFFFFFFF  }
0xc3: {  	_ =	task.clear_ibuf [dreg:s8], $0x2FFFF;
	_ =	strace $0x9FFFFFFF  }
0xc4: {  	(tm) =	ssettm $0x7FFFFFFF  }
0xc5: {  	_ =	shalt  }
tec
execute0_lowered:
.L_overlay_start_1:
0x0: {  	(tag) =	ssettag $0x1  }
0x1: {  	s0 =	rddreg [dreg:$0x0]  }
0x2: {  	s2 =	rddreg [dreg:$0x1];
	s3 =	srdreg.scid  }
0x3: {  	s1 =	rddreg [dreg:$0x2];
	s6 =	stileid.u32;
	s4 =	sand.u32 $0x1, s3  }
0x4: {  	s5 =	sshll.u32 s6, $0x1;
	s3 =	simm.s32 $0x0;
	s6 =	sshll.u32 s6, $0x7  }
0x5: {  	s5 =	sor.u32 s4, s5;
	[smem:$0x7FF] =	sst s3;
	s4 =	ssub.s32 $0x2, s4  }
0x6: {  	s6 =	sand.u32 $0x600, s6;
	s7 =	sshll.u32 s5, $0x4;
	s14 =	sshrl.u32 s4, $0x1  }
0x7: {  	s0 =	sadd.s32 s6, s0;
	s13 =	sand.u32 $0x70, s7;
	s4 =	ssub.s32 s4, s14  }
0x8: {  	_ =	strace $0x80000047;
	s0 =	sadd.s32 s13, s0;
	s31 =	smax.u32 s4, $0x1  }
0x9: {  	s15 =	sshll.u32 s5, $0x10;
	s0 =	sadd.s32 $0x400, s0;
	[dreg:$0x15] =	wrdreg s31  }
0xa: {  	[dreg:$0x4] =	wrdreg s0;
	s0 =	sadd.s32 s1, s15  }
0xb: {  	s1 =	sadd.s32 $0x1000, s0;
	[dreg:$0x5] =	wrdreg s0  }
0xc: {  	s16 =	sadd.s32 $0x2000, s0;
	[dreg:$0x6] =	wrdreg s1  }
0xd: {  	s17 =	sadd.s32 $0x3000, s0;
	[dreg:$0x7] =	wrdreg s16  }
0xe: {  	s18 =	sadd.s32 $0x4000, s0;
	[dreg:$0x8] =	wrdreg s17  }
0xf: {  	s19 =	sadd.s32 $0x5000, s0;
	[dreg:$0x9] =	wrdreg s18  }
0x10: {  	s29 =	simm.s32 $0x380;
	s20 =	sadd.s32 $0x6000, s0;
	[dreg:$0xa] =	wrdreg s19  }
0x11: {  	s9 =	simm.s32 $0x4380;
	s21 =	sadd.s32 $0x7000, s0;
	[dreg:$0xb] =	wrdreg s20  }
0x12: {  	s10 =	simm.s32 $0x4B80;
	s22 =	sadd.s32 $0x8000, s0;
	[dreg:$0xc] =	wrdreg s21  }
0x13: {  	s11 =	simm.s32 $0x5380;
	s23 =	sadd.s32 $0x9000, s0;
	[dreg:$0xd] =	wrdreg s22  }
0x14: {  	s12 =	simm.s32 $0x5B80;
	s24 =	sadd.s32 $0xA000, s0;
	[dreg:$0xe] =	wrdreg s23  }
0x15: {  	s8 =	sadd.s32 $0x300, s2;
	s25 =	sadd.s32 $0xB000, s0;
	[dreg:$0xf] =	wrdreg s24  }
0x16: {  	s5 =	sadd.s32 $0x100, s2;
	s26 =	sadd.s32 $0xC000, s0;
	[dreg:$0x10] =	wrdreg s25  }
0x17: {  	s6 =	sadd.s32 $0x200, s2;
	s28 =	sadd.s32 $0xD000, s0;
	[dreg:$0x11] =	wrdreg s26  }
0x18: {  	s14 =	simm.s32 $0x6B80;
	s30 =	sadd.s32 $0xE000, s0;
	[dreg:$0x12] =	wrdreg s28  }
0x19: {  	s7 =	simm.s32 $0x10380;
	s0 =	sadd.s32 $0xF000, s0;
	[dreg:$0x13] =	wrdreg s30  }
0x1a: {  	s13 =	simm.s32 $0x6380;
	s15 =	simm.s32 $0x7380;
	[dreg:$0x14] =	wrdreg s0  }
0x1b: {  	v2 =	vlaneseq.u32;
	s16 =	simm.s32 $0x7B80;
	s17 =	simm.s32 $0x8380;
	s24 =	simm.s32 $0x1  }
0x1c: {  	vm0 =	vmmov $0xffff;
	v1 =	vshrl.u32 v2, $0x3;
	s18 =	simm.s32 $0x2;
	s19 =	simm.s32 $0x4;
	s20 =	simm.s32 $0x3  }
0x1d: {  	v0 =	vand.u32 $0x7, v2;
	v2 =	vor.u32 $0x8, v2;
	v1 =	vmul.u32 $0x8, v1;
	s21 =	simm.s32 $0x5;
	s22 =	simm.s32 $0x6;
	s23 =	simm.s32 $0x0  }
.LBB2_1:
0x1e: {  	s0 =	rddreg [dreg:$0x4]  }
0x1f: {  	s1 =	simm.s32 $0x80;
	s4 =	simm.s32 $0x400;
	s31 =	simm.s32 $0x7  }
0x20: {  	[tilespmem:s3], [sflag:$0x7] =	stream.strided.gather [hbm4b:s0+s1], $0x200, s4, s1, $0x38;
	[tilespmem:$0x18380] =	vst v63  }
0x21: {  	_ =	swait.ge [sflag:s31], $0x200  }
0x22: {  	[sflag:s31] =	ssyncset.done $0x0  }
0x23: {  	[sflag:s31] =	ssyncadd.s32 $0xFFFFFE00  }
0x24: {  	v3 =	vld [tilespmem:$0x0];
	_ =	sdelay $0x4  }
0x25: {  	v4 =	vshll.u32 v3, $0x3  }
0x26: {  	v5 =	vand.u32 $0x7, v3;
	v4 =	vand.u32 $0xFFFFFFC0, v4  }
0x27: {  	v4 =	vor.u32 v5, v4  }
0x28: {  	v5 =	vperm.xlane v4, v0  }
0x29: {  	v6 =	vld [tilespmem:$0x10]  }
0x2a: {  	v5 =	vadd.s32 v1, v5;
	_ =	sdelay $0x2  }
0x2b: {  	[tilespmem:$0x200] =	vst v3  }
0x2c: {  	[tilespmem:$0x210] =	vst v6  }
0x2d: {  	[tilespmem:s29], [sflag:$0x1] =	stream.indirect_vreg.gather [hbm4b:s2+s3], $0x80, v5, vm0, $0xb8;
	[tilespmem:$0x18380] =	vst v63  }
0x2e: {  	s1 =	simm.s32 $0xB80;
	v3 =	vperm.xlane v4, v2  }
0x2f: {  	[tilespmem:s1], [sflag:$0x1] =	stream.indirect_vreg.gather [hbm4b:s5+s3], $0x80, v5, vm0, $0xb8;
	[tilespmem:$0x18380] =	vst v63  }
0x30: {  	s4 =	simm.s32 $0x1380;
	v3 =	vadd.s32 v1, v3  }
0x31: {  	[tilespmem:s4], [sflag:$0x1] =	stream.indirect_vreg.gather [hbm4b:s6+s3], $0x80, v5, vm0, $0xb8;
	[tilespmem:$0x18380] =	vst v63  }
0x32: {  	s25 =	simm.s32 $0x1B80  }
0x33: {  	[tilespmem:s25], [sflag:$0x1] =	stream.indirect_vreg.gather [hbm4b:s8+s3], $0x80, v5, vm0, $0xb8;
	[tilespmem:$0x18380] =	vst v63  }
0x34: {  	s26 =	simm.s32 $0x2380  }
0x35: {  	[tilespmem:s26], [sflag:$0x1] =	stream.indirect_vreg.gather [hbm4b:s2+s3], $0x80, v3, vm0, $0xb8;
	[tilespmem:$0x18380] =	vst v63  }
0x36: {  	s31 =	simm.s32 $0x2B80  }
0x37: {  	[tilespmem:s31], [sflag:$0x1] =	stream.indirect_vreg.gather [hbm4b:s5+s3], $0x80, v3, vm0, $0xb8;
	[tilespmem:$0x18380] =	vst v63  }
0x38: {  	s1 =	simm.s32 $0x3380  }
0x39: {  	[tilespmem:s1], [sflag:$0x1] =	stream.indirect_vreg.gather [hbm4b:s6+s3], $0x80, v3, vm0, $0xb8;
	[tilespmem:$0x18380] =	vst v63  }
0x3a: {  	s4 =	simm.s32 $0x3B80  }
0x3b: {  	[tilespmem:s4], [sflag:$0x1] =	stream.indirect_vreg.gather [hbm4b:s8+s3], $0x80, v3, vm0, $0xb8;
	[tilespmem:$0x18380] =	vst v63  }
0x3c: {  	v3 =	vld [tilespmem:$0x210];
	_ =	sdelay $0x4  }
0x3d: {  	v4 =	vshll.u32 v3, $0x3  }
0x3e: {  	v3 =	vand.u32 $0x7, v3;
	v4 =	vand.u32 $0xFFFFFFC0, v4  }
0x3f: {  	v3 =	vor.u32 v3, v4  }
0x40: {  	v4 =	vperm.xlane v3, v0;
	_ =	sdelay $0x1  }
0x41: {  	v4 =	vadd.s32 v1, v4;
	_ =	sdelay $0x4  }
0x42: {  	[tilespmem:s9], [sflag:$0x1] =	stream.indirect_vreg.gather [hbm4b:s2+s3], $0x80, v4, vm0, $0xb8;
	[tilespmem:$0x18380] =	vst v63  }
0x43: {  	v3 =	vperm.xlane v3, v2  }
0x44: {  	[tilespmem:s10], [sflag:$0x1] =	stream.indirect_vreg.gather [hbm4b:s5+s3], $0x80, v4, vm0, $0xb8;
	[tilespmem:$0x18380] =	vst v63  }
0x45: {  	v3 =	vadd.s32 v1, v3  }
0x46: {  	[tilespmem:s11], [sflag:$0x1] =	stream.indirect_vreg.gather [hbm4b:s6+s3], $0x80, v4, vm0, $0xb8;
	[tilespmem:$0x18380] =	vst v63  }
0x47: {  	_ = 	snop  }
0x48: {  	[tilespmem:s12], [sflag:$0x1] =	stream.indirect_vreg.gather [hbm4b:s8+s3], $0x80, v4, vm0, $0xb8;
	[tilespmem:$0x18380] =	vst v63  }
0x49: {  	_ = 	snop  }
0x4a: {  	[tilespmem:s13], [sflag:$0x1] =	stream.indirect_vreg.gather [hbm4b:s2+s3], $0x80, v3, vm0, $0xb8;
	[tilespmem:$0x18380] =	vst v63  }
0x4b: {  	_ = 	snop  }
0x4c: {  	[tilespmem:s14], [sflag:$0x1] =	stream.indirect_vreg.gather [hbm4b:s5+s3], $0x80, v3, vm0, $0xb8;
	[tilespmem:$0x18380] =	vst v63  }
0x4d: {  	_ = 	snop  }
0x4e: {  	[tilespmem:s15], [sflag:$0x1] =	stream.indirect_vreg.gather [hbm4b:s6+s3], $0x80, v3, vm0, $0xb8;
	[tilespmem:$0x18380] =	vst v63  }
0x4f: {  	_ = 	snop  }
0x50: {  	[tilespmem:s16], [sflag:$0x1] =	stream.indirect_vreg.gather [hbm4b:s8+s3], $0x80, v3, vm0, $0xb8;
	[tilespmem:$0x18380] =	vst v63  }
0x51: {  	v3 =	vld [tilespmem:$0x20];
	_ =	sdelay $0x4  }
0x52: {  	v4 =	vshll.u32 v3, $0x3  }
0x53: {  	v5 =	vand.u32 $0x7, v3;
	v4 =	vand.u32 $0xFFFFFFC0, v4  }
0x54: {  	v4 =	vor.u32 v5, v4  }
0x55: {  	v5 =	vperm.xlane v4, v0  }
0x56: {  	v6 =	vld [tilespmem:$0x30]  }
0x57: {  	v5 =	vadd.s32 v1, v5;
	_ =	sdelay $0x2  }
0x58: {  	[tilespmem:$0x280] =	vst v3  }
0x59: {  	[tilespmem:$0x290] =	vst v6  }
0x5a: {  	[tilespmem:s17], [sflag:$0x2] =	stream.indirect_vreg.gather [hbm4b:s2+s3], $0x80, v5, vm0, $0xb8;
	[tilespmem:$0x18380] =	vst v63  }
0x5b: {  	s25 =	simm.s32 $0x8B80;
	v3 =	vperm.xlane v4, v2  }
0x5c: {  	[tilespmem:s25], [sflag:$0x2] =	stream.indirect_vreg.gather [hbm4b:s5+s3], $0x80, v5, vm0, $0xb8;
	[tilespmem:$0x18380] =	vst v63  }
0x5d: {  	s26 =	simm.s32 $0x9380;
	v3 =	vadd.s32 v1, v3  }
0x5e: {  	[tilespmem:s26], [sflag:$0x2] =	stream.indirect_vreg.gather [hbm4b:s6+s3], $0x80, v5, vm0, $0xb8;
	[tilespmem:$0x18380] =	vst v63  }
0x5f: {  	s31 =	simm.s32 $0x9B80  }
0x60: {  	[tilespmem:s31], [sflag:$0x2] =	stream.indirect_vreg.gather [hbm4b:s8+s3], $0x80, v5, vm0, $0xb8;
	[tilespmem:$0x18380] =	vst v63  }
0x61: {  	s1 =	simm.s32 $0xA380  }
0x62: {  	[tilespmem:s1], [sflag:$0x2] =	stream.indirect_vreg.gather [hbm4b:s2+s3], $0x80, v3, vm0, $0xb8;
	[tilespmem:$0x18380] =	vst v63  }
0x63: {  	s4 =	simm.s32 $0xAB80  }
0x64: {  	[tilespmem:s4], [sflag:$0x2] =	stream.indirect_vreg.gather [hbm4b:s5+s3], $0x80, v3, vm0, $0xb8;
	[tilespmem:$0x18380] =	vst v63  }
0x65: {  	s25 =	simm.s32 $0xB380  }
0x66: {  	[tilespmem:s25], [sflag:$0x2] =	stream.indirect_vreg.gather [hbm4b:s6+s3], $0x80, v3, vm0, $0xb8;
	[tilespmem:$0x18380] =	vst v63  }
0x67: {  	s26 =	simm.s32 $0xBB80  }
0x68: {  	[tilespmem:s26], [sflag:$0x2] =	stream.indirect_vreg.gather [hbm4b:s8+s3], $0x80, v3, vm0, $0xb8;
	[tilespmem:$0x18380] =	vst v63  }
0x69: {  	v3 =	vld [tilespmem:$0x290];
	_ =	sdelay $0x4  }
0x6a: {  	v4 =	vshll.u32 v3, $0x3  }
0x6b: {  	v3 =	vand.u32 $0x7, v3;
	v4 =	vand.u32 $0xFFFFFFC0, v4  }
0x6c: {  	v3 =	vor.u32 v3, v4  }
0x6d: {  	v4 =	vperm.xlane v3, v0;
	_ =	sdelay $0x1  }
0x6e: {  	v4 =	vadd.s32 v1, v4;
	_ =	sdelay $0x3  }
0x6f: {  	s31 =	simm.s32 $0xC380  }
0x70: {  	[tilespmem:s31], [sflag:$0x2] =	stream.indirect_vreg.gather [hbm4b:s2+s3], $0x80, v4, vm0, $0xb8;
	[tilespmem:$0x18380] =	vst v63  }
0x71: {  	s1 =	simm.s32 $0xCB80;
	v3 =	vperm.xlane v3, v2  }
0x72: {  	[tilespmem:s1], [sflag:$0x2] =	stream.indirect_vreg.gather [hbm4b:s5+s3], $0x80, v4, vm0, $0xb8;
	[tilespmem:$0x18380] =	vst v63  }
0x73: {  	s4 =	simm.s32 $0xD380;
	v3 =	vadd.s32 v1, v3  }
0x74: {  	[tilespmem:s4], [sflag:$0x2] =	stream.indirect_vreg.gather [hbm4b:s6+s3], $0x80, v4, vm0, $0xb8;
	[tilespmem:$0x18380] =	vst v63  }
0x75: {  	s25 =	simm.s32 $0xDB80  }
0x76: {  	[tilespmem:s25], [sflag:$0x2] =	stream.indirect_vreg.gather [hbm4b:s8+s3], $0x80, v4, vm0, $0xb8;
	[tilespmem:$0x18380] =	vst v63  }
0x77: {  	s26 =	simm.s32 $0xE380  }
0x78: {  	[tilespmem:s26], [sflag:$0x2] =	stream.indirect_vreg.gather [hbm4b:s2+s3], $0x80, v3, vm0, $0xb8;
	[tilespmem:$0x18380] =	vst v63  }
0x79: {  	s31 =	simm.s32 $0xEB80  }
0x7a: {  	[tilespmem:s31], [sflag:$0x2] =	stream.indirect_vreg.gather [hbm4b:s5+s3], $0x80, v3, vm0, $0xb8;
	[tilespmem:$0x18380] =	vst v63  }
0x7b: {  	s1 =	simm.s32 $0xF380  }
0x7c: {  	[tilespmem:s1], [sflag:$0x2] =	stream.indirect_vreg.gather [hbm4b:s6+s3], $0x80, v3, vm0, $0xb8;
	[tilespmem:$0x18380] =	vst v63  }
0x7d: {  	s4 =	simm.s32 $0xFB80  }
0x7e: {  	[tilespmem:s4], [sflag:$0x2] =	stream.indirect_vreg.gather [hbm4b:s8+s3], $0x80, v3, vm0, $0xb8;
	[tilespmem:$0x18380] =	vst v63  }
0x7f: {  	_ =	swait.ge [sflag:s24], $0x8000  }
0x80: {  	[sflag:s24] =	ssyncset.done $0x0  }
0x81: {  	[sflag:s24] =	ssyncadd.s32 $0xFFFF8000  }
0x82: {  	v3 =	vld [tilespmem:$0x40];
	_ =	sdelay $0x4  }
0x83: {  	v4 =	vshll.u32 v3, $0x3  }
0x84: {  	v5 =	vand.u32 $0x7, v3;
	v4 =	vand.u32 $0xFFFFFFC0, v4  }
0x85: {  	v4 =	vor.u32 v5, v4  }
0x86: {  	v5 =	vperm.xlane v4, v0  }
0x87: {  	v6 =	vld [tilespmem:$0x50]  }
0x88: {  	v5 =	vadd.s32 v1, v5;
	_ =	sdelay $0x2  }
0x89: {  	[tilespmem:$0x300] =	vst v3  }
0x8a: {  	[tilespmem:$0x310] =	vst v6  }
0x8b: {  	[tilespmem:s7], [sflag:$0x3] =	stream.indirect_vreg.gather [hbm4b:s2+s3], $0x80, v5, vm0, $0xb8;
	[tilespmem:$0x18380] =	vst v63  }
0x8c: {  	s25 =	simm.s32 $0x10B80;
	v3 =	vperm.xlane v4, v2  }
0x8d: {  	[tilespmem:s25], [sflag:$0x3] =	stream.indirect_vreg.gather [hbm4b:s5+s3], $0x80, v5, vm0, $0xb8;
	[tilespmem:$0x18380] =	vst v63  }
0x8e: {  	s26 =	simm.s32 $0x11380;
	v3 =	vadd.s32 v1, v3  }
0x8f: {  	[tilespmem:s26], [sflag:$0x3] =	stream.indirect_vreg.gather [hbm4b:s6+s3], $0x80, v5, vm0, $0xb8;
	[tilespmem:$0x18380] =	vst v63  }
0x90: {  	s31 =	simm.s32 $0x11B80  }
0x91: {  	[tilespmem:s31], [sflag:$0x3] =	stream.indirect_vreg.gather [hbm4b:s8+s3], $0x80, v5, vm0, $0xb8;
	[tilespmem:$0x18380] =	vst v63  }
0x92: {  	s1 =	simm.s32 $0x12380  }
0x93: {  	[tilespmem:s1], [sflag:$0x3] =	stream.indirect_vreg.gather [hbm4b:s2+s3], $0x80, v3, vm0, $0xb8;
	[tilespmem:$0x18380] =	vst v63  }
0x94: {  	s4 =	simm.s32 $0x12B80  }
0x95: {  	[tilespmem:s4], [sflag:$0x3] =	stream.indirect_vreg.gather [hbm4b:s5+s3], $0x80, v3, vm0, $0xb8;
	[tilespmem:$0x18380] =	vst v63  }
0x96: {  	s25 =	simm.s32 $0x13380  }
0x97: {  	[tilespmem:s25], [sflag:$0x3] =	stream.indirect_vreg.gather [hbm4b:s6+s3], $0x80, v3, vm0, $0xb8;
	[tilespmem:$0x18380] =	vst v63  }
0x98: {  	s26 =	simm.s32 $0x13B80  }
0x99: {  	[tilespmem:s26], [sflag:$0x3] =	stream.indirect_vreg.gather [hbm4b:s8+s3], $0x80, v3, vm0, $0xb8;
	[tilespmem:$0x18380] =	vst v63  }
0x9a: {  	v3 =	vld [tilespmem:$0x310];
	_ =	sdelay $0x4  }
0x9b: {  	v4 =	vshll.u32 v3, $0x3  }
0x9c: {  	v3 =	vand.u32 $0x7, v3;
	v4 =	vand.u32 $0xFFFFFFC0, v4  }
0x9d: {  	v3 =	vor.u32 v3, v4  }
0x9e: {  	v4 =	vperm.xlane v3, v0;
	_ =	sdelay $0x1  }
0x9f: {  	v4 =	vadd.s32 v1, v4;
	_ =	sdelay $0x3  }
0xa0: {  	s31 =	simm.s32 $0x14380  }
0xa1: {  	[tilespmem:s31], [sflag:$0x3] =	stream.indirect_vreg.gather [hbm4b:s2+s3], $0x80, v4, vm0, $0xb8;
	[tilespmem:$0x18380] =	vst v63  }
0xa2: {  	s1 =	simm.s32 $0x14B80;
	v3 =	vperm.xlane v3, v2  }
0xa3: {  	[tilespmem:s1], [sflag:$0x3] =	stream.indirect_vreg.gather [hbm4b:s5+s3], $0x80, v4, vm0, $0xb8;
	[tilespmem:$0x18380] =	vst v63  }
0xa4: {  	s4 =	simm.s32 $0x15380;
	v3 =	vadd.s32 v1, v3  }
0xa5: {  	[tilespmem:s4], [sflag:$0x3] =	stream.indirect_vreg.gather [hbm4b:s6+s3], $0x80, v4, vm0, $0xb8;
	[tilespmem:$0x18380] =	vst v63  }
0xa6: {  	s25 =	simm.s32 $0x15B80  }
0xa7: {  	[tilespmem:s25], [sflag:$0x3] =	stream.indirect_vreg.gather [hbm4b:s8+s3], $0x80, v4, vm0, $0xb8;
	[tilespmem:$0x18380] =	vst v63  }
0xa8: {  	s28 =	simm.s32 $0x0;
	s26 =	simm.s32 $0x16380;
	s25 =	simm.s32 $0x0  }
0xa9: {  	[tilespmem:s26], [sflag:$0x3] =	stream.indirect_vreg.gather [hbm4b:s2+s3], $0x80, v3, vm0, $0xb8;
	[tilespmem:$0x18380] =	vst v63  }
0xaa: {  	s31 =	simm.s32 $0x16B80;
	s0 =	sand.u32 $0x6000, s25;
	s26 =	sand.u32 $0x1C00, s3  }
0xab: {  	[tilespmem:s31], [sflag:$0x3] =	stream.indirect_vreg.gather [hbm4b:s5+s3], $0x80, v3, vm0, $0xb8;
	[tilespmem:$0x18380] =	vst v63  }
0xac: {  	s28 =	sand.u32 $0x380, s28;
	s1 =	simm.s32 $0x17380;
	s0 =	sor.u32 s26, s0  }
0xad: {  	[tilespmem:s1], [sflag:$0x3] =	stream.indirect_vreg.gather [hbm4b:s6+s3], $0x80, v3, vm0, $0xb8;
	[tilespmem:$0x18380] =	vst v63  }
0xae: {  	s4 =	simm.s32 $0x17B80;
	s30 =	sor.u32 s0, s28  }
0xaf: {  	[tilespmem:s4], [sflag:$0x3] =	stream.indirect_vreg.gather [hbm4b:s8+s3], $0x80, v3, vm0, $0xb8;
	[tilespmem:$0x18380] =	vst v63  }
0xb0: {  	v3 =	vld [tilespmem:s30+$0x3F0]  }
0xb1: {  	v4 =	vld [tilespmem:s30+$0x380]  }
0xb2: {  	v5 =	vld [tilespmem:s30+$0x390]  }
0xb3: {  	v6 =	vld [tilespmem:s30+$0x3A0]  }
0xb4: {  	s31 =	simm.s32 $0x80;
	s0 =	simm.s32 $0x400;
	v8 =	vld [tilespmem:s30+$0x3B0]  }
0xb5: {  	s28 =	sand.u32 $0x1C00, s0;
	s1 =	sand.u32 $0x6000, s31;
	s31 =	simm.s32 $0x10;
	v10 =	vld [tilespmem:s30+$0x3C0];
	v3 =	vmul.f32 $3.200000000e+01, v3  }
0xb6: {  	s1 =	sor.u32 s28, s1;
	s28 =	sand.u32 $0x380, s31;
	v7 =	vld [tilespmem:s30+$0x3D0];
	v4 =	vmul.f32 $3.200000000e+01, v4  }
0xb7: {  	s28 =	sor.u32 s1, s28;
	v9 =	vmul.f32 $3.200000000e+01, v5;
	v5 =	vld [tilespmem:s30+$0x3E0];
	[tilespmem:s30+$0x3F0] =	vst v3  }
0xb8: {  	v11 =	vmul.f32 $3.200000000e+01, v6;
	v3 =	vld [tilespmem:s28+$0x3F0];
	[tilespmem:s30+$0x380] =	vst v4  }
0xb9: {  	v4 =	vld [tilespmem:s28+$0x380];
	[tilespmem:s30+$0x390] =	vst v9;
	v9 =	vmul.f32 $3.200000000e+01, v8  }
0xba: {  	s1 =	simm.s32 $0x8;
	v6 =	vld [tilespmem:s28+$0x390];
	[tilespmem:s30+$0x3A0] =	vst v11;
	v8 =	vmul.f32 $3.200000000e+01, v10  }
.LBB2_2:
0xbb: {  	s1 =	sadd.s32 $0x8, s1;
	v10 =	vld [tilespmem:s28+$0x3A0];
	[tilespmem:s30+$0x3B0] =	vst v9;
	v7 =	vmul.f32 $3.200000000e+01, v7  }
0xbc: {  	s0 =	sadd.s32 $0x400, s0;
	s31 =	sshll.u32 s1, $0x4;
	p0 =	slt.u32 s1, $0x7F8;
	v9 =	vld [tilespmem:s28+$0x3B0];
	[tilespmem:s30+$0x3C0] =	vst v8;
	v5 =	vmul.f32 $3.200000000e+01, v5  }
0xbd: {  	s25 =	sand.u32 $0x1C00, s0;
	s26 =	sshll.u32 s1, $0x1;
	s31 =	sand.u32 $0x6000, s31;
	v8 =	vld [tilespmem:s28+$0x3C0];
	v3 =	vmul.f32 $3.200000000e+01, v3;
	[tilespmem:s30+$0x3D0] =	vst v7  }
.Ltmp0:
0xbe: {  	s26 =	sand.u32 $0x380, s26;
	s25 =	sor.u32 s25, s31;
	v4 =	vmul.f32 $3.200000000e+01, v4;
	v7 =	vld [tilespmem:s28+$0x3D0];
	[tilespmem:s30+$0x3E0] =	vst v5;
	(pc) =	sbr.rel @p0 .LBB2_2-.Ltmp0, $4  }
0xbf: {  	s30 =	smov.u32 s28;
	v6 =	vmul.f32 $3.200000000e+01, v6;
	v5 =	vld [tilespmem:s28+$0x3E0];
	[tilespmem:s28+$0x3F0] =	vst v3;
	s28 =	sor.u32 s25, s26  }
0xc0: {  	v3 =	vld [tilespmem:s28+$0x3F0];
	[tilespmem:s30+$0x380] =	vst v4;
	v10 =	vmul.f32 $3.200000000e+01, v10  }
0xc1: {  	v4 =	vld [tilespmem:s28+$0x380];
	[tilespmem:s30+$0x390] =	vst v6;
	v9 =	vmul.f32 $3.200000000e+01, v9  }
0xc2: {  	v6 =	vld [tilespmem:s28+$0x390];
	[tilespmem:s30+$0x3A0] =	vst v10;
	v8 =	vmul.f32 $3.200000000e+01, v8  }
0xc3: {  	v10 =	vld [tilespmem:s28+$0x3A0];
	[tilespmem:s30+$0x3B0] =	vst v9;
	v7 =	vmul.f32 $3.200000000e+01, v7  }
0xc4: {  	v9 =	vld [tilespmem:s28+$0x3B0];
	[tilespmem:s30+$0x3C0] =	vst v8;
	v5 =	vmul.f32 $3.200000000e+01, v5  }
0xc5: {  	v8 =	vld [tilespmem:s28+$0x3C0];
	v3 =	vmul.f32 $3.200000000e+01, v3;
	[tilespmem:s30+$0x3D0] =	vst v7  }
0xc6: {  	v7 =	vld [tilespmem:s28+$0x3D0];
	v4 =	vmul.f32 $3.200000000e+01, v4;
	[tilespmem:s30+$0x3E0] =	vst v5  }
0xc7: {  	v5 =	vmul.f32 $3.200000000e+01, v6;
	v6 =	vld [tilespmem:s28+$0x3E0];
	[tilespmem:s28+$0x3F0] =	vst v3  }
0xc8: {  	[tilespmem:s28+$0x380] =	vst v4;
	v3 =	vmul.f32 $3.200000000e+01, v10  }
0xc9: {  	v4 =	vmul.f32 $3.200000000e+01, v9;
	[tilespmem:s28+$0x390] =	vst v5  }
0xca: {  	[tilespmem:s28+$0x3A0] =	vst v3;
	v3 =	vmul.f32 $3.200000000e+01, v8  }
0xcb: {  	[tilespmem:s28+$0x3B0] =	vst v4;
	v4 =	vmul.f32 $3.200000000e+01, v7  }
0xcc: {  	[tilespmem:s28+$0x3C0] =	vst v3;
	v3 =	vmul.f32 $3.200000000e+01, v6  }
0xcd: {  	[tilespmem:s28+$0x3D0] =	vst v4  }
0xce: {  	[tilespmem:s28+$0x3E0] =	vst v3  }
0xcf: {  	s0 =	simm.s32 $0x0;
	s1 =	rddreg [dreg:$0x5]  }
0xd0: {  	[hbm4b:s1+s0] =	stream.linear.scatter [tilespmem:s29], [sflag:$0x4], $0x8000, $0x38;
	[tilespmem:$0x18380] =	vst v63  }
0xd1: {  	_ =	swait.ge [sflag:s18], $0x8000  }
0xd2: {  	[sflag:s18] =	ssyncset.done $0x0  }
0xd3: {  	[sflag:s18] =	ssyncadd.s32 $0xFFFF8000  }
0xd4: {  	_ =	swait.ge [sflag:s19], $0x8000  }
0xd5: {  	[sflag:s19] =	ssyncset.done $0x0  }
0xd6: {  	[sflag:s19] =	ssyncadd.s32 $0xFFFF8000  }
0xd7: {  	v3 =	vld [tilespmem:$0x60];
	_ =	sdelay $0x4  }
0xd8: {  	v4 =	vshll.u32 v3, $0x3  }
0xd9: {  	v5 =	vand.u32 $0x7, v3;
	v4 =	vand.u32 $0xFFFFFFC0, v4  }
0xda: {  	v4 =	vor.u32 v5, v4  }
0xdb: {  	v5 =	vperm.xlane v4, v0  }
0xdc: {  	v6 =	vld [tilespmem:$0x70]  }
0xdd: {  	v5 =	vadd.s32 v1, v5;
	_ =	sdelay $0x2  }
0xde: {  	[tilespmem:$0x200] =	vst v3  }
0xdf: {  	[tilespmem:$0x210] =	vst v6  }
0xe0: {  	[tilespmem:s29], [sflag:$0x1] =	stream.indirect_vreg.gather [hbm4b:s2+s0], $0x80, v5, vm0, $0xb8;
	[tilespmem:$0x18380] =	vst v63  }
0xe1: {  	s31 =	simm.s32 $0xB80;
	v3 =	vperm.xlane v4, v2  }
0xe2: {  	[tilespmem:s31], [sflag:$0x1] =	stream.indirect_vreg.gather [hbm4b:s5+s0], $0x80, v5, vm0, $0xb8;
	[tilespmem:$0x18380] =	vst v63  }
0xe3: {  	s4 =	simm.s32 $0x1380;
	v3 =	vadd.s32 v1, v3  }
0xe4: {  	[tilespmem:s4], [sflag:$0x1] =	stream.indirect_vreg.gather [hbm4b:s6+s0], $0x80, v5, vm0, $0xb8;
	[tilespmem:$0x18380] =	vst v63  }
0xe5: {  	s25 =	simm.s32 $0x1B80  }
0xe6: {  	[tilespmem:s25], [sflag:$0x1] =	stream.indirect_vreg.gather [hbm4b:s8+s0], $0x80, v5, vm0, $0xb8;
	[tilespmem:$0x18380] =	vst v63  }
0xe7: {  	s26 =	simm.s32 $0x2380  }
0xe8: {  	[tilespmem:s26], [sflag:$0x1] =	stream.indirect_vreg.gather [hbm4b:s2+s0], $0x80, v3, vm0, $0xb8;
	[tilespmem:$0x18380] =	vst v63  }
0xe9: {  	s31 =	simm.s32 $0x2B80  }
0xea: {  	[tilespmem:s31], [sflag:$0x1] =	stream.indirect_vreg.gather [hbm4b:s5+s0], $0x80, v3, vm0, $0xb8;
	[tilespmem:$0x18380] =	vst v63  }
0xeb: {  	s4 =	simm.s32 $0x3380  }
0xec: {  	[tilespmem:s4], [sflag:$0x1] =	stream.indirect_vreg.gather [hbm4b:s6+s0], $0x80, v3, vm0, $0xb8;
	[tilespmem:$0x18380] =	vst v63  }
0xed: {  	s25 =	simm.s32 $0x3B80  }
0xee: {  	[tilespmem:s25], [sflag:$0x1] =	stream.indirect_vreg.gather [hbm4b:s8+s0], $0x80, v3, vm0, $0xb8;
	[tilespmem:$0x18380] =	vst v63  }
0xef: {  	v3 =	vld [tilespmem:$0x210];
	_ =	sdelay $0x4  }
0xf0: {  	v4 =	vshll.u32 v3, $0x3  }
0xf1: {  	v3 =	vand.u32 $0x7, v3;
	v4 =	vand.u32 $0xFFFFFFC0, v4  }
0xf2: {  	v3 =	vor.u32 v3, v4  }
0xf3: {  	v4 =	vperm.xlane v3, v0;
	_ =	sdelay $0x1  }
0xf4: {  	v4 =	vadd.s32 v1, v4;
	_ =	sdelay $0x4  }
0xf5: {  	[tilespmem:s9], [sflag:$0x1] =	stream.indirect_vreg.gather [hbm4b:s2+s0], $0x80, v4, vm0, $0xb8;
	[tilespmem:$0x18380] =	vst v63  }
0xf6: {  	v3 =	vperm.xlane v3, v2  }
0xf7: {  	[tilespmem:s10], [sflag:$0x1] =	stream.indirect_vreg.gather [hbm4b:s5+s0], $0x80, v4, vm0, $0xb8;
	[tilespmem:$0x18380] =	vst v63  }
0xf8: {  	v3 =	vadd.s32 v1, v3  }
0xf9: {  	[tilespmem:s11], [sflag:$0x1] =	stream.indirect_vreg.gather [hbm4b:s6+s0], $0x80, v4, vm0, $0xb8;
	[tilespmem:$0x18380] =	vst v63  }
0xfa: {  	_ = 	snop  }
0xfb: {  	[tilespmem:s12], [sflag:$0x1] =	stream.indirect_vreg.gather [hbm4b:s8+s0], $0x80, v4, vm0, $0xb8;
	[tilespmem:$0x18380] =	vst v63  }
0xfc: {  	_ = 	snop  }
0xfd: {  	[tilespmem:s13], [sflag:$0x1] =	stream.indirect_vreg.gather [hbm4b:s2+s0], $0x80, v3, vm0, $0xb8;
	[tilespmem:$0x18380] =	vst v63  }
0xfe: {  	_ = 	snop  }
0xff: {  	[tilespmem:s14], [sflag:$0x1] =	stream.indirect_vreg.gather [hbm4b:s5+s0], $0x80, v3, vm0, $0xb8;
	[tilespmem:$0x18380] =	vst v63  }
0x100: {  	_ = 	snop  }
0x101: {  	[tilespmem:s15], [sflag:$0x1] =	stream.indirect_vreg.gather [hbm4b:s6+s0], $0x80, v3, vm0, $0xb8;
	[tilespmem:$0x18380] =	vst v63  }
0x102: {  	s26 =	simm.s32 $0x0  }
0x103: {  	[tilespmem:s16], [sflag:$0x1] =	stream.indirect_vreg.gather [hbm4b:s8+s0], $0x80, v3, vm0, $0xb8;
	[tilespmem:$0x18380] =	vst v63  }
0x104: {  	s1 =	sand.u32 $0x6000, s26;
	s25 =	simm.s32 $0x0;
	s0 =	sand.u32 $0x1C00, s0  }
0x105: {  	s25 =	sand.u32 $0x380, s25;
	s0 =	sor.u32 s0, s1  }
0x106: {  	s30 =	sor.u32 s0, s25  }
0x107: {  	v3 =	vld [tilespmem:s30+$0x83F0]  }
0x108: {  	v4 =	vld [tilespmem:s30+$0x8380]  }
0x109: {  	v5 =	vld [tilespmem:s30+$0x8390]  }
0x10a: {  	v6 =	vld [tilespmem:s30+$0x83A0]  }
0x10b: {  	s31 =	simm.s32 $0x80;
	s0 =	simm.s32 $0x400;
	v8 =	vld [tilespmem:s30+$0x83B0]  }
0x10c: {  	s26 =	simm.s32 $0x10;
	s1 =	sand.u32 $0x6000, s31;
	s4 =	sand.u32 $0x1C00, s0;
	v10 =	vld [tilespmem:s30+$0x83C0];
	v3 =	vmul.f32 $3.200000000e+01, v3  }
0x10d: {  	s31 =	sand.u32 $0x380, s26;
	v7 =	vld [tilespmem:s30+$0x83D0];
	s1 =	sor.u32 s4, s1;
	v4 =	vmul.f32 $3.200000000e+01, v4  }
0x10e: {  	s28 =	sor.u32 s1, s31;
	v9 =	vmul.f32 $3.200000000e+01, v5;
	v5 =	vld [tilespmem:s30+$0x83E0];
	[tilespmem:s30+$0x83F0] =	vst v3  }
0x10f: {  	v11 =	vmul.f32 $3.200000000e+01, v6;
	v3 =	vld [tilespmem:s28+$0x83F0];
	[tilespmem:s30+$0x8380] =	vst v4  }
0x110: {  	v4 =	vld [tilespmem:s28+$0x8380];
	[tilespmem:s30+$0x8390] =	vst v9;
	v9 =	vmul.f32 $3.200000000e+01, v8  }
0x111: {  	s1 =	simm.s32 $0x8;
	v6 =	vld [tilespmem:s28+$0x8390];
	[tilespmem:s30+$0x83A0] =	vst v11;
	v8 =	vmul.f32 $3.200000000e+01, v10  }
.LBB2_4:
0x112: {  	s1 =	sadd.s32 $0x8, s1;
	v10 =	vld [tilespmem:s28+$0x83A0];
	[tilespmem:s30+$0x83B0] =	vst v9;
	v7 =	vmul.f32 $3.200000000e+01, v7  }
0x113: {  	s0 =	sadd.s32 $0x400, s0;
	s25 =	sshll.u32 s1, $0x4;
	p0 =	slt.u32 s1, $0x7F8;
	v9 =	vld [tilespmem:s28+$0x83B0];
	[tilespmem:s30+$0x83C0] =	vst v8;
	v5 =	vmul.f32 $3.200000000e+01, v5  }
0x114: {  	s26 =	sand.u32 $0x1C00, s0;
	s31 =	sshll.u32 s1, $0x1;
	s25 =	sand.u32 $0x6000, s25;
	v8 =	vld [tilespmem:s28+$0x83C0];
	v3 =	vmul.f32 $3.200000000e+01, v3;
	[tilespmem:s30+$0x83D0] =	vst v7  }
.Ltmp1:
0x115: {  	s31 =	sand.u32 $0x380, s31;
	s25 =	sor.u32 s26, s25;
	v4 =	vmul.f32 $3.200000000e+01, v4;
	v7 =	vld [tilespmem:s28+$0x83D0];
	[tilespmem:s30+$0x83E0] =	vst v5;
	(pc) =	sbr.rel @p0 .LBB2_4-.Ltmp1, $4  }
0x116: {  	s30 =	smov.u32 s28;
	v6 =	vmul.f32 $3.200000000e+01, v6;
	v5 =	vld [tilespmem:s28+$0x83E0];
	[tilespmem:s28+$0x83F0] =	vst v3;
	s28 =	sor.u32 s25, s31  }
0x117: {  	v3 =	vld [tilespmem:s28+$0x83F0];
	[tilespmem:s30+$0x8380] =	vst v4;
	v10 =	vmul.f32 $3.200000000e+01, v10  }
0x118: {  	v4 =	vld [tilespmem:s28+$0x8380];
	[tilespmem:s30+$0x8390] =	vst v6;
	v9 =	vmul.f32 $3.200000000e+01, v9  }
0x119: {  	v6 =	vld [tilespmem:s28+$0x8390];
	[tilespmem:s30+$0x83A0] =	vst v10;
	v8 =	vmul.f32 $3.200000000e+01, v8  }
0x11a: {  	v10 =	vld [tilespmem:s28+$0x83A0];
	[tilespmem:s30+$0x83B0] =	vst v9;
	v7 =	vmul.f32 $3.200000000e+01, v7  }
0x11b: {  	v9 =	vld [tilespmem:s28+$0x83B0];
	[tilespmem:s30+$0x83C0] =	vst v8;
	v5 =	vmul.f32 $3.200000000e+01, v5  }
0x11c: {  	v8 =	vld [tilespmem:s28+$0x83C0];
	v3 =	vmul.f32 $3.200000000e+01, v3;
	[tilespmem:s30+$0x83D0] =	vst v7  }
0x11d: {  	v7 =	vld [tilespmem:s28+$0x83D0];
	v4 =	vmul.f32 $3.200000000e+01, v4;
	[tilespmem:s30+$0x83E0] =	vst v5  }
0x11e: {  	v5 =	vmul.f32 $3.200000000e+01, v6;
	v6 =	vld [tilespmem:s28+$0x83E0];
	[tilespmem:s28+$0x83F0] =	vst v3  }
0x11f: {  	[tilespmem:s28+$0x8380] =	vst v4;
	v3 =	vmul.f32 $3.200000000e+01, v10  }
0x120: {  	v4 =	vmul.f32 $3.200000000e+01, v9;
	[tilespmem:s28+$0x8390] =	vst v5  }
0x121: {  	[tilespmem:s28+$0x83A0] =	vst v3;
	v3 =	vmul.f32 $3.200000000e+01, v8  }
0x122: {  	[tilespmem:s28+$0x83B0] =	vst v4;
	v4 =	vmul.f32 $3.200000000e+01, v7  }
0x123: {  	[tilespmem:s28+$0x83C0] =	vst v3;
	v3 =	vmul.f32 $3.200000000e+01, v6  }
0x124: {  	[tilespmem:s28+$0x83D0] =	vst v4  }
0x125: {  	[tilespmem:s28+$0x83E0] =	vst v3  }
0x126: {  	s0 =	simm.s32 $0x0;
	s1 =	rddreg [dreg:$0x6]  }
0x127: {  	[hbm4b:s1+s0] =	stream.linear.scatter [tilespmem:s17], [sflag:$0x5], $0x8000, $0x38;
	[tilespmem:$0x18380] =	vst v63  }
0x128: {  	_ =	swait.ge [sflag:s20], $0x8000  }
0x129: {  	[sflag:s20] =	ssyncset.done $0x0  }
0x12a: {  	[sflag:s20] =	ssyncadd.s32 $0xFFFF8000  }
0x12b: {  	_ =	swait.ge [sflag:s21], $0x8000  }
0x12c: {  	[sflag:s21] =	ssyncset.done $0x0  }
0x12d: {  	[sflag:s21] =	ssyncadd.s32 $0xFFFF8000  }
0x12e: {  	v3 =	vld [tilespmem:$0x80];
	_ =	sdelay $0x4  }
0x12f: {  	v4 =	vshll.u32 v3, $0x3  }
0x130: {  	v5 =	vand.u32 $0x7, v3;
	v4 =	vand.u32 $0xFFFFFFC0, v4  }
0x131: {  	v4 =	vor.u32 v5, v4  }
0x132: {  	v5 =	vperm.xlane v4, v0  }
0x133: {  	v6 =	vld [tilespmem:$0x90]  }
0x134: {  	v5 =	vadd.s32 v1, v5;
	_ =	sdelay $0x2  }
0x135: {  	[tilespmem:$0x280] =	vst v3  }
0x136: {  	[tilespmem:$0x290] =	vst v6  }
0x137: {  	[tilespmem:s17], [sflag:$0x2] =	stream.indirect_vreg.gather [hbm4b:s2+s0], $0x80, v5, vm0, $0xb8;
	[tilespmem:$0x18380] =	vst v63  }
0x138: {  	s25 =	simm.s32 $0x8B80;
	v3 =	vperm.xlane v4, v2  }
0x139: {  	[tilespmem:s25], [sflag:$0x2] =	stream.indirect_vreg.gather [hbm4b:s5+s0], $0x80, v5, vm0, $0xb8;
	[tilespmem:$0x18380] =	vst v63  }
0x13a: {  	s26 =	simm.s32 $0x9380;
	v3 =	vadd.s32 v1, v3  }
0x13b: {  	[tilespmem:s26], [sflag:$0x2] =	stream.indirect_vreg.gather [hbm4b:s6+s0], $0x80, v5, vm0, $0xb8;
	[tilespmem:$0x18380] =	vst v63  }
0x13c: {  	s4 =	simm.s32 $0x9B80  }
0x13d: {  	[tilespmem:s4], [sflag:$0x2] =	stream.indirect_vreg.gather [hbm4b:s8+s0], $0x80, v5, vm0, $0xb8;
	[tilespmem:$0x18380] =	vst v63  }
0x13e: {  	s25 =	simm.s32 $0xA380  }
0x13f: {  	[tilespmem:s25], [sflag:$0x2] =	stream.indirect_vreg.gather [hbm4b:s2+s0], $0x80, v3, vm0, $0xb8;
	[tilespmem:$0x18380] =	vst v63  }
0x140: {  	s26 =	simm.s32 $0xAB80  }
0x141: {  	[tilespmem:s26], [sflag:$0x2] =	stream.indirect_vreg.gather [hbm4b:s5+s0], $0x80, v3, vm0, $0xb8;
	[tilespmem:$0x18380] =	vst v63  }
0x142: {  	s4 =	simm.s32 $0xB380  }
0x143: {  	[tilespmem:s4], [sflag:$0x2] =	stream.indirect_vreg.gather [hbm4b:s6+s0], $0x80, v3, vm0, $0xb8;
	[tilespmem:$0x18380] =	vst v63  }
0x144: {  	s25 =	simm.s32 $0xBB80  }
0x145: {  	[tilespmem:s25], [sflag:$0x2] =	stream.indirect_vreg.gather [hbm4b:s8+s0], $0x80, v3, vm0, $0xb8;
	[tilespmem:$0x18380] =	vst v63  }
0x146: {  	v3 =	vld [tilespmem:$0x290];
	_ =	sdelay $0x4  }
0x147: {  	v4 =	vshll.u32 v3, $0x3  }
0x148: {  	v3 =	vand.u32 $0x7, v3;
	v4 =	vand.u32 $0xFFFFFFC0, v4  }
0x149: {  	v3 =	vor.u32 v3, v4  }
0x14a: {  	v4 =	vperm.xlane v3, v0;
	_ =	sdelay $0x1  }
0x14b: {  	v4 =	vadd.s32 v1, v4;
	_ =	sdelay $0x3  }
0x14c: {  	s26 =	simm.s32 $0xC380  }
0x14d: {  	[tilespmem:s26], [sflag:$0x2] =	stream.indirect_vreg.gather [hbm4b:s2+s0], $0x80, v4, vm0, $0xb8;
	[tilespmem:$0x18380] =	vst v63  }
0x14e: {  	s4 =	simm.s32 $0xCB80;
	v3 =	vperm.xlane v3, v2  }
0x14f: {  	[tilespmem:s4], [sflag:$0x2] =	stream.indirect_vreg.gather [hbm4b:s5+s0], $0x80, v4, vm0, $0xb8;
	[tilespmem:$0x18380] =	vst v63  }
0x150: {  	s25 =	simm.s32 $0xD380;
	v3 =	vadd.s32 v1, v3  }
0x151: {  	[tilespmem:s25], [sflag:$0x2] =	stream.indirect_vreg.gather [hbm4b:s6+s0], $0x80, v4, vm0, $0xb8;
	[tilespmem:$0x18380] =	vst v63  }
0x152: {  	s26 =	simm.s32 $0xDB80  }
0x153: {  	[tilespmem:s26], [sflag:$0x2] =	stream.indirect_vreg.gather [hbm4b:s8+s0], $0x80, v4, vm0, $0xb8;
	[tilespmem:$0x18380] =	vst v63  }
0x154: {  	s4 =	simm.s32 $0xE380  }
0x155: {  	[tilespmem:s4], [sflag:$0x2] =	stream.indirect_vreg.gather [hbm4b:s2+s0], $0x80, v3, vm0, $0xb8;
	[tilespmem:$0x18380] =	vst v63  }
0x156: {  	s25 =	simm.s32 $0xEB80  }
0x157: {  	[tilespmem:s25], [sflag:$0x2] =	stream.indirect_vreg.gather [hbm4b:s5+s0], $0x80, v3, vm0, $0xb8;
	[tilespmem:$0x18380] =	vst v63  }
0x158: {  	s26 =	simm.s32 $0xF380  }
0x159: {  	[tilespmem:s26], [sflag:$0x2] =	stream.indirect_vreg.gather [hbm4b:s6+s0], $0x80, v3, vm0, $0xb8;
	[tilespmem:$0x18380] =	vst v63  }
0x15a: {  	s4 =	simm.s32 $0xFB80;
	s25 =	simm.s32 $0x0  }
0x15b: {  	[tilespmem:s4], [sflag:$0x2] =	stream.indirect_vreg.gather [hbm4b:s8+s0], $0x80, v3, vm0, $0xb8;
	[tilespmem:$0x18380] =	vst v63  }
0x15c: {  	s1 =	sand.u32 $0x6000, s25;
	s25 =	simm.s32 $0x0;
	s0 =	sand.u32 $0x1C00, s0  }
0x15d: {  	s25 =	sand.u32 $0x380, s25;
	s0 =	sor.u32 s0, s1  }
0x15e: {  	s1 =	sor.u32 s0, s25  }
0x15f: {  	s28 =	sadd.s32 $0x10380, s1;
	v3 =	vld [tilespmem:s1+$0x10380]  }
0x160: {  	v4 =	vld [tilespmem:s28+$0x70]  }
0x161: {  	v6 =	vld [tilespmem:s28+$0x10]  }
0x162: {  	v8 =	vld [tilespmem:s28+$0x20]  }
0x163: {  	s26 =	simm.s32 $0x80;
	s0 =	simm.s32 $0x400;
	v9 =	vld [tilespmem:s28+$0x30]  }
0x164: {  	s30 =	simm.s32 $0x10;
	s25 =	sand.u32 $0x6000, s26;
	s26 =	sand.u32 $0x1C00, s0;
	v10 =	vld [tilespmem:s28+$0x40];
	v3 =	vmul.f32 $3.200000000e+01, v3  }
0x165: {  	s4 =	sand.u32 $0x380, s30;
	s25 =	sor.u32 s26, s25;
	v5 =	vld [tilespmem:s28+$0x50];
	v4 =	vmul.f32 $3.200000000e+01, v4  }
0x166: {  	s31 =	sor.u32 s25, s4;
	v11 =	vmul.f32 $3.200000000e+01, v6;
	v6 =	vld [tilespmem:s28+$0x60];
	[tilespmem:s1+$0x10380] =	vst v3  }
0x167: {  	s30 =	sadd.s32 $0x10380, s31;
	v7 =	vld [tilespmem:s31+$0x10380];
	v8 =	vmul.f32 $3.200000000e+01, v8;
	[tilespmem:s28+$0x70] =	vst v4  }
0x168: {  	v9 =	vmul.f32 $3.200000000e+01, v9;
	v3 =	vld [tilespmem:s30+$0x70];
	[tilespmem:s28+$0x10] =	vst v11  }
0x169: {  	s1 =	simm.s32 $0x8;
	v4 =	vld [tilespmem:s30+$0x10];
	[tilespmem:s28+$0x20] =	vst v8;
	v8 =	vmul.f32 $3.200000000e+01, v10  }
.LBB2_6:
0x16a: {  	s1 =	sadd.s32 $0x8, s1;
	v10 =	vld [tilespmem:s30+$0x20];
	[tilespmem:s28+$0x30] =	vst v9;
	v5 =	vmul.f32 $3.200000000e+01, v5  }
0x16b: {  	s0 =	sadd.s32 $0x400, s0;
	s25 =	sshll.u32 s1, $0x4;
	p0 =	slt.u32 s1, $0x7F8;
	v9 =	vld [tilespmem:s30+$0x30];
	[tilespmem:s28+$0x40] =	vst v8;
	v6 =	vmul.f32 $3.200000000e+01, v6  }
0x16c: {  	s26 =	sand.u32 $0x1C00, s0;
	s4 =	sshll.u32 s1, $0x1;
	s25 =	sand.u32 $0x6000, s25;
	v7 =	vmul.f32 $3.200000000e+01, v7;
	v8 =	vld [tilespmem:s30+$0x40];
	[tilespmem:s28+$0x50] =	vst v5  }
.Ltmp2:
0x16d: {  	s4 =	sand.u32 $0x380, s4;
	s25 =	sor.u32 s26, s25;
	v5 =	vld [tilespmem:s30+$0x50];
	v3 =	vmul.f32 $3.200000000e+01, v3;
	[tilespmem:s28+$0x60] =	vst v6;
	(pc) =	sbr.rel @p0 .LBB2_6-.Ltmp2, $4  }
0x16e: {  	s28 =	smov.u32 s30;
	[tilespmem:s31+$0x10380] =	vst v7;
	s31 =	sor.u32 s25, s4;
	v4 =	vmul.f32 $3.200000000e+01, v4;
	v6 =	vld [tilespmem:s30+$0x60]  }
0x16f: {  	s30 =	sadd.s32 $0x10380, s31;
	v7 =	vld [tilespmem:s31+$0x10380];
	v10 =	vmul.f32 $3.200000000e+01, v10;
	[tilespmem:s28+$0x70] =	vst v3  }
0x170: {  	v3 =	vld [tilespmem:s30+$0x70];
	[tilespmem:s28+$0x10] =	vst v4;
	v9 =	vmul.f32 $3.200000000e+01, v9  }
0x171: {  	v4 =	vld [tilespmem:s30+$0x10];
	[tilespmem:s28+$0x20] =	vst v10;
	v8 =	vmul.f32 $3.200000000e+01, v8  }
0x172: {  	v10 =	vld [tilespmem:s30+$0x20];
	[tilespmem:s28+$0x30] =	vst v9;
	v5 =	vmul.f32 $3.200000000e+01, v5  }
0x173: {  	v9 =	vld [tilespmem:s30+$0x30];
	[tilespmem:s28+$0x40] =	vst v8;
	v6 =	vmul.f32 $3.200000000e+01, v6  }
0x174: {  	v8 =	vld [tilespmem:s30+$0x40];
	v7 =	vmul.f32 $3.200000000e+01, v7;
	[tilespmem:s28+$0x50] =	vst v5  }
0x175: {  	v5 =	vld [tilespmem:s30+$0x50];
	v3 =	vmul.f32 $3.200000000e+01, v3;
	[tilespmem:s28+$0x60] =	vst v6  }
0x176: {  	v6 =	vld [tilespmem:s30+$0x60];
	[tilespmem:s31+$0x10380] =	vst v7;
	v4 =	vmul.f32 $3.200000000e+01, v4  }
0x177: {  	v7 =	vmul.f32 $3.200000000e+01, v10;
	[tilespmem:s30+$0x70] =	vst v3  }
0x178: {  	v3 =	vmul.f32 $3.200000000e+01, v9;
	[tilespmem:s30+$0x10] =	vst v4  }
0x179: {  	v4 =	vmul.f32 $3.200000000e+01, v8;
	[tilespmem:s30+$0x20] =	vst v7  }
0x17a: {  	[tilespmem:s30+$0x30] =	vst v3;
	v3 =	vmul.f32 $3.200000000e+01, v5  }
0x17b: {  	[tilespmem:s30+$0x40] =	vst v4;
	v4 =	vmul.f32 $3.200000000e+01, v6  }
0x17c: {  	[tilespmem:s30+$0x50] =	vst v3  }
0x17d: {  	[tilespmem:s30+$0x60] =	vst v4  }
0x17e: {  	s0 =	simm.s32 $0x0;
	s1 =	rddreg [dreg:$0x7]  }
0x17f: {  	[hbm4b:s1+s0] =	stream.linear.scatter [tilespmem:s7], [sflag:$0x6], $0x8000, $0x38;
	[tilespmem:$0x18380] =	vst v63  }
0x180: {  	_ =	swait.ge [sflag:s24], $0x8000  }
0x181: {  	[sflag:s24] =	ssyncset.done $0x0  }
0x182: {  	[sflag:s24] =	ssyncadd.s32 $0xFFFF8000  }
0x183: {  	_ =	swait.ge [sflag:s22], $0x8000  }
0x184: {  	[sflag:s22] =	ssyncset.done $0x0  }
0x185: {  	[sflag:s22] =	ssyncadd.s32 $0xFFFF8000  }
0x186: {  	v3 =	vld [tilespmem:$0xA0];
	_ =	sdelay $0x4  }
0x187: {  	v4 =	vshll.u32 v3, $0x3  }
0x188: {  	v5 =	vand.u32 $0x7, v3;
	v4 =	vand.u32 $0xFFFFFFC0, v4  }
0x189: {  	v4 =	vor.u32 v5, v4  }
0x18a: {  	v5 =	vperm.xlane v4, v0  }
0x18b: {  	v6 =	vld [tilespmem:$0xB0]  }
0x18c: {  	v5 =	vadd.s32 v1, v5;
	_ =	sdelay $0x2  }
0x18d: {  	[tilespmem:$0x300] =	vst v3  }
0x18e: {  	[tilespmem:$0x310] =	vst v6  }
0x18f: {  	[tilespmem:s7], [sflag:$0x3] =	stream.indirect_vreg.gather [hbm4b:s2+s0], $0x80, v5, vm0, $0xb8;
	[tilespmem:$0x18380] =	vst v63  }
0x190: {  	s25 =	simm.s32 $0x10B80;
	v3 =	vperm.xlane v4, v2  }
0x191: {  	[tilespmem:s25], [sflag:$0x3] =	stream.indirect_vreg.gather [hbm4b:s5+s0], $0x80, v5, vm0, $0xb8;
	[tilespmem:$0x18380] =	vst v63  }
0x192: {  	s26 =	simm.s32 $0x11380;
	v3 =	vadd.s32 v1, v3  }
0x193: {  	[tilespmem:s26], [sflag:$0x3] =	stream.indirect_vreg.gather [hbm4b:s6+s0], $0x80, v5, vm0, $0xb8;
	[tilespmem:$0x18380] =	vst v63  }
0x194: {  	s31 =	simm.s32 $0x11B80  }
0x195: {  	[tilespmem:s31], [sflag:$0x3] =	stream.indirect_vreg.gather [hbm4b:s8+s0], $0x80, v5, vm0, $0xb8;
	[tilespmem:$0x18380] =	vst v63  }
0x196: {  	s4 =	simm.s32 $0x12380  }
0x197: {  	[tilespmem:s4], [sflag:$0x3] =	stream.indirect_vreg.gather [hbm4b:s2+s0], $0x80, v3, vm0, $0xb8;
	[tilespmem:$0x18380] =	vst v63  }
0x198: {  	s25 =	simm.s32 $0x12B80  }
0x199: {  	[tilespmem:s25], [sflag:$0x3] =	stream.indirect_vreg.gather [hbm4b:s5+s0], $0x80, v3, vm0, $0xb8;
	[tilespmem:$0x18380] =	vst v63  }
0x19a: {  	s26 =	simm.s32 $0x13380  }
0x19b: {  	[tilespmem:s26], [sflag:$0x3] =	stream.indirect_vreg.gather [hbm4b:s6+s0], $0x80, v3, vm0, $0xb8;
	[tilespmem:$0x18380] =	vst v63  }
0x19c: {  	s31 =	simm.s32 $0x13B80  }
0x19d: {  	[tilespmem:s31], [sflag:$0x3] =	stream.indirect_vreg.gather [hbm4b:s8+s0], $0x80, v3, vm0, $0xb8;
	[tilespmem:$0x18380] =	vst v63  }
0x19e: {  	v3 =	vld [tilespmem:$0x310];
	_ =	sdelay $0x4  }
0x19f: {  	v4 =	vshll.u32 v3, $0x3  }
0x1a0: {  	v3 =	vand.u32 $0x7, v3;
	v4 =	vand.u32 $0xFFFFFFC0, v4  }
0x1a1: {  	v3 =	vor.u32 v3, v4  }
0x1a2: {  	v4 =	vperm.xlane v3, v0;
	_ =	sdelay $0x1  }
0x1a3: {  	v4 =	vadd.s32 v1, v4;
	_ =	sdelay $0x3  }
0x1a4: {  	s4 =	simm.s32 $0x14380  }
0x1a5: {  	[tilespmem:s4], [sflag:$0x3] =	stream.indirect_vreg.gather [hbm4b:s2+s0], $0x80, v4, vm0, $0xb8;
	[tilespmem:$0x18380] =	vst v63  }
0x1a6: {  	s25 =	simm.s32 $0x14B80;
	v3 =	vperm.xlane v3, v2  }
0x1a7: {  	[tilespmem:s25], [sflag:$0x3] =	stream.indirect_vreg.gather [hbm4b:s5+s0], $0x80, v4, vm0, $0xb8;
	[tilespmem:$0x18380] =	vst v63  }
0x1a8: {  	s26 =	simm.s32 $0x15380;
	v3 =	vadd.s32 v1, v3  }
0x1a9: {  	[tilespmem:s26], [sflag:$0x3] =	stream.indirect_vreg.gather [hbm4b:s6+s0], $0x80, v4, vm0, $0xb8;
	[tilespmem:$0x18380] =	vst v63  }
0x1aa: {  	s31 =	simm.s32 $0x15B80  }
0x1ab: {  	[tilespmem:s31], [sflag:$0x3] =	stream.indirect_vreg.gather [hbm4b:s8+s0], $0x80, v4, vm0, $0xb8;
	[tilespmem:$0x18380] =	vst v63  }
0x1ac: {  	s4 =	simm.s32 $0x16380  }
0x1ad: {  	[tilespmem:s4], [sflag:$0x3] =	stream.indirect_vreg.gather [hbm4b:s2+s0], $0x80, v3, vm0, $0xb8;
	[tilespmem:$0x18380] =	vst v63  }
0x1ae: {  	s25 =	simm.s32 $0x16B80  }
0x1af: {  	[tilespmem:s25], [sflag:$0x3] =	stream.indirect_vreg.gather [hbm4b:s5+s0], $0x80, v3, vm0, $0xb8;
	[tilespmem:$0x18380] =	vst v63  }
0x1b0: {  	s26 =	simm.s32 $0x17380  }
0x1b1: {  	[tilespmem:s26], [sflag:$0x3] =	stream.indirect_vreg.gather [hbm4b:s6+s0], $0x80, v3, vm0, $0xb8;
	[tilespmem:$0x18380] =	vst v63  }
0x1b2: {  	s31 =	simm.s32 $0x17B80;
	s4 =	simm.s32 $0x0  }
0x1b3: {  	[tilespmem:s31], [sflag:$0x3] =	stream.indirect_vreg.gather [hbm4b:s8+s0], $0x80, v3, vm0, $0xb8;
	[tilespmem:$0x18380] =	vst v63  }
0x1b4: {  	s1 =	sand.u32 $0x6000, s4;
	s4 =	simm.s32 $0x0;
	s0 =	sand.u32 $0x1C00, s0  }
0x1b5: {  	s4 =	sand.u32 $0x380, s4;
	s0 =	sor.u32 s0, s1  }
0x1b6: {  	s30 =	sor.u32 s0, s4  }
0x1b7: {  	v3 =	vld [tilespmem:s30+$0x3F0]  }
0x1b8: {  	v4 =	vld [tilespmem:s30+$0x380]  }
0x1b9: {  	v5 =	vld [tilespmem:s30+$0x390]  }
0x1ba: {  	v6 =	vld [tilespmem:s30+$0x3A0]  }
0x1bb: {  	s25 =	simm.s32 $0x80;
	s0 =	simm.s32 $0x400;
	v8 =	vld [tilespmem:s30+$0x3B0]  }
0x1bc: {  	s1 =	sand.u32 $0x6000, s25;
	s25 =	simm.s32 $0x10;
	s26 =	sand.u32 $0x1C00, s0;
	v10 =	vld [tilespmem:s30+$0x3C0];
	v3 =	vmul.f32 $3.200000000e+01, v3  }
0x1bd: {  	s31 =	sand.u32 $0x380, s25;
	v7 =	vld [tilespmem:s30+$0x3D0];
	s1 =	sor.u32 s26, s1;
	v4 =	vmul.f32 $3.200000000e+01, v4  }
0x1be: {  	s28 =	sor.u32 s1, s31;
	v9 =	vmul.f32 $3.200000000e+01, v5;
	v5 =	vld [tilespmem:s30+$0x3E0];
	[tilespmem:s30+$0x3F0] =	vst v3  }
0x1bf: {  	v11 =	vmul.f32 $3.200000000e+01, v6;
	v3 =	vld [tilespmem:s28+$0x3F0];
	[tilespmem:s30+$0x380] =	vst v4  }
0x1c0: {  	v4 =	vld [tilespmem:s28+$0x380];
	[tilespmem:s30+$0x390] =	vst v9;
	v9 =	vmul.f32 $3.200000000e+01, v8  }
0x1c1: {  	s1 =	simm.s32 $0x8;
	v6 =	vld [tilespmem:s28+$0x390];
	[tilespmem:s30+$0x3A0] =	vst v11;
	v8 =	vmul.f32 $3.200000000e+01, v10  }
.LBB2_8:
0x1c2: {  	s1 =	sadd.s32 $0x8, s1;
	v10 =	vld [tilespmem:s28+$0x3A0];
	[tilespmem:s30+$0x3B0] =	vst v9;
	v7 =	vmul.f32 $3.200000000e+01, v7  }
0x1c3: {  	s0 =	sadd.s32 $0x400, s0;
	s4 =	sshll.u32 s1, $0x4;
	p0 =	slt.u32 s1, $0x7F8;
	v9 =	vld [tilespmem:s28+$0x3B0];
	[tilespmem:s30+$0x3C0] =	vst v8;
	v5 =	vmul.f32 $3.200000000e+01, v5  }
0x1c4: {  	s25 =	sand.u32 $0x1C00, s0;
	s26 =	sshll.u32 s1, $0x1;
	s4 =	sand.u32 $0x6000, s4;
	v8 =	vld [tilespmem:s28+$0x3C0];
	v3 =	vmul.f32 $3.200000000e+01, v3;
	[tilespmem:s30+$0x3D0] =	vst v7  }
.Ltmp3:
0x1c5: {  	s26 =	sand.u32 $0x380, s26;
	s4 =	sor.u32 s25, s4;
	v4 =	vmul.f32 $3.200000000e+01, v4;
	v7 =	vld [tilespmem:s28+$0x3D0];
	[tilespmem:s30+$0x3E0] =	vst v5;
	(pc) =	sbr.rel @p0 .LBB2_8-.Ltmp3, $4  }
0x1c6: {  	s30 =	smov.u32 s28;
	v6 =	vmul.f32 $3.200000000e+01, v6;
	v5 =	vld [tilespmem:s28+$0x3E0];
	[tilespmem:s28+$0x3F0] =	vst v3;
	s28 =	sor.u32 s4, s26  }
0x1c7: {  	v3 =	vld [tilespmem:s28+$0x3F0];
	[tilespmem:s30+$0x380] =	vst v4;
	v10 =	vmul.f32 $3.200000000e+01, v10  }
0x1c8: {  	v4 =	vld [tilespmem:s28+$0x380];
	[tilespmem:s30+$0x390] =	vst v6;
	v9 =	vmul.f32 $3.200000000e+01, v9  }
0x1c9: {  	v6 =	vld [tilespmem:s28+$0x390];
	[tilespmem:s30+$0x3A0] =	vst v10;
	v8 =	vmul.f32 $3.200000000e+01, v8  }
0x1ca: {  	v10 =	vld [tilespmem:s28+$0x3A0];
	[tilespmem:s30+$0x3B0] =	vst v9;
	v7 =	vmul.f32 $3.200000000e+01, v7  }
0x1cb: {  	v9 =	vld [tilespmem:s28+$0x3B0];
	[tilespmem:s30+$0x3C0] =	vst v8;
	v5 =	vmul.f32 $3.200000000e+01, v5  }
0x1cc: {  	v8 =	vld [tilespmem:s28+$0x3C0];
	v3 =	vmul.f32 $3.200000000e+01, v3;
	[tilespmem:s30+$0x3D0] =	vst v7  }
0x1cd: {  	v7 =	vld [tilespmem:s28+$0x3D0];
	v4 =	vmul.f32 $3.200000000e+01, v4;
	[tilespmem:s30+$0x3E0] =	vst v5  }
0x1ce: {  	v5 =	vmul.f32 $3.200000000e+01, v6;
	v6 =	vld [tilespmem:s28+$0x3E0];
	[tilespmem:s28+$0x3F0] =	vst v3  }
0x1cf: {  	[tilespmem:s28+$0x380] =	vst v4;
	v3 =	vmul.f32 $3.200000000e+01, v10  }
0x1d0: {  	v4 =	vmul.f32 $3.200000000e+01, v9;
	[tilespmem:s28+$0x390] =	vst v5  }
0x1d1: {  	[tilespmem:s28+$0x3A0] =	vst v3;
	v3 =	vmul.f32 $3.200000000e+01, v8  }
0x1d2: {  	[tilespmem:s28+$0x3B0] =	vst v4;
	v4 =	vmul.f32 $3.200000000e+01, v7  }
0x1d3: {  	[tilespmem:s28+$0x3C0] =	vst v3;
	v3 =	vmul.f32 $3.200000000e+01, v6  }
0x1d4: {  	[tilespmem:s28+$0x3D0] =	vst v4  }
0x1d5: {  	[tilespmem:s28+$0x3E0] =	vst v3  }
0x1d6: {  	s0 =	simm.s32 $0x0;
	s1 =	rddreg [dreg:$0x8]  }
0x1d7: {  	[hbm4b:s1+s0] =	stream.linear.scatter [tilespmem:s29], [sflag:$0x4], $0x8000, $0x38;
	[tilespmem:$0x18380] =	vst v63  }
0x1d8: {  	_ =	swait.ge [sflag:s18], $0x8000  }
0x1d9: {  	[sflag:s18] =	ssyncset.done $0x0  }
0x1da: {  	[sflag:s18] =	ssyncadd.s32 $0xFFFF8000  }
0x1db: {  	_ =	swait.ge [sflag:s19], $0x8000  }
0x1dc: {  	[sflag:s19] =	ssyncset.done $0x0  }
0x1dd: {  	[sflag:s19] =	ssyncadd.s32 $0xFFFF8000  }
0x1de: {  	v3 =	vld [tilespmem:$0xC0];
	_ =	sdelay $0x4  }
0x1df: {  	v4 =	vshll.u32 v3, $0x3  }
0x1e0: {  	v5 =	vand.u32 $0x7, v3;
	v4 =	vand.u32 $0xFFFFFFC0, v4  }
0x1e1: {  	v4 =	vor.u32 v5, v4  }
0x1e2: {  	v5 =	vperm.xlane v4, v0  }
0x1e3: {  	v6 =	vld [tilespmem:$0xD0]  }
0x1e4: {  	v5 =	vadd.s32 v1, v5;
	_ =	sdelay $0x2  }
0x1e5: {  	[tilespmem:$0x200] =	vst v3  }
0x1e6: {  	[tilespmem:$0x210] =	vst v6  }
0x1e7: {  	[tilespmem:s29], [sflag:$0x1] =	stream.indirect_vreg.gather [hbm4b:s2+s0], $0x80, v5, vm0, $0xb8;
	[tilespmem:$0x18380] =	vst v63  }
0x1e8: {  	s25 =	simm.s32 $0xB80;
	v3 =	vperm.xlane v4, v2  }
0x1e9: {  	[tilespmem:s25], [sflag:$0x1] =	stream.indirect_vreg.gather [hbm4b:s5+s0], $0x80, v5, vm0, $0xb8;
	[tilespmem:$0x18380] =	vst v63  }
0x1ea: {  	s26 =	simm.s32 $0x1380;
	v3 =	vadd.s32 v1, v3  }
0x1eb: {  	[tilespmem:s26], [sflag:$0x1] =	stream.indirect_vreg.gather [hbm4b:s6+s0], $0x80, v5, vm0, $0xb8;
	[tilespmem:$0x18380] =	vst v63  }
0x1ec: {  	s31 =	simm.s32 $0x1B80  }
0x1ed: {  	[tilespmem:s31], [sflag:$0x1] =	stream.indirect_vreg.gather [hbm4b:s8+s0], $0x80, v5, vm0, $0xb8;
	[tilespmem:$0x18380] =	vst v63  }
0x1ee: {  	s4 =	simm.s32 $0x2380  }
0x1ef: {  	[tilespmem:s4], [sflag:$0x1] =	stream.indirect_vreg.gather [hbm4b:s2+s0], $0x80, v3, vm0, $0xb8;
	[tilespmem:$0x18380] =	vst v63  }
0x1f0: {  	s25 =	simm.s32 $0x2B80  }
0x1f1: {  	[tilespmem:s25], [sflag:$0x1] =	stream.indirect_vreg.gather [hbm4b:s5+s0], $0x80, v3, vm0, $0xb8;
	[tilespmem:$0x18380] =	vst v63  }
0x1f2: {  	s26 =	simm.s32 $0x3380  }
0x1f3: {  	[tilespmem:s26], [sflag:$0x1] =	stream.indirect_vreg.gather [hbm4b:s6+s0], $0x80, v3, vm0, $0xb8;
	[tilespmem:$0x18380] =	vst v63  }
0x1f4: {  	s31 =	simm.s32 $0x3B80  }
0x1f5: {  	[tilespmem:s31], [sflag:$0x1] =	stream.indirect_vreg.gather [hbm4b:s8+s0], $0x80, v3, vm0, $0xb8;
	[tilespmem:$0x18380] =	vst v63  }
0x1f6: {  	v3 =	vld [tilespmem:$0x210];
	_ =	sdelay $0x4  }
0x1f7: {  	v4 =	vshll.u32 v3, $0x3  }
0x1f8: {  	v3 =	vand.u32 $0x7, v3;
	v4 =	vand.u32 $0xFFFFFFC0, v4  }
0x1f9: {  	v3 =	vor.u32 v3, v4  }
0x1fa: {  	v4 =	vperm.xlane v3, v0;
	_ =	sdelay $0x1  }
0x1fb: {  	v4 =	vadd.s32 v1, v4;
	_ =	sdelay $0x4  }
0x1fc: {  	[tilespmem:s9], [sflag:$0x1] =	stream.indirect_vreg.gather [hbm4b:s2+s0], $0x80, v4, vm0, $0xb8;
	[tilespmem:$0x18380] =	vst v63  }
0x1fd: {  	v3 =	vperm.xlane v3, v2  }
0x1fe: {  	[tilespmem:s10], [sflag:$0x1] =	stream.indirect_vreg.gather [hbm4b:s5+s0], $0x80, v4, vm0, $0xb8;
	[tilespmem:$0x18380] =	vst v63  }
0x1ff: {  	v3 =	vadd.s32 v1, v3  }
0x200: {  	[tilespmem:s11], [sflag:$0x1] =	stream.indirect_vreg.gather [hbm4b:s6+s0], $0x80, v4, vm0, $0xb8;
	[tilespmem:$0x18380] =	vst v63  }
0x201: {  	_ = 	snop  }
0x202: {  	[tilespmem:s12], [sflag:$0x1] =	stream.indirect_vreg.gather [hbm4b:s8+s0], $0x80, v4, vm0, $0xb8;
	[tilespmem:$0x18380] =	vst v63  }
0x203: {  	_ = 	snop  }
0x204: {  	[tilespmem:s13], [sflag:$0x1] =	stream.indirect_vreg.gather [hbm4b:s2+s0], $0x80, v3, vm0, $0xb8;
	[tilespmem:$0x18380] =	vst v63  }
0x205: {  	_ = 	snop  }
0x206: {  	[tilespmem:s14], [sflag:$0x1] =	stream.indirect_vreg.gather [hbm4b:s5+s0], $0x80, v3, vm0, $0xb8;
	[tilespmem:$0x18380] =	vst v63  }
0x207: {  	_ = 	snop  }
0x208: {  	[tilespmem:s15], [sflag:$0x1] =	stream.indirect_vreg.gather [hbm4b:s6+s0], $0x80, v3, vm0, $0xb8;
	[tilespmem:$0x18380] =	vst v63  }
0x209: {  	s4 =	simm.s32 $0x0  }
0x20a: {  	[tilespmem:s16], [sflag:$0x1] =	stream.indirect_vreg.gather [hbm4b:s8+s0], $0x80, v3, vm0, $0xb8;
	[tilespmem:$0x18380] =	vst v63  }
0x20b: {  	s1 =	sand.u32 $0x6000, s4;
	s4 =	simm.s32 $0x0;
	s0 =	sand.u32 $0x1C00, s0  }
0x20c: {  	s4 =	sand.u32 $0x380, s4;
	s0 =	sor.u32 s0, s1  }
0x20d: {  	s30 =	sor.u32 s0, s4  }
0x20e: {  	v3 =	vld [tilespmem:s30+$0x83F0]  }
0x20f: {  	v4 =	vld [tilespmem:s30+$0x8380]  }
0x210: {  	v5 =	vld [tilespmem:s30+$0x8390]  }
0x211: {  	v6 =	vld [tilespmem:s30+$0x83A0]  }
0x212: {  	s25 =	simm.s32 $0x80;
	s0 =	simm.s32 $0x400;
	v8 =	vld [tilespmem:s30+$0x83B0]  }
0x213: {  	s1 =	sand.u32 $0x6000, s25;
	s25 =	simm.s32 $0x10;
	s26 =	sand.u32 $0x1C00, s0;
	v10 =	vld [tilespmem:s30+$0x83C0];
	v3 =	vmul.f32 $3.200000000e+01, v3  }
0x214: {  	s31 =	sand.u32 $0x380, s25;
	v7 =	vld [tilespmem:s30+$0x83D0];
	s1 =	sor.u32 s26, s1;
	v4 =	vmul.f32 $3.200000000e+01, v4  }
0x215: {  	s28 =	sor.u32 s1, s31;
	v9 =	vmul.f32 $3.200000000e+01, v5;
	v5 =	vld [tilespmem:s30+$0x83E0];
	[tilespmem:s30+$0x83F0] =	vst v3  }
0x216: {  	v11 =	vmul.f32 $3.200000000e+01, v6;
	v3 =	vld [tilespmem:s28+$0x83F0];
	[tilespmem:s30+$0x8380] =	vst v4  }
0x217: {  	v4 =	vld [tilespmem:s28+$0x8380];
	[tilespmem:s30+$0x8390] =	vst v9;
	v9 =	vmul.f32 $3.200000000e+01, v8  }
0x218: {  	s1 =	simm.s32 $0x8;
	v6 =	vld [tilespmem:s28+$0x8390];
	[tilespmem:s30+$0x83A0] =	vst v11;
	v8 =	vmul.f32 $3.200000000e+01, v10  }
.LBB2_10:
0x219: {  	s1 =	sadd.s32 $0x8, s1;
	v10 =	vld [tilespmem:s28+$0x83A0];
	[tilespmem:s30+$0x83B0] =	vst v9;
	v7 =	vmul.f32 $3.200000000e+01, v7  }
0x21a: {  	s0 =	sadd.s32 $0x400, s0;
	s4 =	sshll.u32 s1, $0x4;
	p0 =	slt.u32 s1, $0x7F8;
	v9 =	vld [tilespmem:s28+$0x83B0];
	[tilespmem:s30+$0x83C0] =	vst v8;
	v5 =	vmul.f32 $3.200000000e+01, v5  }
0x21b: {  	s25 =	sand.u32 $0x1C00, s0;
	s26 =	sshll.u32 s1, $0x1;
	s4 =	sand.u32 $0x6000, s4;
	v8 =	vld [tilespmem:s28+$0x83C0];
	v3 =	vmul.f32 $3.200000000e+01, v3;
	[tilespmem:s30+$0x83D0] =	vst v7  }
.Ltmp4:
0x21c: {  	s26 =	sand.u32 $0x380, s26;
	s4 =	sor.u32 s25, s4;
	v4 =	vmul.f32 $3.200000000e+01, v4;
	v7 =	vld [tilespmem:s28+$0x83D0];
	[tilespmem:s30+$0x83E0] =	vst v5;
	(pc) =	sbr.rel @p0 .LBB2_10-.Ltmp4, $4  }
0x21d: {  	s30 =	smov.u32 s28;
	v6 =	vmul.f32 $3.200000000e+01, v6;
	v5 =	vld [tilespmem:s28+$0x83E0];
	[tilespmem:s28+$0x83F0] =	vst v3;
	s28 =	sor.u32 s4, s26  }
0x21e: {  	v3 =	vld [tilespmem:s28+$0x83F0];
	[tilespmem:s30+$0x8380] =	vst v4;
	v10 =	vmul.f32 $3.200000000e+01, v10  }
0x21f: {  	v4 =	vld [tilespmem:s28+$0x8380];
	[tilespmem:s30+$0x8390] =	vst v6;
	v9 =	vmul.f32 $3.200000000e+01, v9  }
0x220: {  	v6 =	vld [tilespmem:s28+$0x8390];
	[tilespmem:s30+$0x83A0] =	vst v10;
	v8 =	vmul.f32 $3.200000000e+01, v8  }
0x221: {  	v10 =	vld [tilespmem:s28+$0x83A0];
	[tilespmem:s30+$0x83B0] =	vst v9;
	v7 =	vmul.f32 $3.200000000e+01, v7  }
0x222: {  	v9 =	vld [tilespmem:s28+$0x83B0];
	[tilespmem:s30+$0x83C0] =	vst v8;
	v5 =	vmul.f32 $3.200000000e+01, v5  }
0x223: {  	v8 =	vld [tilespmem:s28+$0x83C0];
	v3 =	vmul.f32 $3.200000000e+01, v3;
	[tilespmem:s30+$0x83D0] =	vst v7  }
0x224: {  	v7 =	vld [tilespmem:s28+$0x83D0];
	v4 =	vmul.f32 $3.200000000e+01, v4;
	[tilespmem:s30+$0x83E0] =	vst v5  }
0x225: {  	v5 =	vmul.f32 $3.200000000e+01, v6;
	v6 =	vld [tilespmem:s28+$0x83E0];
	[tilespmem:s28+$0x83F0] =	vst v3  }
0x226: {  	[tilespmem:s28+$0x8380] =	vst v4;
	v3 =	vmul.f32 $3.200000000e+01, v10  }
0x227: {  	v4 =	vmul.f32 $3.200000000e+01, v9;
	[tilespmem:s28+$0x8390] =	vst v5  }
0x228: {  	[tilespmem:s28+$0x83A0] =	vst v3;
	v3 =	vmul.f32 $3.200000000e+01, v8  }
0x229: {  	[tilespmem:s28+$0x83B0] =	vst v4;
	v4 =	vmul.f32 $3.200000000e+01, v7  }
0x22a: {  	[tilespmem:s28+$0x83C0] =	vst v3;
	v3 =	vmul.f32 $3.200000000e+01, v6  }
0x22b: {  	[tilespmem:s28+$0x83D0] =	vst v4  }
0x22c: {  	[tilespmem:s28+$0x83E0] =	vst v3  }
0x22d: {  	s0 =	simm.s32 $0x0;
	s1 =	rddreg [dreg:$0x9]  }
0x22e: {  	[hbm4b:s1+s0] =	stream.linear.scatter [tilespmem:s17], [sflag:$0x5], $0x8000, $0x38;
	[tilespmem:$0x18380] =	vst v63  }
0x22f: {  	_ =	swait.ge [sflag:s20], $0x8000  }
0x230: {  	[sflag:s20] =	ssyncset.done $0x0  }
0x231: {  	[sflag:s20] =	ssyncadd.s32 $0xFFFF8000  }
0x232: {  	_ =	swait.ge [sflag:s21], $0x8000  }
0x233: {  	[sflag:s21] =	ssyncset.done $0x0  }
0x234: {  	[sflag:s21] =	ssyncadd.s32 $0xFFFF8000  }
0x235: {  	v3 =	vld [tilespmem:$0xE0];
	_ =	sdelay $0x4  }
0x236: {  	v4 =	vshll.u32 v3, $0x3  }
0x237: {  	v5 =	vand.u32 $0x7, v3;
	v4 =	vand.u32 $0xFFFFFFC0, v4  }
0x238: {  	v4 =	vor.u32 v5, v4  }
0x239: {  	v5 =	vperm.xlane v4, v0  }
0x23a: {  	v6 =	vld [tilespmem:$0xF0]  }
0x23b: {  	v5 =	vadd.s32 v1, v5;
	_ =	sdelay $0x2  }
0x23c: {  	[tilespmem:$0x280] =	vst v3  }
0x23d: {  	[tilespmem:$0x290] =	vst v6  }
0x23e: {  	[tilespmem:s17], [sflag:$0x2] =	stream.indirect_vreg.gather [hbm4b:s2+s0], $0x80, v5, vm0, $0xb8;
	[tilespmem:$0x18380] =	vst v63  }
0x23f: {  	s4 =	simm.s32 $0x8B80;
	v3 =	vperm.xlane v4, v2  }
0x240: {  	[tilespmem:s4], [sflag:$0x2] =	stream.indirect_vreg.gather [hbm4b:s5+s0], $0x80, v5, vm0, $0xb8;
	[tilespmem:$0x18380] =	vst v63  }
0x241: {  	s25 =	simm.s32 $0x9380;
	v3 =	vadd.s32 v1, v3  }
0x242: {  	[tilespmem:s25], [sflag:$0x2] =	stream.indirect_vreg.gather [hbm4b:s6+s0], $0x80, v5, vm0, $0xb8;
	[tilespmem:$0x18380] =	vst v63  }
0x243: {  	s26 =	simm.s32 $0x9B80  }
0x244: {  	[tilespmem:s26], [sflag:$0x2] =	stream.indirect_vreg.gather [hbm4b:s8+s0], $0x80, v5, vm0, $0xb8;
	[tilespmem:$0x18380] =	vst v63  }
0x245: {  	s4 =	simm.s32 $0xA380  }
0x246: {  	[tilespmem:s4], [sflag:$0x2] =	stream.indirect_vreg.gather [hbm4b:s2+s0], $0x80, v3, vm0, $0xb8;
	[tilespmem:$0x18380] =	vst v63  }
0x247: {  	s25 =	simm.s32 $0xAB80  }
0x248: {  	[tilespmem:s25], [sflag:$0x2] =	stream.indirect_vreg.gather [hbm4b:s5+s0], $0x80, v3, vm0, $0xb8;
	[tilespmem:$0x18380] =	vst v63  }
0x249: {  	s26 =	simm.s32 $0xB380  }
0x24a: {  	[tilespmem:s26], [sflag:$0x2] =	stream.indirect_vreg.gather [hbm4b:s6+s0], $0x80, v3, vm0, $0xb8;
	[tilespmem:$0x18380] =	vst v63  }
0x24b: {  	s4 =	simm.s32 $0xBB80  }
0x24c: {  	[tilespmem:s4], [sflag:$0x2] =	stream.indirect_vreg.gather [hbm4b:s8+s0], $0x80, v3, vm0, $0xb8;
	[tilespmem:$0x18380] =	vst v63  }
0x24d: {  	v3 =	vld [tilespmem:$0x290];
	_ =	sdelay $0x4  }
0x24e: {  	v4 =	vshll.u32 v3, $0x3  }
0x24f: {  	v3 =	vand.u32 $0x7, v3;
	v4 =	vand.u32 $0xFFFFFFC0, v4  }
0x250: {  	v3 =	vor.u32 v3, v4  }
0x251: {  	v4 =	vperm.xlane v3, v0;
	_ =	sdelay $0x1  }
0x252: {  	v4 =	vadd.s32 v1, v4;
	_ =	sdelay $0x3  }
0x253: {  	s25 =	simm.s32 $0xC380  }
0x254: {  	[tilespmem:s25], [sflag:$0x2] =	stream.indirect_vreg.gather [hbm4b:s2+s0], $0x80, v4, vm0, $0xb8;
	[tilespmem:$0x18380] =	vst v63  }
0x255: {  	s26 =	simm.s32 $0xCB80;
	v3 =	vperm.xlane v3, v2  }
0x256: {  	[tilespmem:s26], [sflag:$0x2] =	stream.indirect_vreg.gather [hbm4b:s5+s0], $0x80, v4, vm0, $0xb8;
	[tilespmem:$0x18380] =	vst v63  }
0x257: {  	s4 =	simm.s32 $0xD380;
	v3 =	vadd.s32 v1, v3  }
0x258: {  	[tilespmem:s4], [sflag:$0x2] =	stream.indirect_vreg.gather [hbm4b:s6+s0], $0x80, v4, vm0, $0xb8;
	[tilespmem:$0x18380] =	vst v63  }
0x259: {  	s25 =	simm.s32 $0xDB80  }
0x25a: {  	[tilespmem:s25], [sflag:$0x2] =	stream.indirect_vreg.gather [hbm4b:s8+s0], $0x80, v4, vm0, $0xb8;
	[tilespmem:$0x18380] =	vst v63  }
0x25b: {  	s26 =	simm.s32 $0xE380  }
0x25c: {  	[tilespmem:s26], [sflag:$0x2] =	stream.indirect_vreg.gather [hbm4b:s2+s0], $0x80, v3, vm0, $0xb8;
	[tilespmem:$0x18380] =	vst v63  }
0x25d: {  	s4 =	simm.s32 $0xEB80  }
0x25e: {  	[tilespmem:s4], [sflag:$0x2] =	stream.indirect_vreg.gather [hbm4b:s5+s0], $0x80, v3, vm0, $0xb8;
	[tilespmem:$0x18380] =	vst v63  }
0x25f: {  	s25 =	simm.s32 $0xF380  }
0x260: {  	[tilespmem:s25], [sflag:$0x2] =	stream.indirect_vreg.gather [hbm4b:s6+s0], $0x80, v3, vm0, $0xb8;
	[tilespmem:$0x18380] =	vst v63  }
0x261: {  	s26 =	simm.s32 $0xFB80;
	s4 =	simm.s32 $0x0  }
0x262: {  	[tilespmem:s26], [sflag:$0x2] =	stream.indirect_vreg.gather [hbm4b:s8+s0], $0x80, v3, vm0, $0xb8;
	[tilespmem:$0x18380] =	vst v63  }
0x263: {  	s1 =	sand.u32 $0x6000, s4;
	s4 =	simm.s32 $0x0;
	s0 =	sand.u32 $0x1C00, s0  }
0x264: {  	s4 =	sand.u32 $0x380, s4;
	s0 =	sor.u32 s0, s1  }
0x265: {  	s1 =	sor.u32 s0, s4  }
0x266: {  	s28 =	sadd.s32 $0x10380, s1;
	v3 =	vld [tilespmem:s1+$0x10380]  }
0x267: {  	v4 =	vld [tilespmem:s28+$0x70]  }
0x268: {  	v6 =	vld [tilespmem:s28+$0x10]  }
0x269: {  	v8 =	vld [tilespmem:s28+$0x20]  }
0x26a: {  	s25 =	simm.s32 $0x80;
	s0 =	simm.s32 $0x400;
	v9 =	vld [tilespmem:s28+$0x30]  }
0x26b: {  	s26 =	simm.s32 $0x10;
	s4 =	sand.u32 $0x6000, s25;
	s25 =	sand.u32 $0x1C00, s0;
	v10 =	vld [tilespmem:s28+$0x40];
	v3 =	vmul.f32 $3.200000000e+01, v3  }
0x26c: {  	s26 =	sand.u32 $0x380, s26;
	s4 =	sor.u32 s25, s4;
	v5 =	vld [tilespmem:s28+$0x50];
	v4 =	vmul.f32 $3.200000000e+01, v4  }
0x26d: {  	s31 =	sor.u32 s4, s26;
	v11 =	vmul.f32 $3.200000000e+01, v6;
	v6 =	vld [tilespmem:s28+$0x60];
	[tilespmem:s1+$0x10380] =	vst v3  }
0x26e: {  	s30 =	sadd.s32 $0x10380, s31;
	v7 =	vld [tilespmem:s31+$0x10380];
	v8 =	vmul.f32 $3.200000000e+01, v8;
	[tilespmem:s28+$0x70] =	vst v4  }
0x26f: {  	v9 =	vmul.f32 $3.200000000e+01, v9;
	v3 =	vld [tilespmem:s30+$0x70];
	[tilespmem:s28+$0x10] =	vst v11  }
0x270: {  	s1 =	simm.s32 $0x8;
	v4 =	vld [tilespmem:s30+$0x10];
	[tilespmem:s28+$0x20] =	vst v8;
	v8 =	vmul.f32 $3.200000000e+01, v10  }
.LBB2_12:
0x271: {  	s1 =	sadd.s32 $0x8, s1;
	v10 =	vld [tilespmem:s30+$0x20];
	[tilespmem:s28+$0x30] =	vst v9;
	v5 =	vmul.f32 $3.200000000e+01, v5  }
0x272: {  	s0 =	sadd.s32 $0x400, s0;
	s4 =	sshll.u32 s1, $0x4;
	p0 =	slt.u32 s1, $0x7F8;
	v9 =	vld [tilespmem:s30+$0x30];
	[tilespmem:s28+$0x40] =	vst v8;
	v6 =	vmul.f32 $3.200000000e+01, v6  }
0x273: {  	s25 =	sand.u32 $0x1C00, s0;
	s26 =	sshll.u32 s1, $0x1;
	s4 =	sand.u32 $0x6000, s4;
	v7 =	vmul.f32 $3.200000000e+01, v7;
	v8 =	vld [tilespmem:s30+$0x40];
	[tilespmem:s28+$0x50] =	vst v5  }
.Ltmp5:
0x274: {  	s26 =	sand.u32 $0x380, s26;
	s4 =	sor.u32 s25, s4;
	v5 =	vld [tilespmem:s30+$0x50];
	v3 =	vmul.f32 $3.200000000e+01, v3;
	[tilespmem:s28+$0x60] =	vst v6;
	(pc) =	sbr.rel @p0 .LBB2_12-.Ltmp5, $4  }
0x275: {  	s28 =	smov.u32 s30;
	[tilespmem:s31+$0x10380] =	vst v7;
	s31 =	sor.u32 s4, s26;
	v4 =	vmul.f32 $3.200000000e+01, v4;
	v6 =	vld [tilespmem:s30+$0x60]  }
0x276: {  	s30 =	sadd.s32 $0x10380, s31;
	v7 =	vld [tilespmem:s31+$0x10380];
	v10 =	vmul.f32 $3.200000000e+01, v10;
	[tilespmem:s28+$0x70] =	vst v3  }
0x277: {  	v3 =	vld [tilespmem:s30+$0x70];
	[tilespmem:s28+$0x10] =	vst v4;
	v9 =	vmul.f32 $3.200000000e+01, v9  }
0x278: {  	v4 =	vld [tilespmem:s30+$0x10];
	[tilespmem:s28+$0x20] =	vst v10;
	v8 =	vmul.f32 $3.200000000e+01, v8  }
0x279: {  	v10 =	vld [tilespmem:s30+$0x20];
	[tilespmem:s28+$0x30] =	vst v9;
	v5 =	vmul.f32 $3.200000000e+01, v5  }
0x27a: {  	v9 =	vld [tilespmem:s30+$0x30];
	[tilespmem:s28+$0x40] =	vst v8;
	v6 =	vmul.f32 $3.200000000e+01, v6  }
0x27b: {  	v8 =	vld [tilespmem:s30+$0x40];
	v7 =	vmul.f32 $3.200000000e+01, v7;
	[tilespmem:s28+$0x50] =	vst v5  }
0x27c: {  	v5 =	vld [tilespmem:s30+$0x50];
	v3 =	vmul.f32 $3.200000000e+01, v3;
	[tilespmem:s28+$0x60] =	vst v6  }
0x27d: {  	v6 =	vld [tilespmem:s30+$0x60];
	[tilespmem:s31+$0x10380] =	vst v7;
	v4 =	vmul.f32 $3.200000000e+01, v4  }
0x27e: {  	v7 =	vmul.f32 $3.200000000e+01, v10;
	[tilespmem:s30+$0x70] =	vst v3  }
0x27f: {  	v3 =	vmul.f32 $3.200000000e+01, v9;
	[tilespmem:s30+$0x10] =	vst v4  }
0x280: {  	v4 =	vmul.f32 $3.200000000e+01, v8;
	[tilespmem:s30+$0x20] =	vst v7  }
0x281: {  	[tilespmem:s30+$0x30] =	vst v3;
	v3 =	vmul.f32 $3.200000000e+01, v5  }
0x282: {  	[tilespmem:s30+$0x40] =	vst v4;
	v4 =	vmul.f32 $3.200000000e+01, v6  }
0x283: {  	[tilespmem:s30+$0x50] =	vst v3  }
0x284: {  	[tilespmem:s30+$0x60] =	vst v4  }
0x285: {  	s0 =	simm.s32 $0x0;
	s1 =	rddreg [dreg:$0xa]  }
0x286: {  	[hbm4b:s1+s0] =	stream.linear.scatter [tilespmem:s7], [sflag:$0x6], $0x8000, $0x38;
	[tilespmem:$0x18380] =	vst v63  }
0x287: {  	_ =	swait.ge [sflag:s24], $0x8000  }
0x288: {  	[sflag:s24] =	ssyncset.done $0x0  }
0x289: {  	[sflag:s24] =	ssyncadd.s32 $0xFFFF8000  }
0x28a: {  	_ =	swait.ge [sflag:s22], $0x8000  }
0x28b: {  	[sflag:s22] =	ssyncset.done $0x0  }
0x28c: {  	[sflag:s22] =	ssyncadd.s32 $0xFFFF8000  }
0x28d: {  	v3 =	vld [tilespmem:$0x100];
	_ =	sdelay $0x4  }
0x28e: {  	v4 =	vshll.u32 v3, $0x3  }
0x28f: {  	v5 =	vand.u32 $0x7, v3;
	v4 =	vand.u32 $0xFFFFFFC0, v4  }
0x290: {  	v4 =	vor.u32 v5, v4  }
0x291: {  	v5 =	vperm.xlane v4, v0  }
0x292: {  	v6 =	vld [tilespmem:$0x110]  }
0x293: {  	v5 =	vadd.s32 v1, v5;
	_ =	sdelay $0x2  }
0x294: {  	[tilespmem:$0x300] =	vst v3  }
0x295: {  	[tilespmem:$0x310] =	vst v6  }
0x296: {  	[tilespmem:s7], [sflag:$0x3] =	stream.indirect_vreg.gather [hbm4b:s2+s0], $0x80, v5, vm0, $0xb8;
	[tilespmem:$0x18380] =	vst v63  }
0x297: {  	s25 =	simm.s32 $0x10B80;
	v3 =	vperm.xlane v4, v2  }
0x298: {  	[tilespmem:s25], [sflag:$0x3] =	stream.indirect_vreg.gather [hbm4b:s5+s0], $0x80, v5, vm0, $0xb8;
	[tilespmem:$0x18380] =	vst v63  }
0x299: {  	s26 =	simm.s32 $0x11380;
	v3 =	vadd.s32 v1, v3  }
0x29a: {  	[tilespmem:s26], [sflag:$0x3] =	stream.indirect_vreg.gather [hbm4b:s6+s0], $0x80, v5, vm0, $0xb8;
	[tilespmem:$0x18380] =	vst v63  }
0x29b: {  	s31 =	simm.s32 $0x11B80  }
0x29c: {  	[tilespmem:s31], [sflag:$0x3] =	stream.indirect_vreg.gather [hbm4b:s8+s0], $0x80, v5, vm0, $0xb8;
	[tilespmem:$0x18380] =	vst v63  }
0x29d: {  	s4 =	simm.s32 $0x12380  }
0x29e: {  	[tilespmem:s4], [sflag:$0x3] =	stream.indirect_vreg.gather [hbm4b:s2+s0], $0x80, v3, vm0, $0xb8;
	[tilespmem:$0x18380] =	vst v63  }
0x29f: {  	s25 =	simm.s32 $0x12B80  }
0x2a0: {  	[tilespmem:s25], [sflag:$0x3] =	stream.indirect_vreg.gather [hbm4b:s5+s0], $0x80, v3, vm0, $0xb8;
	[tilespmem:$0x18380] =	vst v63  }
0x2a1: {  	s26 =	simm.s32 $0x13380  }
0x2a2: {  	[tilespmem:s26], [sflag:$0x3] =	stream.indirect_vreg.gather [hbm4b:s6+s0], $0x80, v3, vm0, $0xb8;
	[tilespmem:$0x18380] =	vst v63  }
0x2a3: {  	s31 =	simm.s32 $0x13B80  }
0x2a4: {  	[tilespmem:s31], [sflag:$0x3] =	stream.indirect_vreg.gather [hbm4b:s8+s0], $0x80, v3, vm0, $0xb8;
	[tilespmem:$0x18380] =	vst v63  }
0x2a5: {  	v3 =	vld [tilespmem:$0x310];
	_ =	sdelay $0x4  }
0x2a6: {  	v4 =	vshll.u32 v3, $0x3  }
0x2a7: {  	v3 =	vand.u32 $0x7, v3;
	v4 =	vand.u32 $0xFFFFFFC0, v4  }
0x2a8: {  	v3 =	vor.u32 v3, v4  }
0x2a9: {  	v4 =	vperm.xlane v3, v0;
	_ =	sdelay $0x1  }
0x2aa: {  	v4 =	vadd.s32 v1, v4;
	_ =	sdelay $0x3  }
0x2ab: {  	s4 =	simm.s32 $0x14380  }
0x2ac: {  	[tilespmem:s4], [sflag:$0x3] =	stream.indirect_vreg.gather [hbm4b:s2+s0], $0x80, v4, vm0, $0xb8;
	[tilespmem:$0x18380] =	vst v63  }
0x2ad: {  	s25 =	simm.s32 $0x14B80;
	v3 =	vperm.xlane v3, v2  }
0x2ae: {  	[tilespmem:s25], [sflag:$0x3] =	stream.indirect_vreg.gather [hbm4b:s5+s0], $0x80, v4, vm0, $0xb8;
	[tilespmem:$0x18380] =	vst v63  }
0x2af: {  	s26 =	simm.s32 $0x15380;
	v3 =	vadd.s32 v1, v3  }
0x2b0: {  	[tilespmem:s26], [sflag:$0x3] =	stream.indirect_vreg.gather [hbm4b:s6+s0], $0x80, v4, vm0, $0xb8;
	[tilespmem:$0x18380] =	vst v63  }
0x2b1: {  	s31 =	simm.s32 $0x15B80  }
0x2b2: {  	[tilespmem:s31], [sflag:$0x3] =	stream.indirect_vreg.gather [hbm4b:s8+s0], $0x80, v4, vm0, $0xb8;
	[tilespmem:$0x18380] =	vst v63  }
0x2b3: {  	s4 =	simm.s32 $0x16380  }
0x2b4: {  	[tilespmem:s4], [sflag:$0x3] =	stream.indirect_vreg.gather [hbm4b:s2+s0], $0x80, v3, vm0, $0xb8;
	[tilespmem:$0x18380] =	vst v63  }
0x2b5: {  	s25 =	simm.s32 $0x16B80  }
0x2b6: {  	[tilespmem:s25], [sflag:$0x3] =	stream.indirect_vreg.gather [hbm4b:s5+s0], $0x80, v3, vm0, $0xb8;
	[tilespmem:$0x18380] =	vst v63  }
0x2b7: {  	s26 =	simm.s32 $0x17380  }
0x2b8: {  	[tilespmem:s26], [sflag:$0x3] =	stream.indirect_vreg.gather [hbm4b:s6+s0], $0x80, v3, vm0, $0xb8;
	[tilespmem:$0x18380] =	vst v63  }
0x2b9: {  	s31 =	simm.s32 $0x17B80;
	s4 =	simm.s32 $0x0  }
0x2ba: {  	[tilespmem:s31], [sflag:$0x3] =	stream.indirect_vreg.gather [hbm4b:s8+s0], $0x80, v3, vm0, $0xb8;
	[tilespmem:$0x18380] =	vst v63  }
0x2bb: {  	s1 =	sand.u32 $0x6000, s4;
	s4 =	simm.s32 $0x0;
	s0 =	sand.u32 $0x1C00, s0  }
0x2bc: {  	s4 =	sand.u32 $0x380, s4;
	s0 =	sor.u32 s0, s1  }
0x2bd: {  	s30 =	sor.u32 s0, s4  }
0x2be: {  	v3 =	vld [tilespmem:s30+$0x3F0]  }
0x2bf: {  	v4 =	vld [tilespmem:s30+$0x380]  }
0x2c0: {  	v5 =	vld [tilespmem:s30+$0x390]  }
0x2c1: {  	v6 =	vld [tilespmem:s30+$0x3A0]  }
0x2c2: {  	s25 =	simm.s32 $0x80;
	s0 =	simm.s32 $0x400;
	v8 =	vld [tilespmem:s30+$0x3B0]  }
0x2c3: {  	s1 =	sand.u32 $0x6000, s25;
	s25 =	simm.s32 $0x10;
	s26 =	sand.u32 $0x1C00, s0;
	v10 =	vld [tilespmem:s30+$0x3C0];
	v3 =	vmul.f32 $3.200000000e+01, v3  }
0x2c4: {  	s31 =	sand.u32 $0x380, s25;
	v7 =	vld [tilespmem:s30+$0x3D0];
	s1 =	sor.u32 s26, s1;
	v4 =	vmul.f32 $3.200000000e+01, v4  }
0x2c5: {  	s28 =	sor.u32 s1, s31;
	v9 =	vmul.f32 $3.200000000e+01, v5;
	v5 =	vld [tilespmem:s30+$0x3E0];
	[tilespmem:s30+$0x3F0] =	vst v3  }
0x2c6: {  	v11 =	vmul.f32 $3.200000000e+01, v6;
	v3 =	vld [tilespmem:s28+$0x3F0];
	[tilespmem:s30+$0x380] =	vst v4  }
0x2c7: {  	v4 =	vld [tilespmem:s28+$0x380];
	[tilespmem:s30+$0x390] =	vst v9;
	v9 =	vmul.f32 $3.200000000e+01, v8  }
0x2c8: {  	s1 =	simm.s32 $0x8;
	v6 =	vld [tilespmem:s28+$0x390];
	[tilespmem:s30+$0x3A0] =	vst v11;
	v8 =	vmul.f32 $3.200000000e+01, v10  }
.LBB2_14:
0x2c9: {  	s1 =	sadd.s32 $0x8, s1;
	v10 =	vld [tilespmem:s28+$0x3A0];
	[tilespmem:s30+$0x3B0] =	vst v9;
	v7 =	vmul.f32 $3.200000000e+01, v7  }
0x2ca: {  	s0 =	sadd.s32 $0x400, s0;
	s4 =	sshll.u32 s1, $0x4;
	p0 =	slt.u32 s1, $0x7F8;
	v9 =	vld [tilespmem:s28+$0x3B0];
	[tilespmem:s30+$0x3C0] =	vst v8;
	v5 =	vmul.f32 $3.200000000e+01, v5  }
0x2cb: {  	s25 =	sand.u32 $0x1C00, s0;
	s26 =	sshll.u32 s1, $0x1;
	s4 =	sand.u32 $0x6000, s4;
	v8 =	vld [tilespmem:s28+$0x3C0];
	v3 =	vmul.f32 $3.200000000e+01, v3;
	[tilespmem:s30+$0x3D0] =	vst v7  }
.Ltmp6:
0x2cc: {  	s26 =	sand.u32 $0x380, s26;
	s4 =	sor.u32 s25, s4;
	v4 =	vmul.f32 $3.200000000e+01, v4;
	v7 =	vld [tilespmem:s28+$0x3D0];
	[tilespmem:s30+$0x3E0] =	vst v5;
	(pc) =	sbr.rel @p0 .LBB2_14-.Ltmp6, $4  }
0x2cd: {  	s30 =	smov.u32 s28;
	v6 =	vmul.f32 $3.200000000e+01, v6;
	v5 =	vld [tilespmem:s28+$0x3E0];
	[tilespmem:s28+$0x3F0] =	vst v3;
	s28 =	sor.u32 s4, s26  }
0x2ce: {  	v3 =	vld [tilespmem:s28+$0x3F0];
	[tilespmem:s30+$0x380] =	vst v4;
	v10 =	vmul.f32 $3.200000000e+01, v10  }
0x2cf: {  	v4 =	vld [tilespmem:s28+$0x380];
	[tilespmem:s30+$0x390] =	vst v6;
	v9 =	vmul.f32 $3.200000000e+01, v9  }
0x2d0: {  	v6 =	vld [tilespmem:s28+$0x390];
	[tilespmem:s30+$0x3A0] =	vst v10;
	v8 =	vmul.f32 $3.200000000e+01, v8  }
0x2d1: {  	v10 =	vld [tilespmem:s28+$0x3A0];
	[tilespmem:s30+$0x3B0] =	vst v9;
	v7 =	vmul.f32 $3.200000000e+01, v7  }
0x2d2: {  	v9 =	vld [tilespmem:s28+$0x3B0];
	[tilespmem:s30+$0x3C0] =	vst v8;
	v5 =	vmul.f32 $3.200000000e+01, v5  }
0x2d3: {  	v8 =	vld [tilespmem:s28+$0x3C0];
	v3 =	vmul.f32 $3.200000000e+01, v3;
	[tilespmem:s30+$0x3D0] =	vst v7  }
0x2d4: {  	v7 =	vld [tilespmem:s28+$0x3D0];
	v4 =	vmul.f32 $3.200000000e+01, v4;
	[tilespmem:s30+$0x3E0] =	vst v5  }
0x2d5: {  	v5 =	vmul.f32 $3.200000000e+01, v6;
	v6 =	vld [tilespmem:s28+$0x3E0];
	[tilespmem:s28+$0x3F0] =	vst v3  }
0x2d6: {  	[tilespmem:s28+$0x380] =	vst v4;
	v3 =	vmul.f32 $3.200000000e+01, v10  }
0x2d7: {  	v4 =	vmul.f32 $3.200000000e+01, v9;
	[tilespmem:s28+$0x390] =	vst v5  }
0x2d8: {  	[tilespmem:s28+$0x3A0] =	vst v3;
	v3 =	vmul.f32 $3.200000000e+01, v8  }
0x2d9: {  	[tilespmem:s28+$0x3B0] =	vst v4;
	v4 =	vmul.f32 $3.200000000e+01, v7  }
0x2da: {  	[tilespmem:s28+$0x3C0] =	vst v3;
	v3 =	vmul.f32 $3.200000000e+01, v6  }
0x2db: {  	[tilespmem:s28+$0x3D0] =	vst v4  }
0x2dc: {  	[tilespmem:s28+$0x3E0] =	vst v3  }
0x2dd: {  	s0 =	simm.s32 $0x0;
	s1 =	rddreg [dreg:$0xb]  }
0x2de: {  	[hbm4b:s1+s0] =	stream.linear.scatter [tilespmem:s29], [sflag:$0x4], $0x8000, $0x38;
	[tilespmem:$0x18380] =	vst v63  }
0x2df: {  	_ =	swait.ge [sflag:s18], $0x8000  }
0x2e0: {  	[sflag:s18] =	ssyncset.done $0x0  }
0x2e1: {  	[sflag:s18] =	ssyncadd.s32 $0xFFFF8000  }
0x2e2: {  	_ =	swait.ge [sflag:s19], $0x8000  }
0x2e3: {  	[sflag:s19] =	ssyncset.done $0x0  }
0x2e4: {  	[sflag:s19] =	ssyncadd.s32 $0xFFFF8000  }
0x2e5: {  	v3 =	vld [tilespmem:$0x120];
	_ =	sdelay $0x4  }
0x2e6: {  	v4 =	vshll.u32 v3, $0x3  }
0x2e7: {  	v5 =	vand.u32 $0x7, v3;
	v4 =	vand.u32 $0xFFFFFFC0, v4  }
0x2e8: {  	v4 =	vor.u32 v5, v4  }
0x2e9: {  	v5 =	vperm.xlane v4, v0  }
0x2ea: {  	v6 =	vld [tilespmem:$0x130]  }
0x2eb: {  	v5 =	vadd.s32 v1, v5;
	_ =	sdelay $0x2  }
0x2ec: {  	[tilespmem:$0x200] =	vst v3  }
0x2ed: {  	[tilespmem:$0x210] =	vst v6  }
0x2ee: {  	[tilespmem:s29], [sflag:$0x1] =	stream.indirect_vreg.gather [hbm4b:s2+s0], $0x80, v5, vm0, $0xb8;
	[tilespmem:$0x18380] =	vst v63  }
0x2ef: {  	s25 =	simm.s32 $0xB80;
	v3 =	vperm.xlane v4, v2  }
0x2f0: {  	[tilespmem:s25], [sflag:$0x1] =	stream.indirect_vreg.gather [hbm4b:s5+s0], $0x80, v5, vm0, $0xb8;
	[tilespmem:$0x18380] =	vst v63  }
0x2f1: {  	s26 =	simm.s32 $0x1380;
	v3 =	vadd.s32 v1, v3  }
0x2f2: {  	[tilespmem:s26], [sflag:$0x1] =	stream.indirect_vreg.gather [hbm4b:s6+s0], $0x80, v5, vm0, $0xb8;
	[tilespmem:$0x18380] =	vst v63  }
0x2f3: {  	s31 =	simm.s32 $0x1B80  }
0x2f4: {  	[tilespmem:s31], [sflag:$0x1] =	stream.indirect_vreg.gather [hbm4b:s8+s0], $0x80, v5, vm0, $0xb8;
	[tilespmem:$0x18380] =	vst v63  }
0x2f5: {  	s4 =	simm.s32 $0x2380  }
0x2f6: {  	[tilespmem:s4], [sflag:$0x1] =	stream.indirect_vreg.gather [hbm4b:s2+s0], $0x80, v3, vm0, $0xb8;
	[tilespmem:$0x18380] =	vst v63  }
0x2f7: {  	s25 =	simm.s32 $0x2B80  }
0x2f8: {  	[tilespmem:s25], [sflag:$0x1] =	stream.indirect_vreg.gather [hbm4b:s5+s0], $0x80, v3, vm0, $0xb8;
	[tilespmem:$0x18380] =	vst v63  }
0x2f9: {  	s26 =	simm.s32 $0x3380  }
0x2fa: {  	[tilespmem:s26], [sflag:$0x1] =	stream.indirect_vreg.gather [hbm4b:s6+s0], $0x80, v3, vm0, $0xb8;
	[tilespmem:$0x18380] =	vst v63  }
0x2fb: {  	s31 =	simm.s32 $0x3B80  }
0x2fc: {  	[tilespmem:s31], [sflag:$0x1] =	stream.indirect_vreg.gather [hbm4b:s8+s0], $0x80, v3, vm0, $0xb8;
	[tilespmem:$0x18380] =	vst v63  }
0x2fd: {  	v3 =	vld [tilespmem:$0x210];
	_ =	sdelay $0x4  }
0x2fe: {  	v4 =	vshll.u32 v3, $0x3  }
0x2ff: {  	v3 =	vand.u32 $0x7, v3;
	v4 =	vand.u32 $0xFFFFFFC0, v4  }
0x300: {  	v3 =	vor.u32 v3, v4  }
0x301: {  	v4 =	vperm.xlane v3, v0;
	_ =	sdelay $0x1  }
0x302: {  	v4 =	vadd.s32 v1, v4;
	_ =	sdelay $0x4  }
0x303: {  	[tilespmem:s9], [sflag:$0x1] =	stream.indirect_vreg.gather [hbm4b:s2+s0], $0x80, v4, vm0, $0xb8;
	[tilespmem:$0x18380] =	vst v63  }
0x304: {  	v3 =	vperm.xlane v3, v2  }
0x305: {  	[tilespmem:s10], [sflag:$0x1] =	stream.indirect_vreg.gather [hbm4b:s5+s0], $0x80, v4, vm0, $0xb8;
	[tilespmem:$0x18380] =	vst v63  }
0x306: {  	v3 =	vadd.s32 v1, v3  }
0x307: {  	[tilespmem:s11], [sflag:$0x1] =	stream.indirect_vreg.gather [hbm4b:s6+s0], $0x80, v4, vm0, $0xb8;
	[tilespmem:$0x18380] =	vst v63  }
0x308: {  	_ = 	snop  }
0x309: {  	[tilespmem:s12], [sflag:$0x1] =	stream.indirect_vreg.gather [hbm4b:s8+s0], $0x80, v4, vm0, $0xb8;
	[tilespmem:$0x18380] =	vst v63  }
0x30a: {  	_ = 	snop  }
0x30b: {  	[tilespmem:s13], [sflag:$0x1] =	stream.indirect_vreg.gather [hbm4b:s2+s0], $0x80, v3, vm0, $0xb8;
	[tilespmem:$0x18380] =	vst v63  }
0x30c: {  	_ = 	snop  }
0x30d: {  	[tilespmem:s14], [sflag:$0x1] =	stream.indirect_vreg.gather [hbm4b:s5+s0], $0x80, v3, vm0, $0xb8;
	[tilespmem:$0x18380] =	vst v63  }
0x30e: {  	_ = 	snop  }
0x30f: {  	[tilespmem:s15], [sflag:$0x1] =	stream.indirect_vreg.gather [hbm4b:s6+s0], $0x80, v3, vm0, $0xb8;
	[tilespmem:$0x18380] =	vst v63  }
0x310: {  	s4 =	simm.s32 $0x0  }
0x311: {  	[tilespmem:s16], [sflag:$0x1] =	stream.indirect_vreg.gather [hbm4b:s8+s0], $0x80, v3, vm0, $0xb8;
	[tilespmem:$0x18380] =	vst v63  }
0x312: {  	s1 =	sand.u32 $0x6000, s4;
	s4 =	simm.s32 $0x0;
	s0 =	sand.u32 $0x1C00, s0  }
0x313: {  	s4 =	sand.u32 $0x380, s4;
	s0 =	sor.u32 s0, s1  }
0x314: {  	s30 =	sor.u32 s0, s4  }
0x315: {  	v3 =	vld [tilespmem:s30+$0x83F0]  }
0x316: {  	v4 =	vld [tilespmem:s30+$0x8380]  }
0x317: {  	v5 =	vld [tilespmem:s30+$0x8390]  }
0x318: {  	v6 =	vld [tilespmem:s30+$0x83A0]  }
0x319: {  	s25 =	simm.s32 $0x80;
	s0 =	simm.s32 $0x400;
	v8 =	vld [tilespmem:s30+$0x83B0]  }
0x31a: {  	s1 =	sand.u32 $0x6000, s25;
	s25 =	simm.s32 $0x10;
	s26 =	sand.u32 $0x1C00, s0;
	v10 =	vld [tilespmem:s30+$0x83C0];
	v3 =	vmul.f32 $3.200000000e+01, v3  }
0x31b: {  	s31 =	sand.u32 $0x380, s25;
	v7 =	vld [tilespmem:s30+$0x83D0];
	s1 =	sor.u32 s26, s1;
	v4 =	vmul.f32 $3.200000000e+01, v4  }
0x31c: {  	s28 =	sor.u32 s1, s31;
	v9 =	vmul.f32 $3.200000000e+01, v5;
	v5 =	vld [tilespmem:s30+$0x83E0];
	[tilespmem:s30+$0x83F0] =	vst v3  }
0x31d: {  	v11 =	vmul.f32 $3.200000000e+01, v6;
	v3 =	vld [tilespmem:s28+$0x83F0];
	[tilespmem:s30+$0x8380] =	vst v4  }
0x31e: {  	v4 =	vld [tilespmem:s28+$0x8380];
	[tilespmem:s30+$0x8390] =	vst v9;
	v9 =	vmul.f32 $3.200000000e+01, v8  }
0x31f: {  	s1 =	simm.s32 $0x8;
	v6 =	vld [tilespmem:s28+$0x8390];
	[tilespmem:s30+$0x83A0] =	vst v11;
	v8 =	vmul.f32 $3.200000000e+01, v10  }
.LBB2_16:
0x320: {  	s1 =	sadd.s32 $0x8, s1;
	v10 =	vld [tilespmem:s28+$0x83A0];
	[tilespmem:s30+$0x83B0] =	vst v9;
	v7 =	vmul.f32 $3.200000000e+01, v7  }
0x321: {  	s0 =	sadd.s32 $0x400, s0;
	s4 =	sshll.u32 s1, $0x4;
	p0 =	slt.u32 s1, $0x7F8;
	v9 =	vld [tilespmem:s28+$0x83B0];
	[tilespmem:s30+$0x83C0] =	vst v8;
	v5 =	vmul.f32 $3.200000000e+01, v5  }
0x322: {  	s25 =	sand.u32 $0x1C00, s0;
	s26 =	sshll.u32 s1, $0x1;
	s4 =	sand.u32 $0x6000, s4;
	v8 =	vld [tilespmem:s28+$0x83C0];
	v3 =	vmul.f32 $3.200000000e+01, v3;
	[tilespmem:s30+$0x83D0] =	vst v7  }
.Ltmp7:
0x323: {  	s26 =	sand.u32 $0x380, s26;
	s4 =	sor.u32 s25, s4;
	v4 =	vmul.f32 $3.200000000e+01, v4;
	v7 =	vld [tilespmem:s28+$0x83D0];
	[tilespmem:s30+$0x83E0] =	vst v5;
	(pc) =	sbr.rel @p0 .LBB2_16-.Ltmp7, $4  }
0x324: {  	s30 =	smov.u32 s28;
	v6 =	vmul.f32 $3.200000000e+01, v6;
	v5 =	vld [tilespmem:s28+$0x83E0];
	[tilespmem:s28+$0x83F0] =	vst v3;
	s28 =	sor.u32 s4, s26  }
0x325: {  	v3 =	vld [tilespmem:s28+$0x83F0];
	[tilespmem:s30+$0x8380] =	vst v4;
	v10 =	vmul.f32 $3.200000000e+01, v10  }
0x326: {  	v4 =	vld [tilespmem:s28+$0x8380];
	[tilespmem:s30+$0x8390] =	vst v6;
	v9 =	vmul.f32 $3.200000000e+01, v9  }
0x327: {  	v6 =	vld [tilespmem:s28+$0x8390];
	[tilespmem:s30+$0x83A0] =	vst v10;
	v8 =	vmul.f32 $3.200000000e+01, v8  }
0x328: {  	v10 =	vld [tilespmem:s28+$0x83A0];
	[tilespmem:s30+$0x83B0] =	vst v9;
	v7 =	vmul.f32 $3.200000000e+01, v7  }
0x329: {  	v9 =	vld [tilespmem:s28+$0x83B0];
	[tilespmem:s30+$0x83C0] =	vst v8;
	v5 =	vmul.f32 $3.200000000e+01, v5  }
0x32a: {  	v8 =	vld [tilespmem:s28+$0x83C0];
	v3 =	vmul.f32 $3.200000000e+01, v3;
	[tilespmem:s30+$0x83D0] =	vst v7  }
0x32b: {  	v7 =	vld [tilespmem:s28+$0x83D0];
	v4 =	vmul.f32 $3.200000000e+01, v4;
	[tilespmem:s30+$0x83E0] =	vst v5  }
0x32c: {  	v5 =	vmul.f32 $3.200000000e+01, v6;
	v6 =	vld [tilespmem:s28+$0x83E0];
	[tilespmem:s28+$0x83F0] =	vst v3  }
0x32d: {  	[tilespmem:s28+$0x8380] =	vst v4;
	v3 =	vmul.f32 $3.200000000e+01, v10  }
0x32e: {  	v4 =	vmul.f32 $3.200000000e+01, v9;
	[tilespmem:s28+$0x8390] =	vst v5  }
0x32f: {  	[tilespmem:s28+$0x83A0] =	vst v3;
	v3 =	vmul.f32 $3.200000000e+01, v8  }
0x330: {  	[tilespmem:s28+$0x83B0] =	vst v4;
	v4 =	vmul.f32 $3.200000000e+01, v7  }
0x331: {  	[tilespmem:s28+$0x83C0] =	vst v3;
	v3 =	vmul.f32 $3.200000000e+01, v6  }
0x332: {  	[tilespmem:s28+$0x83D0] =	vst v4  }
0x333: {  	[tilespmem:s28+$0x83E0] =	vst v3  }
0x334: {  	s0 =	simm.s32 $0x0;
	s1 =	rddreg [dreg:$0xc]  }
0x335: {  	[hbm4b:s1+s0] =	stream.linear.scatter [tilespmem:s17], [sflag:$0x5], $0x8000, $0x38;
	[tilespmem:$0x18380] =	vst v63  }
0x336: {  	_ =	swait.ge [sflag:s20], $0x8000  }
0x337: {  	[sflag:s20] =	ssyncset.done $0x0  }
0x338: {  	[sflag:s20] =	ssyncadd.s32 $0xFFFF8000  }
0x339: {  	_ =	swait.ge [sflag:s21], $0x8000  }
0x33a: {  	[sflag:s21] =	ssyncset.done $0x0  }
0x33b: {  	[sflag:s21] =	ssyncadd.s32 $0xFFFF8000  }
0x33c: {  	v3 =	vld [tilespmem:$0x140];
	_ =	sdelay $0x4  }
0x33d: {  	v4 =	vshll.u32 v3, $0x3  }
0x33e: {  	v5 =	vand.u32 $0x7, v3;
	v4 =	vand.u32 $0xFFFFFFC0, v4  }
0x33f: {  	v4 =	vor.u32 v5, v4  }
0x340: {  	v5 =	vperm.xlane v4, v0  }
0x341: {  	v6 =	vld [tilespmem:$0x150]  }
0x342: {  	v5 =	vadd.s32 v1, v5;
	_ =	sdelay $0x2  }
0x343: {  	[tilespmem:$0x280] =	vst v3  }
0x344: {  	[tilespmem:$0x290] =	vst v6  }
0x345: {  	[tilespmem:s17], [sflag:$0x2] =	stream.indirect_vreg.gather [hbm4b:s2+s0], $0x80, v5, vm0, $0xb8;
	[tilespmem:$0x18380] =	vst v63  }
0x346: {  	s4 =	simm.s32 $0x8B80;
	v3 =	vperm.xlane v4, v2  }
0x347: {  	[tilespmem:s4], [sflag:$0x2] =	stream.indirect_vreg.gather [hbm4b:s5+s0], $0x80, v5, vm0, $0xb8;
	[tilespmem:$0x18380] =	vst v63  }
0x348: {  	s25 =	simm.s32 $0x9380;
	v3 =	vadd.s32 v1, v3  }
0x349: {  	[tilespmem:s25], [sflag:$0x2] =	stream.indirect_vreg.gather [hbm4b:s6+s0], $0x80, v5, vm0, $0xb8;
	[tilespmem:$0x18380] =	vst v63  }
0x34a: {  	s26 =	simm.s32 $0x9B80  }
0x34b: {  	[tilespmem:s26], [sflag:$0x2] =	stream.indirect_vreg.gather [hbm4b:s8+s0], $0x80, v5, vm0, $0xb8;
	[tilespmem:$0x18380] =	vst v63  }
0x34c: {  	s4 =	simm.s32 $0xA380  }
0x34d: {  	[tilespmem:s4], [sflag:$0x2] =	stream.indirect_vreg.gather [hbm4b:s2+s0], $0x80, v3, vm0, $0xb8;
	[tilespmem:$0x18380] =	vst v63  }
0x34e: {  	s25 =	simm.s32 $0xAB80  }
0x34f: {  	[tilespmem:s25], [sflag:$0x2] =	stream.indirect_vreg.gather [hbm4b:s5+s0], $0x80, v3, vm0, $0xb8;
	[tilespmem:$0x18380] =	vst v63  }
0x350: {  	s26 =	simm.s32 $0xB380  }
0x351: {  	[tilespmem:s26], [sflag:$0x2] =	stream.indirect_vreg.gather [hbm4b:s6+s0], $0x80, v3, vm0, $0xb8;
	[tilespmem:$0x18380] =	vst v63  }
0x352: {  	s4 =	simm.s32 $0xBB80  }
0x353: {  	[tilespmem:s4], [sflag:$0x2] =	stream.indirect_vreg.gather [hbm4b:s8+s0], $0x80, v3, vm0, $0xb8;
	[tilespmem:$0x18380] =	vst v63  }
0x354: {  	v3 =	vld [tilespmem:$0x290];
	_ =	sdelay $0x4  }
0x355: {  	v4 =	vshll.u32 v3, $0x3  }
0x356: {  	v3 =	vand.u32 $0x7, v3;
	v4 =	vand.u32 $0xFFFFFFC0, v4  }
0x357: {  	v3 =	vor.u32 v3, v4  }
0x358: {  	v4 =	vperm.xlane v3, v0;
	_ =	sdelay $0x1  }
0x359: {  	v4 =	vadd.s32 v1, v4;
	_ =	sdelay $0x3  }
0x35a: {  	s25 =	simm.s32 $0xC380  }
0x35b: {  	[tilespmem:s25], [sflag:$0x2] =	stream.indirect_vreg.gather [hbm4b:s2+s0], $0x80, v4, vm0, $0xb8;
	[tilespmem:$0x18380] =	vst v63  }
0x35c: {  	s26 =	simm.s32 $0xCB80;
	v3 =	vperm.xlane v3, v2  }
0x35d: {  	[tilespmem:s26], [sflag:$0x2] =	stream.indirect_vreg.gather [hbm4b:s5+s0], $0x80, v4, vm0, $0xb8;
	[tilespmem:$0x18380] =	vst v63  }
0x35e: {  	s4 =	simm.s32 $0xD380;
	v3 =	vadd.s32 v1, v3  }
0x35f: {  	[tilespmem:s4], [sflag:$0x2] =	stream.indirect_vreg.gather [hbm4b:s6+s0], $0x80, v4, vm0, $0xb8;
	[tilespmem:$0x18380] =	vst v63  }
0x360: {  	s25 =	simm.s32 $0xDB80  }
0x361: {  	[tilespmem:s25], [sflag:$0x2] =	stream.indirect_vreg.gather [hbm4b:s8+s0], $0x80, v4, vm0, $0xb8;
	[tilespmem:$0x18380] =	vst v63  }
0x362: {  	s26 =	simm.s32 $0xE380  }
0x363: {  	[tilespmem:s26], [sflag:$0x2] =	stream.indirect_vreg.gather [hbm4b:s2+s0], $0x80, v3, vm0, $0xb8;
	[tilespmem:$0x18380] =	vst v63  }
0x364: {  	s4 =	simm.s32 $0xEB80  }
0x365: {  	[tilespmem:s4], [sflag:$0x2] =	stream.indirect_vreg.gather [hbm4b:s5+s0], $0x80, v3, vm0, $0xb8;
	[tilespmem:$0x18380] =	vst v63  }
0x366: {  	s25 =	simm.s32 $0xF380  }
0x367: {  	[tilespmem:s25], [sflag:$0x2] =	stream.indirect_vreg.gather [hbm4b:s6+s0], $0x80, v3, vm0, $0xb8;
	[tilespmem:$0x18380] =	vst v63  }
0x368: {  	s26 =	simm.s32 $0xFB80;
	s4 =	simm.s32 $0x0  }
0x369: {  	[tilespmem:s26], [sflag:$0x2] =	stream.indirect_vreg.gather [hbm4b:s8+s0], $0x80, v3, vm0, $0xb8;
	[tilespmem:$0x18380] =	vst v63  }
0x36a: {  	s1 =	sand.u32 $0x6000, s4;
	s4 =	simm.s32 $0x0;
	s0 =	sand.u32 $0x1C00, s0  }
0x36b: {  	s4 =	sand.u32 $0x380, s4;
	s0 =	sor.u32 s0, s1  }
0x36c: {  	s1 =	sor.u32 s0, s4  }
0x36d: {  	s28 =	sadd.s32 $0x10380, s1;
	v3 =	vld [tilespmem:s1+$0x10380]  }
0x36e: {  	v4 =	vld [tilespmem:s28+$0x70]  }
0x36f: {  	v6 =	vld [tilespmem:s28+$0x10]  }
0x370: {  	v8 =	vld [tilespmem:s28+$0x20]  }
0x371: {  	s25 =	simm.s32 $0x80;
	s0 =	simm.s32 $0x400;
	v9 =	vld [tilespmem:s28+$0x30]  }
0x372: {  	s26 =	simm.s32 $0x10;
	s4 =	sand.u32 $0x6000, s25;
	s25 =	sand.u32 $0x1C00, s0;
	v10 =	vld [tilespmem:s28+$0x40];
	v3 =	vmul.f32 $3.200000000e+01, v3  }
0x373: {  	s26 =	sand.u32 $0x380, s26;
	s4 =	sor.u32 s25, s4;
	v5 =	vld [tilespmem:s28+$0x50];
	v4 =	vmul.f32 $3.200000000e+01, v4  }
0x374: {  	s31 =	sor.u32 s4, s26;
	v11 =	vmul.f32 $3.200000000e+01, v6;
	v6 =	vld [tilespmem:s28+$0x60];
	[tilespmem:s1+$0x10380] =	vst v3  }
0x375: {  	s30 =	sadd.s32 $0x10380, s31;
	v7 =	vld [tilespmem:s31+$0x10380];
	v8 =	vmul.f32 $3.200000000e+01, v8;
	[tilespmem:s28+$0x70] =	vst v4  }
0x376: {  	v9 =	vmul.f32 $3.200000000e+01, v9;
	v3 =	vld [tilespmem:s30+$0x70];
	[tilespmem:s28+$0x10] =	vst v11  }
0x377: {  	s1 =	simm.s32 $0x8;
	v4 =	vld [tilespmem:s30+$0x10];
	[tilespmem:s28+$0x20] =	vst v8;
	v8 =	vmul.f32 $3.200000000e+01, v10  }
.LBB2_18:
0x378: {  	s1 =	sadd.s32 $0x8, s1;
	v10 =	vld [tilespmem:s30+$0x20];
	[tilespmem:s28+$0x30] =	vst v9;
	v5 =	vmul.f32 $3.200000000e+01, v5  }
0x379: {  	s0 =	sadd.s32 $0x400, s0;
	s4 =	sshll.u32 s1, $0x4;
	p0 =	slt.u32 s1, $0x7F8;
	v9 =	vld [tilespmem:s30+$0x30];
	[tilespmem:s28+$0x40] =	vst v8;
	v6 =	vmul.f32 $3.200000000e+01, v6  }
0x37a: {  	s25 =	sand.u32 $0x1C00, s0;
	s26 =	sshll.u32 s1, $0x1;
	s4 =	sand.u32 $0x6000, s4;
	v7 =	vmul.f32 $3.200000000e+01, v7;
	v8 =	vld [tilespmem:s30+$0x40];
	[tilespmem:s28+$0x50] =	vst v5  }
.Ltmp8:
0x37b: {  	s26 =	sand.u32 $0x380, s26;
	s4 =	sor.u32 s25, s4;
	v5 =	vld [tilespmem:s30+$0x50];
	v3 =	vmul.f32 $3.200000000e+01, v3;
	[tilespmem:s28+$0x60] =	vst v6;
	(pc) =	sbr.rel @p0 .LBB2_18-.Ltmp8, $4  }
0x37c: {  	s28 =	smov.u32 s30;
	[tilespmem:s31+$0x10380] =	vst v7;
	s31 =	sor.u32 s4, s26;
	v4 =	vmul.f32 $3.200000000e+01, v4;
	v6 =	vld [tilespmem:s30+$0x60]  }
0x37d: {  	s30 =	sadd.s32 $0x10380, s31;
	v7 =	vld [tilespmem:s31+$0x10380];
	v10 =	vmul.f32 $3.200000000e+01, v10;
	[tilespmem:s28+$0x70] =	vst v3  }
0x37e: {  	v3 =	vld [tilespmem:s30+$0x70];
	[tilespmem:s28+$0x10] =	vst v4;
	v9 =	vmul.f32 $3.200000000e+01, v9  }
0x37f: {  	v4 =	vld [tilespmem:s30+$0x10];
	[tilespmem:s28+$0x20] =	vst v10;
	v8 =	vmul.f32 $3.200000000e+01, v8  }
0x380: {  	v10 =	vld [tilespmem:s30+$0x20];
	[tilespmem:s28+$0x30] =	vst v9;
	v5 =	vmul.f32 $3.200000000e+01, v5  }
0x381: {  	v9 =	vld [tilespmem:s30+$0x30];
	[tilespmem:s28+$0x40] =	vst v8;
	v6 =	vmul.f32 $3.200000000e+01, v6  }
0x382: {  	v8 =	vld [tilespmem:s30+$0x40];
	v7 =	vmul.f32 $3.200000000e+01, v7;
	[tilespmem:s28+$0x50] =	vst v5  }
0x383: {  	v5 =	vld [tilespmem:s30+$0x50];
	v3 =	vmul.f32 $3.200000000e+01, v3;
	[tilespmem:s28+$0x60] =	vst v6  }
0x384: {  	v6 =	vld [tilespmem:s30+$0x60];
	[tilespmem:s31+$0x10380] =	vst v7;
	v4 =	vmul.f32 $3.200000000e+01, v4  }
0x385: {  	v7 =	vmul.f32 $3.200000000e+01, v10;
	[tilespmem:s30+$0x70] =	vst v3  }
0x386: {  	v3 =	vmul.f32 $3.200000000e+01, v9;
	[tilespmem:s30+$0x10] =	vst v4  }
0x387: {  	v4 =	vmul.f32 $3.200000000e+01, v8;
	[tilespmem:s30+$0x20] =	vst v7  }
0x388: {  	[tilespmem:s30+$0x30] =	vst v3;
	v3 =	vmul.f32 $3.200000000e+01, v5  }
0x389: {  	[tilespmem:s30+$0x40] =	vst v4;
	v4 =	vmul.f32 $3.200000000e+01, v6  }
0x38a: {  	[tilespmem:s30+$0x50] =	vst v3  }
0x38b: {  	[tilespmem:s30+$0x60] =	vst v4  }
0x38c: {  	s0 =	simm.s32 $0x0;
	s1 =	rddreg [dreg:$0xd]  }
0x38d: {  	[hbm4b:s1+s0] =	stream.linear.scatter [tilespmem:s7], [sflag:$0x6], $0x8000, $0x38;
	[tilespmem:$0x18380] =	vst v63  }
0x38e: {  	_ =	swait.ge [sflag:s24], $0x8000  }
0x38f: {  	[sflag:s24] =	ssyncset.done $0x0  }
0x390: {  	[sflag:s24] =	ssyncadd.s32 $0xFFFF8000  }
0x391: {  	_ =	swait.ge [sflag:s22], $0x8000  }
0x392: {  	[sflag:s22] =	ssyncset.done $0x0  }
0x393: {  	[sflag:s22] =	ssyncadd.s32 $0xFFFF8000  }
0x394: {  	v3 =	vld [tilespmem:$0x160];
	_ =	sdelay $0x4  }
0x395: {  	v4 =	vshll.u32 v3, $0x3  }
0x396: {  	v5 =	vand.u32 $0x7, v3;
	v4 =	vand.u32 $0xFFFFFFC0, v4  }
0x397: {  	v4 =	vor.u32 v5, v4  }
0x398: {  	v5 =	vperm.xlane v4, v0  }
0x399: {  	v6 =	vld [tilespmem:$0x170]  }
0x39a: {  	v5 =	vadd.s32 v1, v5;
	_ =	sdelay $0x2  }
0x39b: {  	[tilespmem:$0x300] =	vst v3  }
0x39c: {  	[tilespmem:$0x310] =	vst v6  }
0x39d: {  	[tilespmem:s7], [sflag:$0x3] =	stream.indirect_vreg.gather [hbm4b:s2+s0], $0x80, v5, vm0, $0xb8;
	[tilespmem:$0x18380] =	vst v63  }
0x39e: {  	s25 =	simm.s32 $0x10B80;
	v3 =	vperm.xlane v4, v2  }
0x39f: {  	[tilespmem:s25], [sflag:$0x3] =	stream.indirect_vreg.gather [hbm4b:s5+s0], $0x80, v5, vm0, $0xb8;
	[tilespmem:$0x18380] =	vst v63  }
0x3a0: {  	s26 =	simm.s32 $0x11380;
	v3 =	vadd.s32 v1, v3  }
0x3a1: {  	[tilespmem:s26], [sflag:$0x3] =	stream.indirect_vreg.gather [hbm4b:s6+s0], $0x80, v5, vm0, $0xb8;
	[tilespmem:$0x18380] =	vst v63  }
0x3a2: {  	s31 =	simm.s32 $0x11B80  }
0x3a3: {  	[tilespmem:s31], [sflag:$0x3] =	stream.indirect_vreg.gather [hbm4b:s8+s0], $0x80, v5, vm0, $0xb8;
	[tilespmem:$0x18380] =	vst v63  }
0x3a4: {  	s4 =	simm.s32 $0x12380  }
0x3a5: {  	[tilespmem:s4], [sflag:$0x3] =	stream.indirect_vreg.gather [hbm4b:s2+s0], $0x80, v3, vm0, $0xb8;
	[tilespmem:$0x18380] =	vst v63  }
0x3a6: {  	s25 =	simm.s32 $0x12B80  }
0x3a7: {  	[tilespmem:s25], [sflag:$0x3] =	stream.indirect_vreg.gather [hbm4b:s5+s0], $0x80, v3, vm0, $0xb8;
	[tilespmem:$0x18380] =	vst v63  }
0x3a8: {  	s26 =	simm.s32 $0x13380  }
0x3a9: {  	[tilespmem:s26], [sflag:$0x3] =	stream.indirect_vreg.gather [hbm4b:s6+s0], $0x80, v3, vm0, $0xb8;
	[tilespmem:$0x18380] =	vst v63  }
0x3aa: {  	s31 =	simm.s32 $0x13B80  }
0x3ab: {  	[tilespmem:s31], [sflag:$0x3] =	stream.indirect_vreg.gather [hbm4b:s8+s0], $0x80, v3, vm0, $0xb8;
	[tilespmem:$0x18380] =	vst v63  }
0x3ac: {  	v3 =	vld [tilespmem:$0x310];
	_ =	sdelay $0x4  }
0x3ad: {  	v4 =	vshll.u32 v3, $0x3  }
0x3ae: {  	v3 =	vand.u32 $0x7, v3;
	v4 =	vand.u32 $0xFFFFFFC0, v4  }
0x3af: {  	v3 =	vor.u32 v3, v4  }
0x3b0: {  	v4 =	vperm.xlane v3, v0;
	_ =	sdelay $0x1  }
0x3b1: {  	v4 =	vadd.s32 v1, v4;
	_ =	sdelay $0x3  }
0x3b2: {  	s4 =	simm.s32 $0x14380  }
0x3b3: {  	[tilespmem:s4], [sflag:$0x3] =	stream.indirect_vreg.gather [hbm4b:s2+s0], $0x80, v4, vm0, $0xb8;
	[tilespmem:$0x18380] =	vst v63  }
0x3b4: {  	s25 =	simm.s32 $0x14B80;
	v3 =	vperm.xlane v3, v2  }
0x3b5: {  	[tilespmem:s25], [sflag:$0x3] =	stream.indirect_vreg.gather [hbm4b:s5+s0], $0x80, v4, vm0, $0xb8;
	[tilespmem:$0x18380] =	vst v63  }
0x3b6: {  	s26 =	simm.s32 $0x15380;
	v3 =	vadd.s32 v1, v3  }
0x3b7: {  	[tilespmem:s26], [sflag:$0x3] =	stream.indirect_vreg.gather [hbm4b:s6+s0], $0x80, v4, vm0, $0xb8;
	[tilespmem:$0x18380] =	vst v63  }
0x3b8: {  	s31 =	simm.s32 $0x15B80  }
0x3b9: {  	[tilespmem:s31], [sflag:$0x3] =	stream.indirect_vreg.gather [hbm4b:s8+s0], $0x80, v4, vm0, $0xb8;
	[tilespmem:$0x18380] =	vst v63  }
0x3ba: {  	s4 =	simm.s32 $0x16380  }
0x3bb: {  	[tilespmem:s4], [sflag:$0x3] =	stream.indirect_vreg.gather [hbm4b:s2+s0], $0x80, v3, vm0, $0xb8;
	[tilespmem:$0x18380] =	vst v63  }
0x3bc: {  	s25 =	simm.s32 $0x16B80  }
0x3bd: {  	[tilespmem:s25], [sflag:$0x3] =	stream.indirect_vreg.gather [hbm4b:s5+s0], $0x80, v3, vm0, $0xb8;
	[tilespmem:$0x18380] =	vst v63  }
0x3be: {  	s26 =	simm.s32 $0x17380  }
0x3bf: {  	[tilespmem:s26], [sflag:$0x3] =	stream.indirect_vreg.gather [hbm4b:s6+s0], $0x80, v3, vm0, $0xb8;
	[tilespmem:$0x18380] =	vst v63  }
0x3c0: {  	s31 =	simm.s32 $0x17B80;
	s4 =	simm.s32 $0x0  }
0x3c1: {  	[tilespmem:s31], [sflag:$0x3] =	stream.indirect_vreg.gather [hbm4b:s8+s0], $0x80, v3, vm0, $0xb8;
	[tilespmem:$0x18380] =	vst v63  }
0x3c2: {  	s1 =	sand.u32 $0x6000, s4;
	s4 =	simm.s32 $0x0;
	s0 =	sand.u32 $0x1C00, s0  }
0x3c3: {  	s4 =	sand.u32 $0x380, s4;
	s0 =	sor.u32 s0, s1  }
0x3c4: {  	s30 =	sor.u32 s0, s4  }
0x3c5: {  	v3 =	vld [tilespmem:s30+$0x3F0]  }
0x3c6: {  	v4 =	vld [tilespmem:s30+$0x380]  }
0x3c7: {  	v5 =	vld [tilespmem:s30+$0x390]  }
0x3c8: {  	v6 =	vld [tilespmem:s30+$0x3A0]  }
0x3c9: {  	s25 =	simm.s32 $0x80;
	s0 =	simm.s32 $0x400;
	v8 =	vld [tilespmem:s30+$0x3B0]  }
0x3ca: {  	s1 =	sand.u32 $0x6000, s25;
	s25 =	simm.s32 $0x10;
	s26 =	sand.u32 $0x1C00, s0;
	v10 =	vld [tilespmem:s30+$0x3C0];
	v3 =	vmul.f32 $3.200000000e+01, v3  }
0x3cb: {  	s31 =	sand.u32 $0x380, s25;
	v7 =	vld [tilespmem:s30+$0x3D0];
	s1 =	sor.u32 s26, s1;
	v4 =	vmul.f32 $3.200000000e+01, v4  }
0x3cc: {  	s28 =	sor.u32 s1, s31;
	v9 =	vmul.f32 $3.200000000e+01, v5;
	v5 =	vld [tilespmem:s30+$0x3E0];
	[tilespmem:s30+$0x3F0] =	vst v3  }
0x3cd: {  	v11 =	vmul.f32 $3.200000000e+01, v6;
	v3 =	vld [tilespmem:s28+$0x3F0];
	[tilespmem:s30+$0x380] =	vst v4  }
0x3ce: {  	v4 =	vld [tilespmem:s28+$0x380];
	[tilespmem:s30+$0x390] =	vst v9;
	v9 =	vmul.f32 $3.200000000e+01, v8  }
0x3cf: {  	s1 =	simm.s32 $0x8;
	v6 =	vld [tilespmem:s28+$0x390];
	[tilespmem:s30+$0x3A0] =	vst v11;
	v8 =	vmul.f32 $3.200000000e+01, v10  }
.LBB2_20:
0x3d0: {  	s1 =	sadd.s32 $0x8, s1;
	v10 =	vld [tilespmem:s28+$0x3A0];
	[tilespmem:s30+$0x3B0] =	vst v9;
	v7 =	vmul.f32 $3.200000000e+01, v7  }
0x3d1: {  	s0 =	sadd.s32 $0x400, s0;
	s4 =	sshll.u32 s1, $0x4;
	p0 =	slt.u32 s1, $0x7F8;
	v9 =	vld [tilespmem:s28+$0x3B0];
	[tilespmem:s30+$0x3C0] =	vst v8;
	v5 =	vmul.f32 $3.200000000e+01, v5  }
0x3d2: {  	s25 =	sand.u32 $0x1C00, s0;
	s26 =	sshll.u32 s1, $0x1;
	s4 =	sand.u32 $0x6000, s4;
	v8 =	vld [tilespmem:s28+$0x3C0];
	v3 =	vmul.f32 $3.200000000e+01, v3;
	[tilespmem:s30+$0x3D0] =	vst v7  }
.Ltmp9:
0x3d3: {  	s26 =	sand.u32 $0x380, s26;
	s4 =	sor.u32 s25, s4;
	v4 =	vmul.f32 $3.200000000e+01, v4;
	v7 =	vld [tilespmem:s28+$0x3D0];
	[tilespmem:s30+$0x3E0] =	vst v5;
	(pc) =	sbr.rel @p0 .LBB2_20-.Ltmp9, $4  }
0x3d4: {  	s30 =	smov.u32 s28;
	v6 =	vmul.f32 $3.200000000e+01, v6;
	v5 =	vld [tilespmem:s28+$0x3E0];
	[tilespmem:s28+$0x3F0] =	vst v3;
	s28 =	sor.u32 s4, s26  }
0x3d5: {  	v3 =	vld [tilespmem:s28+$0x3F0];
	[tilespmem:s30+$0x380] =	vst v4;
	v10 =	vmul.f32 $3.200000000e+01, v10  }
0x3d6: {  	v4 =	vld [tilespmem:s28+$0x380];
	[tilespmem:s30+$0x390] =	vst v6;
	v9 =	vmul.f32 $3.200000000e+01, v9  }
0x3d7: {  	v6 =	vld [tilespmem:s28+$0x390];
	[tilespmem:s30+$0x3A0] =	vst v10;
	v8 =	vmul.f32 $3.200000000e+01, v8  }
0x3d8: {  	v10 =	vld [tilespmem:s28+$0x3A0];
	[tilespmem:s30+$0x3B0] =	vst v9;
	v7 =	vmul.f32 $3.200000000e+01, v7  }
0x3d9: {  	v9 =	vld [tilespmem:s28+$0x3B0];
	[tilespmem:s30+$0x3C0] =	vst v8;
	v5 =	vmul.f32 $3.200000000e+01, v5  }
0x3da: {  	v8 =	vld [tilespmem:s28+$0x3C0];
	v3 =	vmul.f32 $3.200000000e+01, v3;
	[tilespmem:s30+$0x3D0] =	vst v7  }
0x3db: {  	v7 =	vld [tilespmem:s28+$0x3D0];
	v4 =	vmul.f32 $3.200000000e+01, v4;
	[tilespmem:s30+$0x3E0] =	vst v5  }
0x3dc: {  	v5 =	vmul.f32 $3.200000000e+01, v6;
	v6 =	vld [tilespmem:s28+$0x3E0];
	[tilespmem:s28+$0x3F0] =	vst v3  }
0x3dd: {  	[tilespmem:s28+$0x380] =	vst v4;
	v3 =	vmul.f32 $3.200000000e+01, v10  }
0x3de: {  	v4 =	vmul.f32 $3.200000000e+01, v9;
	[tilespmem:s28+$0x390] =	vst v5  }
0x3df: {  	[tilespmem:s28+$0x3A0] =	vst v3;
	v3 =	vmul.f32 $3.200000000e+01, v8  }
0x3e0: {  	[tilespmem:s28+$0x3B0] =	vst v4;
	v4 =	vmul.f32 $3.200000000e+01, v7  }
0x3e1: {  	[tilespmem:s28+$0x3C0] =	vst v3;
	v3 =	vmul.f32 $3.200000000e+01, v6  }
0x3e2: {  	[tilespmem:s28+$0x3D0] =	vst v4  }
0x3e3: {  	[tilespmem:s28+$0x3E0] =	vst v3  }
0x3e4: {  	s0 =	simm.s32 $0x0;
	s1 =	rddreg [dreg:$0xe]  }
0x3e5: {  	[hbm4b:s1+s0] =	stream.linear.scatter [tilespmem:s29], [sflag:$0x4], $0x8000, $0x38;
	[tilespmem:$0x18380] =	vst v63  }
0x3e6: {  	_ =	swait.ge [sflag:s18], $0x8000  }
0x3e7: {  	[sflag:s18] =	ssyncset.done $0x0  }
0x3e8: {  	[sflag:s18] =	ssyncadd.s32 $0xFFFF8000  }
0x3e9: {  	_ =	swait.ge [sflag:s19], $0x8000  }
0x3ea: {  	[sflag:s19] =	ssyncset.done $0x0  }
0x3eb: {  	[sflag:s19] =	ssyncadd.s32 $0xFFFF8000  }
0x3ec: {  	v3 =	vld [tilespmem:$0x180];
	_ =	sdelay $0x4  }
0x3ed: {  	v4 =	vshll.u32 v3, $0x3  }
0x3ee: {  	v5 =	vand.u32 $0x7, v3;
	v4 =	vand.u32 $0xFFFFFFC0, v4  }
0x3ef: {  	v4 =	vor.u32 v5, v4  }
0x3f0: {  	v5 =	vperm.xlane v4, v0  }
0x3f1: {  	v6 =	vld [tilespmem:$0x190]  }
0x3f2: {  	v5 =	vadd.s32 v1, v5;
	_ =	sdelay $0x2  }
0x3f3: {  	[tilespmem:$0x200] =	vst v3  }
0x3f4: {  	[tilespmem:$0x210] =	vst v6  }
0x3f5: {  	[tilespmem:s29], [sflag:$0x1] =	stream.indirect_vreg.gather [hbm4b:s2+s0], $0x80, v5, vm0, $0xb8;
	[tilespmem:$0x18380] =	vst v63  }
0x3f6: {  	s25 =	simm.s32 $0xB80;
	v3 =	vperm.xlane v4, v2  }
0x3f7: {  	[tilespmem:s25], [sflag:$0x1] =	stream.indirect_vreg.gather [hbm4b:s5+s0], $0x80, v5, vm0, $0xb8;
	[tilespmem:$0x18380] =	vst v63  }
0x3f8: {  	s26 =	simm.s32 $0x1380;
	v3 =	vadd.s32 v1, v3  }
0x3f9: {  	[tilespmem:s26], [sflag:$0x1] =	stream.indirect_vreg.gather [hbm4b:s6+s0], $0x80, v5, vm0, $0xb8;
	[tilespmem:$0x18380] =	vst v63  }
0x3fa: {  	s31 =	simm.s32 $0x1B80  }
0x3fb: {  	[tilespmem:s31], [sflag:$0x1] =	stream.indirect_vreg.gather [hbm4b:s8+s0], $0x80, v5, vm0, $0xb8;
	[tilespmem:$0x18380] =	vst v63  }
0x3fc: {  	s4 =	simm.s32 $0x2380  }
0x3fd: {  	[tilespmem:s4], [sflag:$0x1] =	stream.indirect_vreg.gather [hbm4b:s2+s0], $0x80, v3, vm0, $0xb8;
	[tilespmem:$0x18380] =	vst v63  }
0x3fe: {  	s25 =	simm.s32 $0x2B80  }
0x3ff: {  	[tilespmem:s25], [sflag:$0x1] =	stream.indirect_vreg.gather [hbm4b:s5+s0], $0x80, v3, vm0, $0xb8;
	[tilespmem:$0x18380] =	vst v63  }
0x400: {  	s26 =	simm.s32 $0x3380  }
0x401: {  	[tilespmem:s26], [sflag:$0x1] =	stream.indirect_vreg.gather [hbm4b:s6+s0], $0x80, v3, vm0, $0xb8;
	[tilespmem:$0x18380] =	vst v63  }
0x402: {  	s31 =	simm.s32 $0x3B80  }
0x403: {  	[tilespmem:s31], [sflag:$0x1] =	stream.indirect_vreg.gather [hbm4b:s8+s0], $0x80, v3, vm0, $0xb8;
	[tilespmem:$0x18380] =	vst v63  }
0x404: {  	v3 =	vld [tilespmem:$0x210];
	_ =	sdelay $0x4  }
0x405: {  	v4 =	vshll.u32 v3, $0x3  }
0x406: {  	v3 =	vand.u32 $0x7, v3;
	v4 =	vand.u32 $0xFFFFFFC0, v4  }
0x407: {  	v3 =	vor.u32 v3, v4  }
0x408: {  	v4 =	vperm.xlane v3, v0;
	_ =	sdelay $0x1  }
0x409: {  	v4 =	vadd.s32 v1, v4;
	_ =	sdelay $0x4  }
0x40a: {  	[tilespmem:s9], [sflag:$0x1] =	stream.indirect_vreg.gather [hbm4b:s2+s0], $0x80, v4, vm0, $0xb8;
	[tilespmem:$0x18380] =	vst v63  }
0x40b: {  	v3 =	vperm.xlane v3, v2  }
0x40c: {  	[tilespmem:s10], [sflag:$0x1] =	stream.indirect_vreg.gather [hbm4b:s5+s0], $0x80, v4, vm0, $0xb8;
	[tilespmem:$0x18380] =	vst v63  }
0x40d: {  	v3 =	vadd.s32 v1, v3  }
0x40e: {  	[tilespmem:s11], [sflag:$0x1] =	stream.indirect_vreg.gather [hbm4b:s6+s0], $0x80, v4, vm0, $0xb8;
	[tilespmem:$0x18380] =	vst v63  }
0x40f: {  	_ = 	snop  }
0x410: {  	[tilespmem:s12], [sflag:$0x1] =	stream.indirect_vreg.gather [hbm4b:s8+s0], $0x80, v4, vm0, $0xb8;
	[tilespmem:$0x18380] =	vst v63  }
0x411: {  	_ = 	snop  }
0x412: {  	[tilespmem:s13], [sflag:$0x1] =	stream.indirect_vreg.gather [hbm4b:s2+s0], $0x80, v3, vm0, $0xb8;
	[tilespmem:$0x18380] =	vst v63  }
0x413: {  	_ = 	snop  }
0x414: {  	[tilespmem:s14], [sflag:$0x1] =	stream.indirect_vreg.gather [hbm4b:s5+s0], $0x80, v3, vm0, $0xb8;
	[tilespmem:$0x18380] =	vst v63  }
0x415: {  	_ = 	snop  }
0x416: {  	[tilespmem:s15], [sflag:$0x1] =	stream.indirect_vreg.gather [hbm4b:s6+s0], $0x80, v3, vm0, $0xb8;
	[tilespmem:$0x18380] =	vst v63  }
0x417: {  	s4 =	simm.s32 $0x0  }
0x418: {  	[tilespmem:s16], [sflag:$0x1] =	stream.indirect_vreg.gather [hbm4b:s8+s0], $0x80, v3, vm0, $0xb8;
	[tilespmem:$0x18380] =	vst v63  }
0x419: {  	s1 =	sand.u32 $0x6000, s4;
	s4 =	simm.s32 $0x0;
	s0 =	sand.u32 $0x1C00, s0  }
0x41a: {  	s4 =	sand.u32 $0x380, s4;
	s0 =	sor.u32 s0, s1  }
0x41b: {  	s30 =	sor.u32 s0, s4  }
0x41c: {  	v3 =	vld [tilespmem:s30+$0x83F0]  }
0x41d: {  	v4 =	vld [tilespmem:s30+$0x8380]  }
0x41e: {  	v5 =	vld [tilespmem:s30+$0x8390]  }
0x41f: {  	v6 =	vld [tilespmem:s30+$0x83A0]  }
0x420: {  	s25 =	simm.s32 $0x80;
	s0 =	simm.s32 $0x400;
	v8 =	vld [tilespmem:s30+$0x83B0]  }
0x421: {  	s1 =	sand.u32 $0x6000, s25;
	s25 =	simm.s32 $0x10;
	s26 =	sand.u32 $0x1C00, s0;
	v10 =	vld [tilespmem:s30+$0x83C0];
	v3 =	vmul.f32 $3.200000000e+01, v3  }
0x422: {  	s31 =	sand.u32 $0x380, s25;
	v7 =	vld [tilespmem:s30+$0x83D0];
	s1 =	sor.u32 s26, s1;
	v4 =	vmul.f32 $3.200000000e+01, v4  }
0x423: {  	s28 =	sor.u32 s1, s31;
	v9 =	vmul.f32 $3.200000000e+01, v5;
	v5 =	vld [tilespmem:s30+$0x83E0];
	[tilespmem:s30+$0x83F0] =	vst v3  }
0x424: {  	v11 =	vmul.f32 $3.200000000e+01, v6;
	v3 =	vld [tilespmem:s28+$0x83F0];
	[tilespmem:s30+$0x8380] =	vst v4  }
0x425: {  	v4 =	vld [tilespmem:s28+$0x8380];
	[tilespmem:s30+$0x8390] =	vst v9;
	v9 =	vmul.f32 $3.200000000e+01, v8  }
0x426: {  	s1 =	simm.s32 $0x8;
	v6 =	vld [tilespmem:s28+$0x8390];
	[tilespmem:s30+$0x83A0] =	vst v11;
	v8 =	vmul.f32 $3.200000000e+01, v10  }
.LBB2_22:
0x427: {  	s1 =	sadd.s32 $0x8, s1;
	v10 =	vld [tilespmem:s28+$0x83A0];
	[tilespmem:s30+$0x83B0] =	vst v9;
	v7 =	vmul.f32 $3.200000000e+01, v7  }
0x428: {  	s0 =	sadd.s32 $0x400, s0;
	s4 =	sshll.u32 s1, $0x4;
	p0 =	slt.u32 s1, $0x7F8;
	v9 =	vld [tilespmem:s28+$0x83B0];
	[tilespmem:s30+$0x83C0] =	vst v8;
	v5 =	vmul.f32 $3.200000000e+01, v5  }
0x429: {  	s25 =	sand.u32 $0x1C00, s0;
	s26 =	sshll.u32 s1, $0x1;
	s4 =	sand.u32 $0x6000, s4;
	v8 =	vld [tilespmem:s28+$0x83C0];
	v3 =	vmul.f32 $3.200000000e+01, v3;
	[tilespmem:s30+$0x83D0] =	vst v7  }
.Ltmp10:
0x42a: {  	s26 =	sand.u32 $0x380, s26;
	s4 =	sor.u32 s25, s4;
	v4 =	vmul.f32 $3.200000000e+01, v4;
	v7 =	vld [tilespmem:s28+$0x83D0];
	[tilespmem:s30+$0x83E0] =	vst v5;
	(pc) =	sbr.rel @p0 .LBB2_22-.Ltmp10, $4  }
0x42b: {  	s30 =	smov.u32 s28;
	v6 =	vmul.f32 $3.200000000e+01, v6;
	v5 =	vld [tilespmem:s28+$0x83E0];
	[tilespmem:s28+$0x83F0] =	vst v3;
	s28 =	sor.u32 s4, s26  }
0x42c: {  	v3 =	vld [tilespmem:s28+$0x83F0];
	[tilespmem:s30+$0x8380] =	vst v4;
	v10 =	vmul.f32 $3.200000000e+01, v10  }
0x42d: {  	v4 =	vld [tilespmem:s28+$0x8380];
	[tilespmem:s30+$0x8390] =	vst v6;
	v9 =	vmul.f32 $3.200000000e+01, v9  }
0x42e: {  	v6 =	vld [tilespmem:s28+$0x8390];
	[tilespmem:s30+$0x83A0] =	vst v10;
	v8 =	vmul.f32 $3.200000000e+01, v8  }
0x42f: {  	v10 =	vld [tilespmem:s28+$0x83A0];
	[tilespmem:s30+$0x83B0] =	vst v9;
	v7 =	vmul.f32 $3.200000000e+01, v7  }
0x430: {  	v9 =	vld [tilespmem:s28+$0x83B0];
	[tilespmem:s30+$0x83C0] =	vst v8;
	v5 =	vmul.f32 $3.200000000e+01, v5  }
0x431: {  	v8 =	vld [tilespmem:s28+$0x83C0];
	v3 =	vmul.f32 $3.200000000e+01, v3;
	[tilespmem:s30+$0x83D0] =	vst v7  }
0x432: {  	v7 =	vld [tilespmem:s28+$0x83D0];
	v4 =	vmul.f32 $3.200000000e+01, v4;
	[tilespmem:s30+$0x83E0] =	vst v5  }
0x433: {  	v5 =	vmul.f32 $3.200000000e+01, v6;
	v6 =	vld [tilespmem:s28+$0x83E0];
	[tilespmem:s28+$0x83F0] =	vst v3  }
0x434: {  	[tilespmem:s28+$0x8380] =	vst v4;
	v3 =	vmul.f32 $3.200000000e+01, v10  }
0x435: {  	v4 =	vmul.f32 $3.200000000e+01, v9;
	[tilespmem:s28+$0x8390] =	vst v5  }
0x436: {  	[tilespmem:s28+$0x83A0] =	vst v3;
	v3 =	vmul.f32 $3.200000000e+01, v8  }
0x437: {  	[tilespmem:s28+$0x83B0] =	vst v4;
	v4 =	vmul.f32 $3.200000000e+01, v7  }
0x438: {  	[tilespmem:s28+$0x83C0] =	vst v3;
	v3 =	vmul.f32 $3.200000000e+01, v6  }
0x439: {  	[tilespmem:s28+$0x83D0] =	vst v4  }
0x43a: {  	[tilespmem:s28+$0x83E0] =	vst v3  }
0x43b: {  	s0 =	simm.s32 $0x0;
	s1 =	rddreg [dreg:$0xf]  }
0x43c: {  	[hbm4b:s1+s0] =	stream.linear.scatter [tilespmem:s17], [sflag:$0x5], $0x8000, $0x38;
	[tilespmem:$0x18380] =	vst v63  }
0x43d: {  	_ =	swait.ge [sflag:s20], $0x8000  }
0x43e: {  	[sflag:s20] =	ssyncset.done $0x0  }
0x43f: {  	[sflag:s20] =	ssyncadd.s32 $0xFFFF8000  }
0x440: {  	_ =	swait.ge [sflag:s21], $0x8000  }
0x441: {  	[sflag:s21] =	ssyncset.done $0x0  }
0x442: {  	[sflag:s21] =	ssyncadd.s32 $0xFFFF8000  }
0x443: {  	v3 =	vld [tilespmem:$0x1A0];
	_ =	sdelay $0x4  }
0x444: {  	v4 =	vshll.u32 v3, $0x3  }
0x445: {  	v5 =	vand.u32 $0x7, v3;
	v4 =	vand.u32 $0xFFFFFFC0, v4  }
0x446: {  	v4 =	vor.u32 v5, v4  }
0x447: {  	v5 =	vperm.xlane v4, v0  }
0x448: {  	v6 =	vld [tilespmem:$0x1B0]  }
0x449: {  	v5 =	vadd.s32 v1, v5;
	_ =	sdelay $0x2  }
0x44a: {  	[tilespmem:$0x280] =	vst v3  }
0x44b: {  	[tilespmem:$0x290] =	vst v6  }
0x44c: {  	[tilespmem:s17], [sflag:$0x2] =	stream.indirect_vreg.gather [hbm4b:s2+s0], $0x80, v5, vm0, $0xb8;
	[tilespmem:$0x18380] =	vst v63  }
0x44d: {  	s4 =	simm.s32 $0x8B80;
	v3 =	vperm.xlane v4, v2  }
0x44e: {  	[tilespmem:s4], [sflag:$0x2] =	stream.indirect_vreg.gather [hbm4b:s5+s0], $0x80, v5, vm0, $0xb8;
	[tilespmem:$0x18380] =	vst v63  }
0x44f: {  	s25 =	simm.s32 $0x9380;
	v3 =	vadd.s32 v1, v3  }
0x450: {  	[tilespmem:s25], [sflag:$0x2] =	stream.indirect_vreg.gather [hbm4b:s6+s0], $0x80, v5, vm0, $0xb8;
	[tilespmem:$0x18380] =	vst v63  }
0x451: {  	s26 =	simm.s32 $0x9B80  }
0x452: {  	[tilespmem:s26], [sflag:$0x2] =	stream.indirect_vreg.gather [hbm4b:s8+s0], $0x80, v5, vm0, $0xb8;
	[tilespmem:$0x18380] =	vst v63  }
0x453: {  	s4 =	simm.s32 $0xA380  }
0x454: {  	[tilespmem:s4], [sflag:$0x2] =	stream.indirect_vreg.gather [hbm4b:s2+s0], $0x80, v3, vm0, $0xb8;
	[tilespmem:$0x18380] =	vst v63  }
0x455: {  	s25 =	simm.s32 $0xAB80  }
0x456: {  	[tilespmem:s25], [sflag:$0x2] =	stream.indirect_vreg.gather [hbm4b:s5+s0], $0x80, v3, vm0, $0xb8;
	[tilespmem:$0x18380] =	vst v63  }
0x457: {  	s26 =	simm.s32 $0xB380  }
0x458: {  	[tilespmem:s26], [sflag:$0x2] =	stream.indirect_vreg.gather [hbm4b:s6+s0], $0x80, v3, vm0, $0xb8;
	[tilespmem:$0x18380] =	vst v63  }
0x459: {  	s4 =	simm.s32 $0xBB80  }
0x45a: {  	[tilespmem:s4], [sflag:$0x2] =	stream.indirect_vreg.gather [hbm4b:s8+s0], $0x80, v3, vm0, $0xb8;
	[tilespmem:$0x18380] =	vst v63  }
0x45b: {  	v3 =	vld [tilespmem:$0x290];
	_ =	sdelay $0x4  }
0x45c: {  	v4 =	vshll.u32 v3, $0x3  }
0x45d: {  	v3 =	vand.u32 $0x7, v3;
	v4 =	vand.u32 $0xFFFFFFC0, v4  }
0x45e: {  	v3 =	vor.u32 v3, v4  }
0x45f: {  	v4 =	vperm.xlane v3, v0;
	_ =	sdelay $0x1  }
0x460: {  	v4 =	vadd.s32 v1, v4;
	_ =	sdelay $0x3  }
0x461: {  	s25 =	simm.s32 $0xC380  }
0x462: {  	[tilespmem:s25], [sflag:$0x2] =	stream.indirect_vreg.gather [hbm4b:s2+s0], $0x80, v4, vm0, $0xb8;
	[tilespmem:$0x18380] =	vst v63  }
0x463: {  	s26 =	simm.s32 $0xCB80;
	v3 =	vperm.xlane v3, v2  }
0x464: {  	[tilespmem:s26], [sflag:$0x2] =	stream.indirect_vreg.gather [hbm4b:s5+s0], $0x80, v4, vm0, $0xb8;
	[tilespmem:$0x18380] =	vst v63  }
0x465: {  	s4 =	simm.s32 $0xD380;
	v3 =	vadd.s32 v1, v3  }
0x466: {  	[tilespmem:s4], [sflag:$0x2] =	stream.indirect_vreg.gather [hbm4b:s6+s0], $0x80, v4, vm0, $0xb8;
	[tilespmem:$0x18380] =	vst v63  }
0x467: {  	s25 =	simm.s32 $0xDB80  }
0x468: {  	[tilespmem:s25], [sflag:$0x2] =	stream.indirect_vreg.gather [hbm4b:s8+s0], $0x80, v4, vm0, $0xb8;
	[tilespmem:$0x18380] =	vst v63  }
0x469: {  	s26 =	simm.s32 $0xE380  }
0x46a: {  	[tilespmem:s26], [sflag:$0x2] =	stream.indirect_vreg.gather [hbm4b:s2+s0], $0x80, v3, vm0, $0xb8;
	[tilespmem:$0x18380] =	vst v63  }
0x46b: {  	s4 =	simm.s32 $0xEB80  }
0x46c: {  	[tilespmem:s4], [sflag:$0x2] =	stream.indirect_vreg.gather [hbm4b:s5+s0], $0x80, v3, vm0, $0xb8;
	[tilespmem:$0x18380] =	vst v63  }
0x46d: {  	s25 =	simm.s32 $0xF380  }
0x46e: {  	[tilespmem:s25], [sflag:$0x2] =	stream.indirect_vreg.gather [hbm4b:s6+s0], $0x80, v3, vm0, $0xb8;
	[tilespmem:$0x18380] =	vst v63  }
0x46f: {  	s26 =	simm.s32 $0xFB80;
	s4 =	simm.s32 $0x0  }
0x470: {  	[tilespmem:s26], [sflag:$0x2] =	stream.indirect_vreg.gather [hbm4b:s8+s0], $0x80, v3, vm0, $0xb8;
	[tilespmem:$0x18380] =	vst v63  }
0x471: {  	s1 =	sand.u32 $0x6000, s4;
	s4 =	simm.s32 $0x0;
	s0 =	sand.u32 $0x1C00, s0  }
0x472: {  	s4 =	sand.u32 $0x380, s4;
	s0 =	sor.u32 s0, s1  }
0x473: {  	s1 =	sor.u32 s0, s4  }
0x474: {  	s28 =	sadd.s32 $0x10380, s1;
	v3 =	vld [tilespmem:s1+$0x10380]  }
0x475: {  	v4 =	vld [tilespmem:s28+$0x70]  }
0x476: {  	v6 =	vld [tilespmem:s28+$0x10]  }
0x477: {  	v8 =	vld [tilespmem:s28+$0x20]  }
0x478: {  	s25 =	simm.s32 $0x80;
	s0 =	simm.s32 $0x400;
	v9 =	vld [tilespmem:s28+$0x30]  }
0x479: {  	s26 =	simm.s32 $0x10;
	s4 =	sand.u32 $0x6000, s25;
	s25 =	sand.u32 $0x1C00, s0;
	v10 =	vld [tilespmem:s28+$0x40];
	v3 =	vmul.f32 $3.200000000e+01, v3  }
0x47a: {  	s26 =	sand.u32 $0x380, s26;
	s4 =	sor.u32 s25, s4;
	v5 =	vld [tilespmem:s28+$0x50];
	v4 =	vmul.f32 $3.200000000e+01, v4  }
0x47b: {  	s31 =	sor.u32 s4, s26;
	v11 =	vmul.f32 $3.200000000e+01, v6;
	v6 =	vld [tilespmem:s28+$0x60];
	[tilespmem:s1+$0x10380] =	vst v3  }
0x47c: {  	s30 =	sadd.s32 $0x10380, s31;
	v7 =	vld [tilespmem:s31+$0x10380];
	v8 =	vmul.f32 $3.200000000e+01, v8;
	[tilespmem:s28+$0x70] =	vst v4  }
0x47d: {  	v9 =	vmul.f32 $3.200000000e+01, v9;
	v3 =	vld [tilespmem:s30+$0x70];
	[tilespmem:s28+$0x10] =	vst v11  }
0x47e: {  	s1 =	simm.s32 $0x8;
	v4 =	vld [tilespmem:s30+$0x10];
	[tilespmem:s28+$0x20] =	vst v8;
	v8 =	vmul.f32 $3.200000000e+01, v10  }
.LBB2_24:
0x47f: {  	s1 =	sadd.s32 $0x8, s1;
	v10 =	vld [tilespmem:s30+$0x20];
	[tilespmem:s28+$0x30] =	vst v9;
	v5 =	vmul.f32 $3.200000000e+01, v5  }
0x480: {  	s0 =	sadd.s32 $0x400, s0;
	s4 =	sshll.u32 s1, $0x4;
	p0 =	slt.u32 s1, $0x7F8;
	v9 =	vld [tilespmem:s30+$0x30];
	[tilespmem:s28+$0x40] =	vst v8;
	v6 =	vmul.f32 $3.200000000e+01, v6  }
0x481: {  	s25 =	sand.u32 $0x1C00, s0;
	s26 =	sshll.u32 s1, $0x1;
	s4 =	sand.u32 $0x6000, s4;
	v7 =	vmul.f32 $3.200000000e+01, v7;
	v8 =	vld [tilespmem:s30+$0x40];
	[tilespmem:s28+$0x50] =	vst v5  }
.Ltmp11:
0x482: {  	s26 =	sand.u32 $0x380, s26;
	s4 =	sor.u32 s25, s4;
	v5 =	vld [tilespmem:s30+$0x50];
	v3 =	vmul.f32 $3.200000000e+01, v3;
	[tilespmem:s28+$0x60] =	vst v6;
	(pc) =	sbr.rel @p0 .LBB2_24-.Ltmp11, $4  }
0x483: {  	s28 =	smov.u32 s30;
	[tilespmem:s31+$0x10380] =	vst v7;
	s31 =	sor.u32 s4, s26;
	v4 =	vmul.f32 $3.200000000e+01, v4;
	v6 =	vld [tilespmem:s30+$0x60]  }
0x484: {  	s30 =	sadd.s32 $0x10380, s31;
	v7 =	vld [tilespmem:s31+$0x10380];
	v10 =	vmul.f32 $3.200000000e+01, v10;
	[tilespmem:s28+$0x70] =	vst v3  }
0x485: {  	v3 =	vld [tilespmem:s30+$0x70];
	[tilespmem:s28+$0x10] =	vst v4;
	v9 =	vmul.f32 $3.200000000e+01, v9  }
0x486: {  	v4 =	vld [tilespmem:s30+$0x10];
	[tilespmem:s28+$0x20] =	vst v10;
	v8 =	vmul.f32 $3.200000000e+01, v8  }
0x487: {  	v10 =	vld [tilespmem:s30+$0x20];
	[tilespmem:s28+$0x30] =	vst v9;
	v5 =	vmul.f32 $3.200000000e+01, v5  }
0x488: {  	v9 =	vld [tilespmem:s30+$0x30];
	[tilespmem:s28+$0x40] =	vst v8;
	v6 =	vmul.f32 $3.200000000e+01, v6  }
0x489: {  	v8 =	vld [tilespmem:s30+$0x40];
	v7 =	vmul.f32 $3.200000000e+01, v7;
	[tilespmem:s28+$0x50] =	vst v5  }
0x48a: {  	v5 =	vld [tilespmem:s30+$0x50];
	v3 =	vmul.f32 $3.200000000e+01, v3;
	[tilespmem:s28+$0x60] =	vst v6  }
0x48b: {  	v6 =	vld [tilespmem:s30+$0x60];
	[tilespmem:s31+$0x10380] =	vst v7;
	v4 =	vmul.f32 $3.200000000e+01, v4  }
0x48c: {  	v7 =	vmul.f32 $3.200000000e+01, v10;
	[tilespmem:s30+$0x70] =	vst v3  }
0x48d: {  	v3 =	vmul.f32 $3.200000000e+01, v9;
	[tilespmem:s30+$0x10] =	vst v4  }
0x48e: {  	v4 =	vmul.f32 $3.200000000e+01, v8;
	[tilespmem:s30+$0x20] =	vst v7  }
0x48f: {  	[tilespmem:s30+$0x30] =	vst v3;
	v3 =	vmul.f32 $3.200000000e+01, v5  }
0x490: {  	[tilespmem:s30+$0x40] =	vst v4;
	v4 =	vmul.f32 $3.200000000e+01, v6  }
0x491: {  	[tilespmem:s30+$0x50] =	vst v3  }
0x492: {  	[tilespmem:s30+$0x60] =	vst v4  }
0x493: {  	s0 =	simm.s32 $0x0;
	s1 =	rddreg [dreg:$0x10]  }
0x494: {  	[hbm4b:s1+s0] =	stream.linear.scatter [tilespmem:s7], [sflag:$0x6], $0x8000, $0x38;
	[tilespmem:$0x18380] =	vst v63  }
0x495: {  	_ =	swait.ge [sflag:s24], $0x8000  }
0x496: {  	[sflag:s24] =	ssyncset.done $0x0  }
0x497: {  	[sflag:s24] =	ssyncadd.s32 $0xFFFF8000  }
0x498: {  	_ =	swait.ge [sflag:s22], $0x8000  }
0x499: {  	[sflag:s22] =	ssyncset.done $0x0  }
0x49a: {  	[sflag:s22] =	ssyncadd.s32 $0xFFFF8000  }
0x49b: {  	v3 =	vld [tilespmem:$0x1C0];
	_ =	sdelay $0x4  }
0x49c: {  	v4 =	vshll.u32 v3, $0x3  }
0x49d: {  	v5 =	vand.u32 $0x7, v3;
	v4 =	vand.u32 $0xFFFFFFC0, v4  }
0x49e: {  	v4 =	vor.u32 v5, v4  }
0x49f: {  	v5 =	vperm.xlane v4, v0  }
0x4a0: {  	v6 =	vld [tilespmem:$0x1D0]  }
0x4a1: {  	v5 =	vadd.s32 v1, v5;
	_ =	sdelay $0x2  }
0x4a2: {  	[tilespmem:$0x300] =	vst v3  }
0x4a3: {  	[tilespmem:$0x310] =	vst v6  }
0x4a4: {  	[tilespmem:s7], [sflag:$0x3] =	stream.indirect_vreg.gather [hbm4b:s2+s0], $0x80, v5, vm0, $0xb8;
	[tilespmem:$0x18380] =	vst v63  }
0x4a5: {  	s25 =	simm.s32 $0x10B80;
	v3 =	vperm.xlane v4, v2  }
0x4a6: {  	[tilespmem:s25], [sflag:$0x3] =	stream.indirect_vreg.gather [hbm4b:s5+s0], $0x80, v5, vm0, $0xb8;
	[tilespmem:$0x18380] =	vst v63  }
0x4a7: {  	s26 =	simm.s32 $0x11380;
	v3 =	vadd.s32 v1, v3  }
0x4a8: {  	[tilespmem:s26], [sflag:$0x3] =	stream.indirect_vreg.gather [hbm4b:s6+s0], $0x80, v5, vm0, $0xb8;
	[tilespmem:$0x18380] =	vst v63  }
0x4a9: {  	s31 =	simm.s32 $0x11B80  }
0x4aa: {  	[tilespmem:s31], [sflag:$0x3] =	stream.indirect_vreg.gather [hbm4b:s8+s0], $0x80, v5, vm0, $0xb8;
	[tilespmem:$0x18380] =	vst v63  }
0x4ab: {  	s4 =	simm.s32 $0x12380  }
0x4ac: {  	[tilespmem:s4], [sflag:$0x3] =	stream.indirect_vreg.gather [hbm4b:s2+s0], $0x80, v3, vm0, $0xb8;
	[tilespmem:$0x18380] =	vst v63  }
0x4ad: {  	s25 =	simm.s32 $0x12B80  }
0x4ae: {  	[tilespmem:s25], [sflag:$0x3] =	stream.indirect_vreg.gather [hbm4b:s5+s0], $0x80, v3, vm0, $0xb8;
	[tilespmem:$0x18380] =	vst v63  }
0x4af: {  	s26 =	simm.s32 $0x13380  }
0x4b0: {  	[tilespmem:s26], [sflag:$0x3] =	stream.indirect_vreg.gather [hbm4b:s6+s0], $0x80, v3, vm0, $0xb8;
	[tilespmem:$0x18380] =	vst v63  }
0x4b1: {  	s31 =	simm.s32 $0x13B80  }
0x4b2: {  	[tilespmem:s31], [sflag:$0x3] =	stream.indirect_vreg.gather [hbm4b:s8+s0], $0x80, v3, vm0, $0xb8;
	[tilespmem:$0x18380] =	vst v63  }
0x4b3: {  	v3 =	vld [tilespmem:$0x310];
	_ =	sdelay $0x4  }
0x4b4: {  	v4 =	vshll.u32 v3, $0x3  }
0x4b5: {  	v3 =	vand.u32 $0x7, v3;
	v4 =	vand.u32 $0xFFFFFFC0, v4  }
0x4b6: {  	v3 =	vor.u32 v3, v4  }
0x4b7: {  	v4 =	vperm.xlane v3, v0;
	_ =	sdelay $0x1  }
0x4b8: {  	v4 =	vadd.s32 v1, v4;
	_ =	sdelay $0x3  }
0x4b9: {  	s4 =	simm.s32 $0x14380  }
0x4ba: {  	[tilespmem:s4], [sflag:$0x3] =	stream.indirect_vreg.gather [hbm4b:s2+s0], $0x80, v4, vm0, $0xb8;
	[tilespmem:$0x18380] =	vst v63  }
0x4bb: {  	s25 =	simm.s32 $0x14B80;
	v3 =	vperm.xlane v3, v2  }
0x4bc: {  	[tilespmem:s25], [sflag:$0x3] =	stream.indirect_vreg.gather [hbm4b:s5+s0], $0x80, v4, vm0, $0xb8;
	[tilespmem:$0x18380] =	vst v63  }
0x4bd: {  	s26 =	simm.s32 $0x15380;
	v3 =	vadd.s32 v1, v3  }
0x4be: {  	[tilespmem:s26], [sflag:$0x3] =	stream.indirect_vreg.gather [hbm4b:s6+s0], $0x80, v4, vm0, $0xb8;
	[tilespmem:$0x18380] =	vst v63  }
0x4bf: {  	s31 =	simm.s32 $0x15B80  }
0x4c0: {  	[tilespmem:s31], [sflag:$0x3] =	stream.indirect_vreg.gather [hbm4b:s8+s0], $0x80, v4, vm0, $0xb8;
	[tilespmem:$0x18380] =	vst v63  }
0x4c1: {  	s4 =	simm.s32 $0x16380  }
0x4c2: {  	[tilespmem:s4], [sflag:$0x3] =	stream.indirect_vreg.gather [hbm4b:s2+s0], $0x80, v3, vm0, $0xb8;
	[tilespmem:$0x18380] =	vst v63  }
0x4c3: {  	s25 =	simm.s32 $0x16B80  }
0x4c4: {  	[tilespmem:s25], [sflag:$0x3] =	stream.indirect_vreg.gather [hbm4b:s5+s0], $0x80, v3, vm0, $0xb8;
	[tilespmem:$0x18380] =	vst v63  }
0x4c5: {  	s26 =	simm.s32 $0x17380  }
0x4c6: {  	[tilespmem:s26], [sflag:$0x3] =	stream.indirect_vreg.gather [hbm4b:s6+s0], $0x80, v3, vm0, $0xb8;
	[tilespmem:$0x18380] =	vst v63  }
0x4c7: {  	s31 =	simm.s32 $0x17B80;
	s4 =	simm.s32 $0x0  }
0x4c8: {  	[tilespmem:s31], [sflag:$0x3] =	stream.indirect_vreg.gather [hbm4b:s8+s0], $0x80, v3, vm0, $0xb8;
	[tilespmem:$0x18380] =	vst v63  }
0x4c9: {  	s1 =	sand.u32 $0x6000, s4;
	s4 =	simm.s32 $0x0;
	s0 =	sand.u32 $0x1C00, s0  }
0x4ca: {  	s4 =	sand.u32 $0x380, s4;
	s0 =	sor.u32 s0, s1  }
0x4cb: {  	s30 =	sor.u32 s0, s4  }
0x4cc: {  	v3 =	vld [tilespmem:s30+$0x3F0]  }
0x4cd: {  	v4 =	vld [tilespmem:s30+$0x380]  }
0x4ce: {  	v5 =	vld [tilespmem:s30+$0x390]  }
0x4cf: {  	v6 =	vld [tilespmem:s30+$0x3A0]  }
0x4d0: {  	s25 =	simm.s32 $0x80;
	s0 =	simm.s32 $0x400;
	v8 =	vld [tilespmem:s30+$0x3B0]  }
0x4d1: {  	s1 =	sand.u32 $0x6000, s25;
	s25 =	simm.s32 $0x10;
	s26 =	sand.u32 $0x1C00, s0;
	v10 =	vld [tilespmem:s30+$0x3C0];
	v3 =	vmul.f32 $3.200000000e+01, v3  }
0x4d2: {  	s31 =	sand.u32 $0x380, s25;
	v7 =	vld [tilespmem:s30+$0x3D0];
	s1 =	sor.u32 s26, s1;
	v4 =	vmul.f32 $3.200000000e+01, v4  }
0x4d3: {  	s28 =	sor.u32 s1, s31;
	v9 =	vmul.f32 $3.200000000e+01, v5;
	v5 =	vld [tilespmem:s30+$0x3E0];
	[tilespmem:s30+$0x3F0] =	vst v3  }
0x4d4: {  	v11 =	vmul.f32 $3.200000000e+01, v6;
	v3 =	vld [tilespmem:s28+$0x3F0];
	[tilespmem:s30+$0x380] =	vst v4  }
0x4d5: {  	v4 =	vld [tilespmem:s28+$0x380];
	[tilespmem:s30+$0x390] =	vst v9;
	v9 =	vmul.f32 $3.200000000e+01, v8  }
0x4d6: {  	s1 =	simm.s32 $0x8;
	v6 =	vld [tilespmem:s28+$0x390];
	[tilespmem:s30+$0x3A0] =	vst v11;
	v8 =	vmul.f32 $3.200000000e+01, v10  }
.LBB2_26:
0x4d7: {  	s1 =	sadd.s32 $0x8, s1;
	v10 =	vld [tilespmem:s28+$0x3A0];
	[tilespmem:s30+$0x3B0] =	vst v9;
	v7 =	vmul.f32 $3.200000000e+01, v7  }
0x4d8: {  	s0 =	sadd.s32 $0x400, s0;
	s4 =	sshll.u32 s1, $0x4;
	p0 =	slt.u32 s1, $0x7F8;
	v9 =	vld [tilespmem:s28+$0x3B0];
	[tilespmem:s30+$0x3C0] =	vst v8;
	v5 =	vmul.f32 $3.200000000e+01, v5  }
0x4d9: {  	s25 =	sand.u32 $0x1C00, s0;
	s26 =	sshll.u32 s1, $0x1;
	s4 =	sand.u32 $0x6000, s4;
	v8 =	vld [tilespmem:s28+$0x3C0];
	v3 =	vmul.f32 $3.200000000e+01, v3;
	[tilespmem:s30+$0x3D0] =	vst v7  }
.Ltmp12:
0x4da: {  	s26 =	sand.u32 $0x380, s26;
	s4 =	sor.u32 s25, s4;
	v4 =	vmul.f32 $3.200000000e+01, v4;
	v7 =	vld [tilespmem:s28+$0x3D0];
	[tilespmem:s30+$0x3E0] =	vst v5;
	(pc) =	sbr.rel @p0 .LBB2_26-.Ltmp12, $4  }
0x4db: {  	s30 =	smov.u32 s28;
	v6 =	vmul.f32 $3.200000000e+01, v6;
	v5 =	vld [tilespmem:s28+$0x3E0];
	[tilespmem:s28+$0x3F0] =	vst v3;
	s28 =	sor.u32 s4, s26  }
0x4dc: {  	v3 =	vld [tilespmem:s28+$0x3F0];
	[tilespmem:s30+$0x380] =	vst v4;
	v10 =	vmul.f32 $3.200000000e+01, v10  }
0x4dd: {  	v4 =	vld [tilespmem:s28+$0x380];
	[tilespmem:s30+$0x390] =	vst v6;
	v9 =	vmul.f32 $3.200000000e+01, v9  }
0x4de: {  	v6 =	vld [tilespmem:s28+$0x390];
	[tilespmem:s30+$0x3A0] =	vst v10;
	v8 =	vmul.f32 $3.200000000e+01, v8  }
0x4df: {  	v10 =	vld [tilespmem:s28+$0x3A0];
	[tilespmem:s30+$0x3B0] =	vst v9;
	v7 =	vmul.f32 $3.200000000e+01, v7  }
0x4e0: {  	v9 =	vld [tilespmem:s28+$0x3B0];
	[tilespmem:s30+$0x3C0] =	vst v8;
	v5 =	vmul.f32 $3.200000000e+01, v5  }
0x4e1: {  	v8 =	vld [tilespmem:s28+$0x3C0];
	v3 =	vmul.f32 $3.200000000e+01, v3;
	[tilespmem:s30+$0x3D0] =	vst v7  }
0x4e2: {  	v7 =	vld [tilespmem:s28+$0x3D0];
	v4 =	vmul.f32 $3.200000000e+01, v4;
	[tilespmem:s30+$0x3E0] =	vst v5  }
0x4e3: {  	v5 =	vmul.f32 $3.200000000e+01, v6;
	v6 =	vld [tilespmem:s28+$0x3E0];
	[tilespmem:s28+$0x3F0] =	vst v3  }
0x4e4: {  	[tilespmem:s28+$0x380] =	vst v4;
	v3 =	vmul.f32 $3.200000000e+01, v10  }
0x4e5: {  	v4 =	vmul.f32 $3.200000000e+01, v9;
	[tilespmem:s28+$0x390] =	vst v5  }
0x4e6: {  	[tilespmem:s28+$0x3A0] =	vst v3;
	v3 =	vmul.f32 $3.200000000e+01, v8  }
0x4e7: {  	[tilespmem:s28+$0x3B0] =	vst v4;
	v4 =	vmul.f32 $3.200000000e+01, v7  }
0x4e8: {  	[tilespmem:s28+$0x3C0] =	vst v3;
	v3 =	vmul.f32 $3.200000000e+01, v6  }
0x4e9: {  	[tilespmem:s28+$0x3D0] =	vst v4  }
0x4ea: {  	[tilespmem:s28+$0x3E0] =	vst v3  }
0x4eb: {  	s0 =	simm.s32 $0x0;
	s1 =	rddreg [dreg:$0x11]  }
0x4ec: {  	[hbm4b:s1+s0] =	stream.linear.scatter [tilespmem:s29], [sflag:$0x4], $0x8000, $0x38;
	[tilespmem:$0x18380] =	vst v63  }
0x4ed: {  	_ =	swait.ge [sflag:s18], $0x8000  }
0x4ee: {  	[sflag:s18] =	ssyncset.done $0x0  }
0x4ef: {  	[sflag:s18] =	ssyncadd.s32 $0xFFFF8000  }
0x4f0: {  	_ =	swait.ge [sflag:s19], $0x8000  }
0x4f1: {  	[sflag:s19] =	ssyncset.done $0x0  }
0x4f2: {  	[sflag:s19] =	ssyncadd.s32 $0xFFFF8000  }
0x4f3: {  	v3 =	vld [tilespmem:$0x1E0];
	_ =	sdelay $0x4  }
0x4f4: {  	v4 =	vshll.u32 v3, $0x3  }
0x4f5: {  	v5 =	vand.u32 $0x7, v3;
	v4 =	vand.u32 $0xFFFFFFC0, v4  }
0x4f6: {  	v4 =	vor.u32 v5, v4  }
0x4f7: {  	v5 =	vperm.xlane v4, v0  }
0x4f8: {  	v6 =	vld [tilespmem:$0x1F0]  }
0x4f9: {  	v5 =	vadd.s32 v1, v5;
	_ =	sdelay $0x2  }
0x4fa: {  	[tilespmem:$0x200] =	vst v3  }
0x4fb: {  	[tilespmem:$0x210] =	vst v6  }
0x4fc: {  	[tilespmem:s29], [sflag:$0x1] =	stream.indirect_vreg.gather [hbm4b:s2+s0], $0x80, v5, vm0, $0xb8;
	[tilespmem:$0x18380] =	vst v63  }
0x4fd: {  	s25 =	simm.s32 $0xB80;
	v3 =	vperm.xlane v4, v2  }
0x4fe: {  	[tilespmem:s25], [sflag:$0x1] =	stream.indirect_vreg.gather [hbm4b:s5+s0], $0x80, v5, vm0, $0xb8;
	[tilespmem:$0x18380] =	vst v63  }
0x4ff: {  	s26 =	simm.s32 $0x1380;
	v3 =	vadd.s32 v1, v3  }
0x500: {  	[tilespmem:s26], [sflag:$0x1] =	stream.indirect_vreg.gather [hbm4b:s6+s0], $0x80, v5, vm0, $0xb8;
	[tilespmem:$0x18380] =	vst v63  }
0x501: {  	s31 =	simm.s32 $0x1B80  }
0x502: {  	[tilespmem:s31], [sflag:$0x1] =	stream.indirect_vreg.gather [hbm4b:s8+s0], $0x80, v5, vm0, $0xb8;
	[tilespmem:$0x18380] =	vst v63  }
0x503: {  	s4 =	simm.s32 $0x2380  }
0x504: {  	[tilespmem:s4], [sflag:$0x1] =	stream.indirect_vreg.gather [hbm4b:s2+s0], $0x80, v3, vm0, $0xb8;
	[tilespmem:$0x18380] =	vst v63  }
0x505: {  	s25 =	simm.s32 $0x2B80  }
0x506: {  	[tilespmem:s25], [sflag:$0x1] =	stream.indirect_vreg.gather [hbm4b:s5+s0], $0x80, v3, vm0, $0xb8;
	[tilespmem:$0x18380] =	vst v63  }
0x507: {  	s26 =	simm.s32 $0x3380  }
0x508: {  	[tilespmem:s26], [sflag:$0x1] =	stream.indirect_vreg.gather [hbm4b:s6+s0], $0x80, v3, vm0, $0xb8;
	[tilespmem:$0x18380] =	vst v63  }
0x509: {  	s31 =	simm.s32 $0x3B80  }
0x50a: {  	[tilespmem:s31], [sflag:$0x1] =	stream.indirect_vreg.gather [hbm4b:s8+s0], $0x80, v3, vm0, $0xb8;
	[tilespmem:$0x18380] =	vst v63  }
0x50b: {  	v3 =	vld [tilespmem:$0x210];
	_ =	sdelay $0x4  }
0x50c: {  	v4 =	vshll.u32 v3, $0x3  }
0x50d: {  	v3 =	vand.u32 $0x7, v3;
	v4 =	vand.u32 $0xFFFFFFC0, v4  }
0x50e: {  	v3 =	vor.u32 v3, v4  }
0x50f: {  	v4 =	vperm.xlane v3, v0;
	_ =	sdelay $0x1  }
0x510: {  	v4 =	vadd.s32 v1, v4;
	_ =	sdelay $0x4  }
0x511: {  	[tilespmem:s9], [sflag:$0x1] =	stream.indirect_vreg.gather [hbm4b:s2+s0], $0x80, v4, vm0, $0xb8;
	[tilespmem:$0x18380] =	vst v63  }
0x512: {  	v3 =	vperm.xlane v3, v2  }
0x513: {  	[tilespmem:s10], [sflag:$0x1] =	stream.indirect_vreg.gather [hbm4b:s5+s0], $0x80, v4, vm0, $0xb8;
	[tilespmem:$0x18380] =	vst v63  }
0x514: {  	v3 =	vadd.s32 v1, v3  }
0x515: {  	[tilespmem:s11], [sflag:$0x1] =	stream.indirect_vreg.gather [hbm4b:s6+s0], $0x80, v4, vm0, $0xb8;
	[tilespmem:$0x18380] =	vst v63  }
0x516: {  	_ = 	snop  }
0x517: {  	[tilespmem:s12], [sflag:$0x1] =	stream.indirect_vreg.gather [hbm4b:s8+s0], $0x80, v4, vm0, $0xb8;
	[tilespmem:$0x18380] =	vst v63  }
0x518: {  	_ = 	snop  }
0x519: {  	[tilespmem:s13], [sflag:$0x1] =	stream.indirect_vreg.gather [hbm4b:s2+s0], $0x80, v3, vm0, $0xb8;
	[tilespmem:$0x18380] =	vst v63  }
0x51a: {  	_ = 	snop  }
0x51b: {  	[tilespmem:s14], [sflag:$0x1] =	stream.indirect_vreg.gather [hbm4b:s5+s0], $0x80, v3, vm0, $0xb8;
	[tilespmem:$0x18380] =	vst v63  }
0x51c: {  	_ = 	snop  }
0x51d: {  	[tilespmem:s15], [sflag:$0x1] =	stream.indirect_vreg.gather [hbm4b:s6+s0], $0x80, v3, vm0, $0xb8;
	[tilespmem:$0x18380] =	vst v63  }
0x51e: {  	s4 =	simm.s32 $0x0  }
0x51f: {  	[tilespmem:s16], [sflag:$0x1] =	stream.indirect_vreg.gather [hbm4b:s8+s0], $0x80, v3, vm0, $0xb8;
	[tilespmem:$0x18380] =	vst v63  }
0x520: {  	s1 =	sand.u32 $0x6000, s4;
	s4 =	simm.s32 $0x0;
	s0 =	sand.u32 $0x1C00, s0  }
0x521: {  	s4 =	sand.u32 $0x380, s4;
	s0 =	sor.u32 s0, s1  }
0x522: {  	s30 =	sor.u32 s0, s4  }
0x523: {  	v3 =	vld [tilespmem:s30+$0x83F0]  }
0x524: {  	v4 =	vld [tilespmem:s30+$0x8380]  }
0x525: {  	v5 =	vld [tilespmem:s30+$0x8390]  }
0x526: {  	v6 =	vld [tilespmem:s30+$0x83A0]  }
0x527: {  	s25 =	simm.s32 $0x80;
	s0 =	simm.s32 $0x400;
	v8 =	vld [tilespmem:s30+$0x83B0]  }
0x528: {  	s1 =	sand.u32 $0x6000, s25;
	s25 =	simm.s32 $0x10;
	s26 =	sand.u32 $0x1C00, s0;
	v10 =	vld [tilespmem:s30+$0x83C0];
	v3 =	vmul.f32 $3.200000000e+01, v3  }
0x529: {  	s31 =	sand.u32 $0x380, s25;
	v7 =	vld [tilespmem:s30+$0x83D0];
	s1 =	sor.u32 s26, s1;
	v4 =	vmul.f32 $3.200000000e+01, v4  }
0x52a: {  	s28 =	sor.u32 s1, s31;
	v9 =	vmul.f32 $3.200000000e+01, v5;
	v5 =	vld [tilespmem:s30+$0x83E0];
	[tilespmem:s30+$0x83F0] =	vst v3  }
0x52b: {  	v11 =	vmul.f32 $3.200000000e+01, v6;
	v3 =	vld [tilespmem:s28+$0x83F0];
	[tilespmem:s30+$0x8380] =	vst v4  }
0x52c: {  	v4 =	vld [tilespmem:s28+$0x8380];
	[tilespmem:s30+$0x8390] =	vst v9;
	v9 =	vmul.f32 $3.200000000e+01, v8  }
0x52d: {  	s1 =	simm.s32 $0x8;
	v6 =	vld [tilespmem:s28+$0x8390];
	[tilespmem:s30+$0x83A0] =	vst v11;
	v8 =	vmul.f32 $3.200000000e+01, v10  }
.LBB2_28:
0x52e: {  	s1 =	sadd.s32 $0x8, s1;
	v10 =	vld [tilespmem:s28+$0x83A0];
	[tilespmem:s30+$0x83B0] =	vst v9;
	v7 =	vmul.f32 $3.200000000e+01, v7  }
0x52f: {  	s0 =	sadd.s32 $0x400, s0;
	s4 =	sshll.u32 s1, $0x4;
	p0 =	slt.u32 s1, $0x7F8;
	v9 =	vld [tilespmem:s28+$0x83B0];
	[tilespmem:s30+$0x83C0] =	vst v8;
	v5 =	vmul.f32 $3.200000000e+01, v5  }
0x530: {  	s25 =	sand.u32 $0x1C00, s0;
	s26 =	sshll.u32 s1, $0x1;
	s4 =	sand.u32 $0x6000, s4;
	v8 =	vld [tilespmem:s28+$0x83C0];
	v3 =	vmul.f32 $3.200000000e+01, v3;
	[tilespmem:s30+$0x83D0] =	vst v7  }
.Ltmp13:
0x531: {  	s26 =	sand.u32 $0x380, s26;
	s4 =	sor.u32 s25, s4;
	v4 =	vmul.f32 $3.200000000e+01, v4;
	v7 =	vld [tilespmem:s28+$0x83D0];
	[tilespmem:s30+$0x83E0] =	vst v5;
	(pc) =	sbr.rel @p0 .LBB2_28-.Ltmp13, $4  }
0x532: {  	s30 =	smov.u32 s28;
	v6 =	vmul.f32 $3.200000000e+01, v6;
	v5 =	vld [tilespmem:s28+$0x83E0];
	[tilespmem:s28+$0x83F0] =	vst v3;
	s28 =	sor.u32 s4, s26  }
0x533: {  	v3 =	vld [tilespmem:s28+$0x83F0];
	[tilespmem:s30+$0x8380] =	vst v4;
	v10 =	vmul.f32 $3.200000000e+01, v10  }
0x534: {  	v4 =	vld [tilespmem:s28+$0x8380];
	[tilespmem:s30+$0x8390] =	vst v6;
	v9 =	vmul.f32 $3.200000000e+01, v9  }
0x535: {  	v6 =	vld [tilespmem:s28+$0x8390];
	[tilespmem:s30+$0x83A0] =	vst v10;
	v8 =	vmul.f32 $3.200000000e+01, v8  }
0x536: {  	v10 =	vld [tilespmem:s28+$0x83A0];
	[tilespmem:s30+$0x83B0] =	vst v9;
	v7 =	vmul.f32 $3.200000000e+01, v7  }
0x537: {  	v9 =	vld [tilespmem:s28+$0x83B0];
	[tilespmem:s30+$0x83C0] =	vst v8;
	v5 =	vmul.f32 $3.200000000e+01, v5  }
0x538: {  	v8 =	vld [tilespmem:s28+$0x83C0];
	v3 =	vmul.f32 $3.200000000e+01, v3;
	[tilespmem:s30+$0x83D0] =	vst v7  }
0x539: {  	v7 =	vld [tilespmem:s28+$0x83D0];
	v4 =	vmul.f32 $3.200000000e+01, v4;
	[tilespmem:s30+$0x83E0] =	vst v5  }
0x53a: {  	v5 =	vmul.f32 $3.200000000e+01, v6;
	v6 =	vld [tilespmem:s28+$0x83E0];
	[tilespmem:s28+$0x83F0] =	vst v3  }
0x53b: {  	[tilespmem:s28+$0x8380] =	vst v4;
	v3 =	vmul.f32 $3.200000000e+01, v10  }
0x53c: {  	v4 =	vmul.f32 $3.200000000e+01, v9;
	[tilespmem:s28+$0x8390] =	vst v5  }
0x53d: {  	[tilespmem:s28+$0x83A0] =	vst v3;
	v3 =	vmul.f32 $3.200000000e+01, v8  }
0x53e: {  	[tilespmem:s28+$0x83B0] =	vst v4;
	v4 =	vmul.f32 $3.200000000e+01, v7  }
0x53f: {  	[tilespmem:s28+$0x83C0] =	vst v3;
	v3 =	vmul.f32 $3.200000000e+01, v6  }
0x540: {  	[tilespmem:s28+$0x83D0] =	vst v4  }
0x541: {  	s0 =	simm.s32 $0x0;
	[tilespmem:s28+$0x83E0] =	vst v3  }
0x542: {  	s25 =	simm.s32 $0x0;
	s4 =	simm.s32 $0x0;
	s1 =	rddreg [dreg:$0x12]  }
0x543: {  	[hbm4b:s1+s0] =	stream.linear.scatter [tilespmem:s17], [sflag:$0x5], $0x8000, $0x38;
	[tilespmem:$0x18380] =	vst v63  }
0x544: {  	s1 =	sand.u32 $0x6000, s25;
	s0 =	sand.u32 $0x1C00, s0;
	_ =	swait.ge [sflag:s20], $0x8000  }
0x545: {  	s4 =	sand.u32 $0x380, s4;
	s0 =	sor.u32 s0, s1;
	[sflag:s20] =	ssyncset.done $0x0  }
0x546: {  	s1 =	sor.u32 s0, s4;
	[sflag:s20] =	ssyncadd.s32 $0xFFFF8000  }
0x547: {  	s28 =	sadd.s32 $0x10380, s1;
	v3 =	vld [tilespmem:s1+$0x10380]  }
0x548: {  	v4 =	vld [tilespmem:s28+$0x70]  }
0x549: {  	v6 =	vld [tilespmem:s28+$0x10]  }
0x54a: {  	v8 =	vld [tilespmem:s28+$0x20]  }
0x54b: {  	s26 =	simm.s32 $0x80;
	s0 =	simm.s32 $0x400;
	v9 =	vld [tilespmem:s28+$0x30]  }
0x54c: {  	s4 =	sand.u32 $0x6000, s26;
	s26 =	simm.s32 $0x10;
	s25 =	sand.u32 $0x1C00, s0;
	v10 =	vld [tilespmem:s28+$0x40];
	v3 =	vmul.f32 $3.200000000e+01, v3  }
0x54d: {  	s26 =	sand.u32 $0x380, s26;
	s4 =	sor.u32 s25, s4;
	v5 =	vld [tilespmem:s28+$0x50];
	v4 =	vmul.f32 $3.200000000e+01, v4  }
0x54e: {  	s31 =	sor.u32 s4, s26;
	v11 =	vmul.f32 $3.200000000e+01, v6;
	v6 =	vld [tilespmem:s28+$0x60];
	[tilespmem:s1+$0x10380] =	vst v3  }
0x54f: {  	s30 =	sadd.s32 $0x10380, s31;
	v7 =	vld [tilespmem:s31+$0x10380];
	v8 =	vmul.f32 $3.200000000e+01, v8;
	[tilespmem:s28+$0x70] =	vst v4  }
0x550: {  	v9 =	vmul.f32 $3.200000000e+01, v9;
	v3 =	vld [tilespmem:s30+$0x70];
	[tilespmem:s28+$0x10] =	vst v11  }
0x551: {  	s1 =	simm.s32 $0x8;
	v4 =	vld [tilespmem:s30+$0x10];
	[tilespmem:s28+$0x20] =	vst v8;
	v8 =	vmul.f32 $3.200000000e+01, v10  }
.LBB2_30:
0x552: {  	s1 =	sadd.s32 $0x8, s1;
	v10 =	vld [tilespmem:s30+$0x20];
	[tilespmem:s28+$0x30] =	vst v9;
	v5 =	vmul.f32 $3.200000000e+01, v5  }
0x553: {  	s0 =	sadd.s32 $0x400, s0;
	s4 =	sshll.u32 s1, $0x4;
	p0 =	slt.u32 s1, $0x7F8;
	v9 =	vld [tilespmem:s30+$0x30];
	[tilespmem:s28+$0x40] =	vst v8;
	v6 =	vmul.f32 $3.200000000e+01, v6  }
0x554: {  	s25 =	sand.u32 $0x1C00, s0;
	s26 =	sshll.u32 s1, $0x1;
	s4 =	sand.u32 $0x6000, s4;
	v7 =	vmul.f32 $3.200000000e+01, v7;
	v8 =	vld [tilespmem:s30+$0x40];
	[tilespmem:s28+$0x50] =	vst v5  }
.Ltmp14:
0x555: {  	s26 =	sand.u32 $0x380, s26;
	s4 =	sor.u32 s25, s4;
	v5 =	vld [tilespmem:s30+$0x50];
	v3 =	vmul.f32 $3.200000000e+01, v3;
	[tilespmem:s28+$0x60] =	vst v6;
	(pc) =	sbr.rel @p0 .LBB2_30-.Ltmp14, $4  }
0x556: {  	s28 =	smov.u32 s30;
	[tilespmem:s31+$0x10380] =	vst v7;
	s31 =	sor.u32 s4, s26;
	v4 =	vmul.f32 $3.200000000e+01, v4;
	v6 =	vld [tilespmem:s30+$0x60]  }
0x557: {  	s30 =	sadd.s32 $0x10380, s31;
	v7 =	vld [tilespmem:s31+$0x10380];
	v10 =	vmul.f32 $3.200000000e+01, v10;
	[tilespmem:s28+$0x70] =	vst v3  }
0x558: {  	v3 =	vld [tilespmem:s30+$0x70];
	[tilespmem:s28+$0x10] =	vst v4;
	v9 =	vmul.f32 $3.200000000e+01, v9  }
0x559: {  	v4 =	vld [tilespmem:s30+$0x10];
	[tilespmem:s28+$0x20] =	vst v10;
	v8 =	vmul.f32 $3.200000000e+01, v8  }
0x55a: {  	v10 =	vld [tilespmem:s30+$0x20];
	[tilespmem:s28+$0x30] =	vst v9;
	v5 =	vmul.f32 $3.200000000e+01, v5  }
0x55b: {  	v9 =	vld [tilespmem:s30+$0x30];
	[tilespmem:s28+$0x40] =	vst v8;
	v6 =	vmul.f32 $3.200000000e+01, v6  }
0x55c: {  	v8 =	vld [tilespmem:s30+$0x40];
	v7 =	vmul.f32 $3.200000000e+01, v7;
	[tilespmem:s28+$0x50] =	vst v5  }
0x55d: {  	v5 =	vld [tilespmem:s30+$0x50];
	v3 =	vmul.f32 $3.200000000e+01, v3;
	[tilespmem:s28+$0x60] =	vst v6  }
0x55e: {  	v6 =	vld [tilespmem:s30+$0x60];
	[tilespmem:s31+$0x10380] =	vst v7;
	v4 =	vmul.f32 $3.200000000e+01, v4  }
0x55f: {  	v7 =	vmul.f32 $3.200000000e+01, v10;
	[tilespmem:s30+$0x70] =	vst v3  }
0x560: {  	v3 =	vmul.f32 $3.200000000e+01, v9;
	[tilespmem:s30+$0x10] =	vst v4  }
0x561: {  	v4 =	vmul.f32 $3.200000000e+01, v8;
	[tilespmem:s30+$0x20] =	vst v7  }
0x562: {  	[tilespmem:s30+$0x30] =	vst v3;
	v3 =	vmul.f32 $3.200000000e+01, v5  }
0x563: {  	[tilespmem:s30+$0x40] =	vst v4;
	v4 =	vmul.f32 $3.200000000e+01, v6  }
0x564: {  	[tilespmem:s30+$0x50] =	vst v3  }
0x565: {  	s0 =	simm.s32 $0x0;
	[tilespmem:s30+$0x60] =	vst v4  }
0x566: {  	s25 =	simm.s32 $0x0;
	s4 =	simm.s32 $0x0;
	s1 =	rddreg [dreg:$0x13]  }
0x567: {  	[hbm4b:s1+s0] =	stream.linear.scatter [tilespmem:s7], [sflag:$0x6], $0x8000, $0x38;
	[tilespmem:$0x18380] =	vst v63  }
0x568: {  	s1 =	sand.u32 $0x6000, s25;
	s0 =	sand.u32 $0x1C00, s0;
	_ =	swait.ge [sflag:s24], $0x8000  }
0x569: {  	s4 =	sand.u32 $0x380, s4;
	s0 =	sor.u32 s0, s1;
	[sflag:s24] =	ssyncset.done $0x0  }
0x56a: {  	s30 =	sor.u32 s0, s4;
	[sflag:s24] =	ssyncadd.s32 $0xFFFF8000  }
0x56b: {  	v3 =	vld [tilespmem:s30+$0x3F0]  }
0x56c: {  	v4 =	vld [tilespmem:s30+$0x380]  }
0x56d: {  	v5 =	vld [tilespmem:s30+$0x390]  }
0x56e: {  	v6 =	vld [tilespmem:s30+$0x3A0]  }
0x56f: {  	s26 =	simm.s32 $0x80;
	s0 =	simm.s32 $0x400;
	v8 =	vld [tilespmem:s30+$0x3B0]  }
0x570: {  	s25 =	simm.s32 $0x10;
	s1 =	sand.u32 $0x6000, s26;
	s31 =	sand.u32 $0x1C00, s0;
	v10 =	vld [tilespmem:s30+$0x3C0];
	v3 =	vmul.f32 $3.200000000e+01, v3  }
0x571: {  	s25 =	sand.u32 $0x380, s25;
	s1 =	sor.u32 s31, s1;
	v7 =	vld [tilespmem:s30+$0x3D0];
	v4 =	vmul.f32 $3.200000000e+01, v4  }
0x572: {  	s28 =	sor.u32 s1, s25;
	v9 =	vmul.f32 $3.200000000e+01, v5;
	v5 =	vld [tilespmem:s30+$0x3E0];
	[tilespmem:s30+$0x3F0] =	vst v3  }
0x573: {  	v11 =	vmul.f32 $3.200000000e+01, v6;
	v3 =	vld [tilespmem:s28+$0x3F0];
	[tilespmem:s30+$0x380] =	vst v4  }
0x574: {  	v4 =	vld [tilespmem:s28+$0x380];
	[tilespmem:s30+$0x390] =	vst v9;
	v9 =	vmul.f32 $3.200000000e+01, v8  }
0x575: {  	s1 =	simm.s32 $0x8;
	v6 =	vld [tilespmem:s28+$0x390];
	[tilespmem:s30+$0x3A0] =	vst v11;
	v8 =	vmul.f32 $3.200000000e+01, v10  }
.LBB2_32:
0x576: {  	s1 =	sadd.s32 $0x8, s1;
	v10 =	vld [tilespmem:s28+$0x3A0];
	[tilespmem:s30+$0x3B0] =	vst v9;
	v7 =	vmul.f32 $3.200000000e+01, v7  }
0x577: {  	s0 =	sadd.s32 $0x400, s0;
	s4 =	sshll.u32 s1, $0x4;
	p0 =	slt.u32 s1, $0x7F8;
	v9 =	vld [tilespmem:s28+$0x3B0];
	[tilespmem:s30+$0x3C0] =	vst v8;
	v5 =	vmul.f32 $3.200000000e+01, v5  }
0x578: {  	s25 =	sand.u32 $0x1C00, s0;
	s26 =	sshll.u32 s1, $0x1;
	s4 =	sand.u32 $0x6000, s4;
	v8 =	vld [tilespmem:s28+$0x3C0];
	v3 =	vmul.f32 $3.200000000e+01, v3;
	[tilespmem:s30+$0x3D0] =	vst v7  }
.Ltmp15:
0x579: {  	s26 =	sand.u32 $0x380, s26;
	s4 =	sor.u32 s25, s4;
	v4 =	vmul.f32 $3.200000000e+01, v4;
	v7 =	vld [tilespmem:s28+$0x3D0];
	[tilespmem:s30+$0x3E0] =	vst v5;
	(pc) =	sbr.rel @p0 .LBB2_32-.Ltmp15, $4  }
0x57a: {  	s30 =	smov.u32 s28;
	v6 =	vmul.f32 $3.200000000e+01, v6;
	v5 =	vld [tilespmem:s28+$0x3E0];
	[tilespmem:s28+$0x3F0] =	vst v3;
	s28 =	sor.u32 s4, s26  }
0x57b: {  	v3 =	vld [tilespmem:s28+$0x3F0];
	[tilespmem:s30+$0x380] =	vst v4;
	v10 =	vmul.f32 $3.200000000e+01, v10  }
0x57c: {  	v4 =	vld [tilespmem:s28+$0x380];
	[tilespmem:s30+$0x390] =	vst v6;
	v9 =	vmul.f32 $3.200000000e+01, v9  }
0x57d: {  	v6 =	vld [tilespmem:s28+$0x390];
	[tilespmem:s30+$0x3A0] =	vst v10;
	v8 =	vmul.f32 $3.200000000e+01, v8  }
0x57e: {  	v10 =	vld [tilespmem:s28+$0x3A0];
	[tilespmem:s30+$0x3B0] =	vst v9;
	v7 =	vmul.f32 $3.200000000e+01, v7  }
0x57f: {  	v57 =	vld [tilespmem:s28+$0x3B0];
	[tilespmem:s30+$0x3C0] =	vst v8;
	v5 =	vmul.f32 $3.200000000e+01, v5  }
0x580: {  	v58 =	vld [tilespmem:s28+$0x3C0];
	v3 =	vmul.f32 $3.200000000e+01, v3;
	[tilespmem:s30+$0x3D0] =	vst v7  }
0x581: {  	v59 =	vld [tilespmem:s28+$0x3D0];
	v4 =	vmul.f32 $3.200000000e+01, v4;
	[tilespmem:s30+$0x3E0] =	vst v5  }
0x582: {  	v61 =	vld [tilespmem:s28+$0x3E0];
	v60 =	vmul.f32 $3.200000000e+01, v6;
	[tilespmem:s28+$0x3F0] =	vst v3  }
0x583: {  	[tilespmem:s28+$0x380] =	vst v4;
	v3 =	vmul.f32 $3.200000000e+01, v10  }
0x584: {  	v62 =	vmul.f32 $3.200000000e+01, v57;
	[tilespmem:s28+$0x390] =	vst v60  }
0x585: {  	[tilespmem:s28+$0x3A0] =	vst v3;
	v3 =	vmul.f32 $3.200000000e+01, v58  }
0x586: {  	v63 =	vmul.f32 $3.200000000e+01, v59;
	[tilespmem:s28+$0x3B0] =	vst v62  }
0x587: {  	[tilespmem:s28+$0x3C0] =	vst v3;
	v3 =	vmul.f32 $3.200000000e+01, v61  }
0x588: {  	[tilespmem:s28+$0x3D0] =	vst v63  }
0x589: {  	[tilespmem:s28+$0x3E0] =	vst v3  }
0x58a: {  	s0 =	rddreg [dreg:$0x14]  }
0x58b: {  	[hbm4b:s0+s3] =	stream.linear.scatter [tilespmem:s29], [sflag:$0x4], $0x8000, $0x38;
	[tilespmem:$0x18380] =	vst v63  }
0x58c: {  	_ =	swait.ge [sflag:s21], $0x8000  }
0x58d: {  	[sflag:s21] =	ssyncset.done $0x0  }
0x58e: {  	[sflag:s21] =	ssyncadd.s32 $0xFFFF8000  }
0x58f: {  	_ =	swait.ge [sflag:s22], $0x8000  }
0x590: {  	[sflag:s22] =	ssyncset.done $0x0  }
0x591: {  	[sflag:s22] =	ssyncadd.s32 $0xFFFF8000  }
0x592: {  	_ =	swait.ge [sflag:s19], $0x8000  }
0x593: {  	s23 =	sadd.s32 $0x1, s23;
	s31 =	rddreg [dreg:$0x15]  }
0x594: {  	p0 =	sne.s32 s23, s31  }
.Ltmp16:
0x595: {  	_ = 	snop;
	(pc) =	sbr.rel @p0 .LBB2_1-.Ltmp16, $3  }
0x596: {  	_ =	sdelay $0x1  }
0x597: {  	[sflag:s19] =	ssyncset.done $0x0  }
0x598: {  	[sflag:s19] =	ssyncadd.s32 $0xFFFF8000  }
0x599: {  	_ =	sfence.sel $0x180000  }
0x59a: {  	[bflag:$0x0] =	sbarrier.arrive $0xFFFF  }
0x59b: {  	_ =	strace $0x90000047  }
0x59c: {  	s0 =	stileid.u32;
	[bflag:$0x2] =	sbarrier.arrive $0xFFFF  }
0x59d: {  	p0 =	sne.s32 s0, $0x0;
	s0 =	rddreg [dreg:$0x3]  }
0x59e: {  	s0 =	sadd.s32 @!p0 $0x100000, s0  }
0x59f: {  	[sflag:s0] =	ssyncadd.tile.s32 @!p0 $0x1;
	_ =	shalt  }
.Lfunc_end2:
_tile_overlayer_lowered:
.L_overlay_start_2:
0x5a0: {  	(tag) =	ssettag $0x2  }
0x5a1: {  	s0 =	rddreg [dreg:$0x0];
	s2 =	stileid.u32  }
0x5a2: {  	s1 =	rddreg [dreg:$0x1];
	p0 =	sne.s32 s2, $0x0  }
0x5a3: {  	s3 =	rddreg [dreg:$0x2];
	[bflag:$0x3] =	sbarrier.arrive $0xFFFF;
	s2 =	simm.s32 @!p0 $0x1C07  }
0x5a4: {  	[timem:s3], [sflag:s2] =	dma.local @!p0 [hbm:s0], s1  }
0x5a5: {  	s0 =	simm.s32 @!p0 $0x7  }
0x5a6: {  	_ =	swait.ge @!p0 [sflag:s0], s1  }
0x5a7: {  	s1 =	ssub.s32 @!p0 $0x0, s1;
	[sflag:s0] =	ssyncset.done @!p0 $0x0  }
0x5a8: {  	[sflag:s0] =	ssyncadd.s32 @!p0 s1  }
0x5a9: {  	[bflag:$0x3] =	sbarrier.arrive $0xFFFF  }
0x5aa: {  	_ =	shalt  }

</sc_bundles>
